<compile_context>
chip_gen: v7x
topology: tpu7x:2x2x1
jax: 0.10.2.dev20260603
libtpu: 0.0.44.dev20260713+nightly
codegen_flags: <defaults>
</compile_context>

<pallas_src>
import functools

import jax
import jax.numpy as jnp
import numpy as np
from jax import lax
from jax.experimental import pallas as pl
from jax.experimental.pallas import tpu as pltpu
from jax.experimental.pallas import tpu_sc as plsc

B = 16384
NUM = 13
CAT = 26
V = 100000
D = 64
T = 1 + NUM + CAT

NC = 2
NS = 16
NW = NC * NS
BPW = B // NW
NB = 16
NCHUNK = BPW // NB
IDXC = NB * CAT
GSUB = 4
GIDX = IDXC // GSUB
DC = D // 16


def _body(xnum_hbm, xcat_hbm, numw_hbm, numb_hbm, emb_hbm, cls_hbm, offs_hbm,
          out_hbm, offs_v, numw_v, numb_v, cls_v, idx_v, par_v, numv, catbuf,
          catsel, numbuf, sem):
    cid = lax.axis_index("c")
    sid = lax.axis_index("s")
    wid = sid * NC + cid
    base = wid * BPW

    pltpu.sync_copy(offs_hbm, offs_v)
    pltpu.sync_copy(numw_hbm, numw_v)
    pltpu.sync_copy(numb_hbm, numb_v)
    pltpu.sync_copy(cls_hbm, cls_v)

    lanes = lax.iota(jnp.int32, 16)

    def chunk(g, carry):
        b0 = base + g * NB

        pltpu.sync_copy(xcat_hbm.at[pl.ds(b0 * CAT, IDXC)], idx_v)
        one = jnp.full((16,), 1, jnp.int32)
        for k in range(IDXC // 16):
            s = pl.ds(k * 16, 16)
            flat = idx_v[s] + offs_v[s]
            idx_v[s] = lax.shift_right_logical(flat, one)
            par_v[s] = lax.bitwise_and(flat, one)

        descs = []
        for sub in range(GSUB):
            s = pl.ds(sub * GIDX, GIDX)
            descs.append(
                pltpu.async_copy(emb_hbm.at[idx_v.at[s]], catbuf.at[s], sem))

        pltpu.sync_copy(xnum_hbm.at[pl.ds(b0 * NUM, NB * NUM)], numv)

        def cls_row(b, c):
            for dc in range(DC):
                s = pl.ds(dc * 16, 16)
                numbuf[b, 0, s] = cls_v[s]
            return c

        lax.fori_loop(0, NB, cls_row, 0)

        zeros = jnp.zeros((16,), jnp.float32)
        for i in range(NUM):
            wch = [numw_v[i, pl.ds(dc * 16, 16)] for dc in range(DC)]
            bch = [numb_v[i, pl.ds(dc * 16, 16)] for dc in range(DC)]

            def num_row(b, c, i=i, wch=wch, bch=bch):
                pos = jnp.full((16,), b * NUM + i, jnp.int32)
                vb = plsc.load_gather(numv, [pos])
                nan = vb != vb
                for dc in range(DC):
                    tok = jnp.where(nan, zeros, vb * wch[dc] + bch[dc])
                    numbuf[b, i + 1, pl.ds(dc * 16, 16)] = tok
                return c

            lax.fori_loop(0, NB, num_row, 0)

        for d in descs:
            d.wait()

        def sel_row(i, c):
            par = plsc.load_gather(par_v, [jnp.full((16,), i, jnp.int32)])
            col0 = par[0] * D
            row = jnp.full((16,), i, jnp.int32)
            for dc in range(DC):
                cols = jnp.full((16,), col0 + dc * 16, jnp.int32) + lanes
                vals = plsc.load_gather(catbuf, [row, cols])
                catsel[i, pl.ds(dc * 16, 16)] = vals
            return c

        lax.fori_loop(0, IDXC, sel_row, 0)

        pltpu.sync_copy(numbuf,
                        out_hbm.at[pl.ds(b0, NB), pl.ds(0, 1 + NUM), :])

        def cat_out(b, c):
            pltpu.sync_copy(catsel.at[pl.ds(b * CAT, CAT)],
                            out_hbm.at[b0 + b, pl.ds(1 + NUM, CAT), :])
            return c

        lax.fori_loop(0, NB, cat_out, 0)
        return carry

    lax.fori_loop(0, NCHUNK, chunk, 0)


_sc_call = functools.partial(
    pl.kernel,
    out_type=jax.ShapeDtypeStruct((B, T, D), jnp.float32),
    mesh=plsc.VectorSubcoreMesh(
        core_axis_name="c", subcore_axis_name="s", num_cores=NC,
        num_subcores=NS),
    compiler_params=pltpu.CompilerParams(
        needs_layout_passes=False, use_tc_tiling_on_sc=False),
    scratch_types=[
        pltpu.VMEM((IDXC,), jnp.int32),
        pltpu.VMEM((NUM, D), jnp.float32),
        pltpu.VMEM((NUM, D), jnp.float32),
        pltpu.VMEM((D,), jnp.float32),
        pltpu.VMEM((IDXC,), jnp.int32),
        pltpu.VMEM((IDXC,), jnp.int32),
        pltpu.VMEM((NB * NUM,), jnp.float32),
        pltpu.VMEM((IDXC, 2 * D), jnp.float32),
        pltpu.VMEM((IDXC, D), jnp.float32),
        pltpu.VMEM((NB, 1 + NUM, D), jnp.float32),
        pltpu.SemaphoreType.DMA,
    ],
)


@jax.jit
def _tokenize(x_num_flat, x_cat_flat, num_w, num_b, emb_pairs, cls_flat,
              offs):
    return _sc_call(_body)(x_num_flat, x_cat_flat, num_w, num_b, emb_pairs,
                           cls_flat, offs)


def kernel(x_num, x_cat, num_w, num_b, emb, cls_token):
    x_num_flat = x_num.reshape(B * NUM)
    x_cat_flat = x_cat.reshape(B * CAT).astype(jnp.int32)
    emb_pairs = emb.reshape(CAT * V // 2, 2 * D)
    cls_flat = cls_token.reshape(D)
    offs = jnp.asarray(np.tile(np.arange(CAT, dtype=np.int32) * V, NB))
    return _tokenize(x_num_flat, x_cat_flat, num_w, num_b, emb_pairs,
                     cls_flat, offs)

# --- scband reference (transcript-rebuilt; emitter-appended) ---
"""Pipeline reference for scband-feature-tokenizer-33612414058499 (READ-ONLY COPY).

The authoritative reference and input builder live on the scoring server;
editing this copy changes nothing except your own understanding.
"""

import jax, jax.numpy as jnp
import numpy as np

B = 16384
NUM = 13
CAT = 26
V = 100000
D = 64

def setup_inputs(seed: int = 0) -> dict:
    key = jax.random.key(seed)
    ks = jax.random.split(key, 6)
    x_num = jax.random.normal(ks[0], (B, NUM), dtype=jnp.float32)
    x_cat = jax.random.randint(ks[1], (B, CAT), 0, V)
    # per-feature Linear(1, D): weight squeezed to (NUM, D), bias (NUM, D)
    num_w = jax.random.normal(ks[2], (NUM, D), dtype=jnp.float32)
    num_b = jax.random.normal(ks[3], (NUM, D), dtype=jnp.float32) * 0.1
    # 26 embedding tables, padding_idx=0 -> row 0 zeroed
    emb = jax.random.normal(ks[4], (CAT, V, D), dtype=jnp.float32) * 0.02
    emb = emb.at[:, 0, :].set(0.0)
    cls_token = jax.random.normal(ks[5], (1, 1, D), dtype=jnp.float32)
    return {"x_num": x_num, "x_cat": x_cat, "num_w": num_w, "num_b": num_b, "emb": emb, "cls_token": cls_token}

def reference(x_num, x_cat, num_w, num_b, emb, cls_token):
    Bq = x_num.shape[0]
    tokens = []
    # cls token expanded over batch
    cls_tok = jnp.broadcast_to(cls_token[0, 0], (Bq, D))
    tokens.append(cls_tok)
    # numerical tokenizers: Linear(1, D) per feature with NaN masking
    for i in range(NUM):
        v = x_num[:, i]
        nan_mask = jnp.isnan(v)
        clean = jnp.where(nan_mask, jnp.zeros_like(v), v)
        tok = clean[:, None] * num_w[i][None, :] + num_b[i][None, :]
        tok = jnp.where(nan_mask[:, None], jnp.zeros_like(tok), tok)
        tokens.append(tok)
    # categorical tokenizers: embedding lookup per field
    for j in range(CAT):
        idx = x_cat[:, j]
        tokens.append(jnp.take(emb[j], idx, axis=0))
    # stack along token dimension -> (B, 1 + NUM + CAT, D)
    return jnp.stack(tokens, axis=1)

if __name__ == "__main__":
    import jax
    _d = setup_inputs()
    print(jax.jit(kernel)(*tuple(_d.values())))

</pallas_src>

<mosaic_0001>
#map = affine_map<(d0, d1) -> (0)>
#map1 = affine_map<(d0, d1) -> (0, 0)>
#map2 = affine_map<(d0, d1) -> (0, 0, 0)>
module attributes {stable_mosaic.version = 14 : i64} {
  func.func @_body(%arg0: i32, %arg1: i32, %arg2: memref<212992xf32, #tpu.memory_space<hbm>>, %arg3: memref<425984xi32, #tpu.memory_space<hbm>>, %arg4: memref<13x64xf32, #tpu.memory_space<hbm>>, %arg5: memref<13x64xf32, #tpu.memory_space<hbm>>, %arg6: memref<1300000x128xf32, #tpu.memory_space<hbm>>, %arg7: memref<64xf32, #tpu.memory_space<hbm>>, %arg8: memref<416xi32, #tpu.memory_space<hbm>>, %arg9: memref<16384x40x64xf32, #tpu.memory_space<hbm>>, %arg10: memref<416xi32, #tpu.memory_space<vmem>>, %arg11: memref<13x64xf32, #tpu.memory_space<vmem>>, %arg12: memref<13x64xf32, #tpu.memory_space<vmem>>, %arg13: memref<64xf32, #tpu.memory_space<vmem>>, %arg14: memref<416xi32, #tpu.memory_space<vmem>>, %arg15: memref<416xi32, #tpu.memory_space<vmem>>, %arg16: memref<208xf32, #tpu.memory_space<vmem>>, %arg17: memref<416x128xf32, #tpu.memory_space<vmem>>, %arg18: memref<416x64xf32, #tpu.memory_space<vmem>>, %arg19: memref<16x14x64xf32, #tpu.memory_space<vmem>>, %arg20: memref<!tpu.dma_semaphore, #tpu.memory_space<semaphore_mem>>) attributes {dimension_semantics = [#tpu.dimension_semantics<core_parallel>, #tpu.dimension_semantics<subcore_parallel>], iteration_bounds = array<i64: 2, 16>, scalar_prefetch = 0 : i64, scratch_operands = 11 : i64, tpu.core_type = #tpu.core_type<sc_vector_subcore>, window_params = [{transform_indices = #map}, {transform_indices = #map}, {transform_indices = #map1}, {transform_indices = #map1}, {transform_indices = #map1}, {transform_indices = #map}, {transform_indices = #map}, {transform_indices = #map2}]} {
    %mul3A = arith.constant 2 : i32
    %mul3A_0 = arith.muli %arg1, %mul3A : i32
    %add3A = arith.addi %mul3A_0, %arg0 : i32
    %mul3A_1 = arith.constant 512 : i32
    %mul3A_2 = arith.muli %add3A, %mul3A_1 : i32
    "tpu.region"() ({
      %run_scoped3A = tpu.sem_alloc : memref<!tpu.dma_semaphore, #tpu.memory_space<semaphore_mem>>
      tpu.enqueue_dma source(%arg8 : memref<416xi32, #tpu.memory_space<hbm>>) target(%arg10 : memref<416xi32, #tpu.memory_space<vmem>>) target_semaphore(%run_scoped3A : memref<!tpu.dma_semaphore, #tpu.memory_space<semaphore_mem>>)
      tpu.wait_dma2 semaphore(%run_scoped3A : memref<!tpu.dma_semaphore, #tpu.memory_space<semaphore_mem>>) src(%arg8 : memref<416xi32, #tpu.memory_space<hbm>>) dst(%arg10 : memref<416xi32, #tpu.memory_space<vmem>>)
      tpu.yield
    }) : () -> ()
    "tpu.region"() ({
      %run_scoped3A = tpu.sem_alloc : memref<!tpu.dma_semaphore, #tpu.memory_space<semaphore_mem>>
      tpu.enqueue_dma source(%arg4 : memref<13x64xf32, #tpu.memory_space<hbm>>) target(%arg11 : memref<13x64xf32, #tpu.memory_space<vmem>>) target_semaphore(%run_scoped3A : memref<!tpu.dma_semaphore, #tpu.memory_space<semaphore_mem>>)
      tpu.wait_dma2 semaphore(%run_scoped3A : memref<!tpu.dma_semaphore, #tpu.memory_space<semaphore_mem>>) src(%arg4 : memref<13x64xf32, #tpu.memory_space<hbm>>) dst(%arg11 : memref<13x64xf32, #tpu.memory_space<vmem>>)
      tpu.yield
    }) : () -> ()
    "tpu.region"() ({
      %run_scoped3A = tpu.sem_alloc : memref<!tpu.dma_semaphore, #tpu.memory_space<semaphore_mem>>
      tpu.enqueue_dma source(%arg5 : memref<13x64xf32, #tpu.memory_space<hbm>>) target(%arg12 : memref<13x64xf32, #tpu.memory_space<vmem>>) target_semaphore(%run_scoped3A : memref<!tpu.dma_semaphore, #tpu.memory_space<semaphore_mem>>)
      tpu.wait_dma2 semaphore(%run_scoped3A : memref<!tpu.dma_semaphore, #tpu.memory_space<semaphore_mem>>) src(%arg5 : memref<13x64xf32, #tpu.memory_space<hbm>>) dst(%arg12 : memref<13x64xf32, #tpu.memory_space<vmem>>)
      tpu.yield
    }) : () -> ()
    "tpu.region"() ({
      %run_scoped3A = tpu.sem_alloc : memref<!tpu.dma_semaphore, #tpu.memory_space<semaphore_mem>>
      tpu.enqueue_dma source(%arg7 : memref<64xf32, #tpu.memory_space<hbm>>) target(%arg13 : memref<64xf32, #tpu.memory_space<vmem>>) target_semaphore(%run_scoped3A : memref<!tpu.dma_semaphore, #tpu.memory_space<semaphore_mem>>)
      tpu.wait_dma2 semaphore(%run_scoped3A : memref<!tpu.dma_semaphore, #tpu.memory_space<semaphore_mem>>) src(%arg7 : memref<64xf32, #tpu.memory_space<hbm>>) dst(%arg13 : memref<64xf32, #tpu.memory_space<vmem>>)
      tpu.yield
    }) : () -> ()
    %iota3A = tpu.iota {dimensions = array<i32: 0>} : vector<16xi32>
    %scan3A = arith.constant 0 : i32
    %scan3A_3 = arith.constant 0 : i32
    %scan3A_4 = arith.constant 32 : i32
    %scan3A_5 = arith.addi %scan3A_3, %scan3A_4 : i32
    %scan3A_6 = arith.constant 1 : i32
    scf.for %scan3A_8 = %scan3A_3 to %scan3A_5 step %scan3A_6  : i32 {
      %mul3A_9 = arith.constant 16 : i32
      %mul3A_10 = arith.muli %scan3A_8, %mul3A_9 : i32
      %add3A_11 = arith.addi %mul3A_2, %mul3A_10 : i32
      %mul3A_12 = arith.constant 26 : i32
      %mul3A_13 = arith.muli %add3A_11, %mul3A_12 : i32
      "tpu.region"() ({
        %run_scoped3A = tpu.sem_alloc : memref<!tpu.dma_semaphore, #tpu.memory_space<semaphore_mem>>
        %dma_start3A_875 = tpu.memref_slice %arg3[%mul3A_13] : memref<425984xi32, #tpu.memory_space<hbm>> -> memref<416xi32, #tpu.memory_space<hbm>>
        %dma_start3A_876 = tpu.memref_slice %arg3[%mul3A_13] : memref<425984xi32, #tpu.memory_space<hbm>> -> memref<416xi32, #tpu.memory_space<hbm>>
        tpu.enqueue_dma source(%dma_start3A_876 : memref<416xi32, #tpu.memory_space<hbm>>) target(%arg14 : memref<416xi32, #tpu.memory_space<vmem>>) target_semaphore(%run_scoped3A : memref<!tpu.dma_semaphore, #tpu.memory_space<semaphore_mem>>)
        %dma_wait3A_877 = tpu.memref_slice %arg3[%mul3A_13] : memref<425984xi32, #tpu.memory_space<hbm>> -> memref<416xi32, #tpu.memory_space<hbm>>
        %dma_wait3A_878 = tpu.memref_slice %arg3[%mul3A_13] : memref<425984xi32, #tpu.memory_space<hbm>> -> memref<416xi32, #tpu.memory_space<hbm>>
        tpu.wait_dma2 semaphore(%run_scoped3A : memref<!tpu.dma_semaphore, #tpu.memory_space<semaphore_mem>>) src(%dma_wait3A_878 : memref<416xi32, #tpu.memory_space<hbm>>) dst(%arg14 : memref<416xi32, #tpu.memory_space<vmem>>)
        tpu.yield
      }) : () -> ()
      %broadcast_in_dim3A = arith.constant 1 : i32
      %broadcast_in_dim3A_14 = vector.broadcast %broadcast_in_dim3A : i32 to vector<16xi32>
      %get3A = arith.constant 0 : index
      %get3A_15 = tpu.vector_load %arg14[%get3A] {strides = array<i32>} : memref<416xi32, #tpu.memory_space<vmem>>, vector<16xi32>,
      %get3A_16 = arith.constant 0 : index
      %get3A_17 = tpu.vector_load %arg10[%get3A_16] {strides = array<i32>} : memref<416xi32, #tpu.memory_space<vmem>>, vector<16xi32>,
      %add3A_18 = arith.addi %get3A_15, %get3A_17 : vector<16xi32>
      %shift_right_logical3A = arith.shrui %add3A_18, %broadcast_in_dim3A_14 : vector<16xi32>
      %swap3A = arith.constant 0 : index
      %swap3A_19 = tpu.vector_load %arg14[%swap3A] {strides = array<i32>} : memref<416xi32, #tpu.memory_space<vmem>>, vector<16xi32>,
      tpu.vector_store %arg14[%swap3A], %shift_right_logical3A {strides = array<i32>} : memref<416xi32, #tpu.memory_space<vmem>>, vector<16xi32>,
      %and3A = arith.andi %add3A_18, %broadcast_in_dim3A_14 : vector<16xi32>
      %swap3A_20 = arith.constant 0 : index
      %swap3A_21 = tpu.vector_load %arg15[%swap3A_20] {strides = array<i32>} : memref<416xi32, #tpu.memory_space<vmem>>, vector<16xi32>,
      tpu.vector_store %arg15[%swap3A_20], %and3A {strides = array<i32>} : memref<416xi32, #tpu.memory_space<vmem>>, vector<16xi32>,
      %get3A_22 = arith.constant 16 : index
      %get3A_23 = tpu.vector_load %arg14[%get3A_22] {strides = array<i32>} : memref<416xi32, #tpu.memory_space<vmem>>, vector<16xi32>,
      %get3A_24 = arith.constant 16 : index
      %get3A_25 = tpu.vector_load %arg10[%get3A_24] {strides = array<i32>} : memref<416xi32, #tpu.memory_space<vmem>>, vector<16xi32>,
      %add3A_26 = arith.addi %get3A_23, %get3A_25 : vector<16xi32>
      %shift_right_logical3A_27 = arith.shrui %add3A_26, %broadcast_in_dim3A_14 : vector<16xi32>
      %swap3A_28 = arith.constant 16 : index
      %swap3A_29 = tpu.vector_load %arg14[%swap3A_28] {strides = array<i32>} : memref<416xi32, #tpu.memory_space<vmem>>, vector<16xi32>,
      tpu.vector_store %arg14[%swap3A_28], %shift_right_logical3A_27 {strides = array<i32>} : memref<416xi32, #tpu.memory_space<vmem>>, vector<16xi32>,
      %and3A_30 = arith.andi %add3A_26, %broadcast_in_dim3A_14 : vector<16xi32>
      %swap3A_31 = arith.constant 16 : index
      %swap3A_32 = tpu.vector_load %arg15[%swap3A_31] {strides = array<i32>} : memref<416xi32, #tpu.memory_space<vmem>>, vector<16xi32>,
      tpu.vector_store %arg15[%swap3A_31], %and3A_30 {strides = array<i32>} : memref<416xi32, #tpu.memory_space<vmem>>, vector<16xi32>,
      %get3A_33 = arith.constant 32 : index
      %get3A_34 = tpu.vector_load %arg14[%get3A_33] {strides = array<i32>} : memref<416xi32, #tpu.memory_space<vmem>>, vector<16xi32>,
      %get3A_35 = arith.constant 32 : index
      %get3A_36 = tpu.vector_load %arg10[%get3A_35] {strides = array<i32>} : memref<416xi32, #tpu.memory_space<vmem>>, vector<16xi32>,
      %add3A_37 = arith.addi %get3A_34, %get3A_36 : vector<16xi32>
      %shift_right_logical3A_38 = arith.shrui %add3A_37, %broadcast_in_dim3A_14 : vector<16xi32>
      %swap3A_39 = arith.constant 32 : index
      %swap3A_40 = tpu.vector_load %arg14[%swap3A_39] {strides = array<i32>} : memref<416xi32, #tpu.memory_space<vmem>>, vector<16xi32>,
      tpu.vector_store %arg14[%swap3A_39], %shift_right_logical3A_38 {strides = array<i32>} : memref<416xi32, #tpu.memory_space<vmem>>, vector<16xi32>,
      %and3A_41 = arith.andi %add3A_37, %broadcast_in_dim3A_14 : vector<16xi32>
      %swap3A_42 = arith.constant 32 : index
      %swap3A_43 = tpu.vector_load %arg15[%swap3A_42] {strides = array<i32>} : memref<416xi32, #tpu.memory_space<vmem>>, vector<16xi32>,
      tpu.vector_store %arg15[%swap3A_42], %and3A_41 {strides = array<i32>} : memref<416xi32, #tpu.memory_space<vmem>>, vector<16xi32>,
      %get3A_44 = arith.constant 48 : index
      %get3A_45 = tpu.vector_load %arg14[%get3A_44] {strides = array<i32>} : memref<416xi32, #tpu.memory_space<vmem>>, vector<16xi32>,
      %get3A_46 = arith.constant 48 : index
      %get3A_47 = tpu.vector_load %arg10[%get3A_46] {strides = array<i32>} : memref<416xi32, #tpu.memory_space<vmem>>, vector<16xi32>,
      %add3A_48 = arith.addi %get3A_45, %get3A_47 : vector<16xi32>
      %shift_right_logical3A_49 = arith.shrui %add3A_48, %broadcast_in_dim3A_14 : vector<16xi32>
      %swap3A_50 = arith.constant 48 : index
      %swap3A_51 = tpu.vector_load %arg14[%swap3A_50] {strides = array<i32>} : memref<416xi32, #tpu.memory_space<vmem>>, vector<16xi32>,
      tpu.vector_store %arg14[%swap3A_50], %shift_right_logical3A_49 {strides = array<i32>} : memref<416xi32, #tpu.memory_space<vmem>>, vector<16xi32>,
      %and3A_52 = arith.andi %add3A_48, %broadcast_in_dim3A_14 : vector<16xi32>
      %swap3A_53 = arith.constant 48 : index
      %swap3A_54 = tpu.vector_load %arg15[%swap3A_53] {strides = array<i32>} : memref<416xi32, #tpu.memory_space<vmem>>, vector<16xi32>,
      tpu.vector_store %arg15[%swap3A_53], %and3A_52 {strides = array<i32>} : memref<416xi32, #tpu.memory_space<vmem>>, vector<16xi32>,
      %get3A_55 = arith.constant 64 : index
      %get3A_56 = tpu.vector_load %arg14[%get3A_55] {strides = array<i32>} : memref<416xi32, #tpu.memory_space<vmem>>, vector<16xi32>,
      %get3A_57 = arith.constant 64 : index
      %get3A_58 = tpu.vector_load %arg10[%get3A_57] {strides = array<i32>} : memref<416xi32, #tpu.memory_space<vmem>>, vector<16xi32>,
      %add3A_59 = arith.addi %get3A_56, %get3A_58 : vector<16xi32>
      %shift_right_logical3A_60 = arith.shrui %add3A_59, %broadcast_in_dim3A_14 : vector<16xi32>
      %swap3A_61 = arith.constant 64 : index
      %swap3A_62 = tpu.vector_load %arg14[%swap3A_61] {strides = array<i32>} : memref<416xi32, #tpu.memory_space<vmem>>, vector<16xi32>,
      tpu.vector_store %arg14[%swap3A_61], %shift_right_logical3A_60 {strides = array<i32>} : memref<416xi32, #tpu.memory_space<vmem>>, vector<16xi32>,
      %and3A_63 = arith.andi %add3A_59, %broadcast_in_dim3A_14 : vector<16xi32>
      %swap3A_64 = arith.constant 64 : index
      %swap3A_65 = tpu.vector_load %arg15[%swap3A_64] {strides = array<i32>} : memref<416xi32, #tpu.memory_space<vmem>>, vector<16xi32>,
      tpu.vector_store %arg15[%swap3A_64], %and3A_63 {strides = array<i32>} : memref<416xi32, #tpu.memory_space<vmem>>, vector<16xi32>,
      %get3A_66 = arith.constant 80 : index
      %get3A_67 = tpu.vector_load %arg14[%get3A_66] {strides = array<i32>} : memref<416xi32, #tpu.memory_space<vmem>>, vector<16xi32>,
      %get3A_68 = arith.constant 80 : index
      %get3A_69 = tpu.vector_load %arg10[%get3A_68] {strides = array<i32>} : memref<416xi32, #tpu.memory_space<vmem>>, vector<16xi32>,
      %add3A_70 = arith.addi %get3A_67, %get3A_69 : vector<16xi32>
      %shift_right_logical3A_71 = arith.shrui %add3A_70, %broadcast_in_dim3A_14 : vector<16xi32>
      %swap3A_72 = arith.constant 80 : index
      %swap3A_73 = tpu.vector_load %arg14[%swap3A_72] {strides = array<i32>} : memref<416xi32, #tpu.memory_space<vmem>>, vector<16xi32>,
      tpu.vector_store %arg14[%swap3A_72], %shift_right_logical3A_71 {strides = array<i32>} : memref<416xi32, #tpu.memory_space<vmem>>, vector<16xi32>,
      %and3A_74 = arith.andi %add3A_70, %broadcast_in_dim3A_14 : vector<16xi32>
      %swap3A_75 = arith.constant 80 : index
      %swap3A_76 = tpu.vector_load %arg15[%swap3A_75] {strides = array<i32>} : memref<416xi32, #tpu.memory_space<vmem>>, vector<16xi32>,
      tpu.vector_store %arg15[%swap3A_75], %and3A_74 {strides = array<i32>} : memref<416xi32, #tpu.memory_space<vmem>>, vector<16xi32>,
      %get3A_77 = arith.constant 96 : index
      %get3A_78 = tpu.vector_load %arg14[%get3A_77] {strides = array<i32>} : memref<416xi32, #tpu.memory_space<vmem>>, vector<16xi32>,
      %get3A_79 = arith.constant 96 : index
      %get3A_80 = tpu.vector_load %arg10[%get3A_79] {strides = array<i32>} : memref<416xi32, #tpu.memory_space<vmem>>, vector<16xi32>,
      %add3A_81 = arith.addi %get3A_78, %get3A_80 : vector<16xi32>
      %shift_right_logical3A_82 = arith.shrui %add3A_81, %broadcast_in_dim3A_14 : vector<16xi32>
      %swap3A_83 = arith.constant 96 : index
      %swap3A_84 = tpu.vector_load %arg14[%swap3A_83] {strides = array<i32>} : memref<416xi32, #tpu.memory_space<vmem>>, vector<16xi32>,
      tpu.vector_store %arg14[%swap3A_83], %shift_right_logical3A_82 {strides = array<i32>} : memref<416xi32, #tpu.memory_space<vmem>>, vector<16xi32>,
      %and3A_85 = arith.andi %add3A_81, %broadcast_in_dim3A_14 : vector<16xi32>
      %swap3A_86 = arith.constant 96 : index
      %swap3A_87 = tpu.vector_load %arg15[%swap3A_86] {strides = array<i32>} : memref<416xi32, #tpu.memory_space<vmem>>, vector<16xi32>,
      tpu.vector_store %arg15[%swap3A_86], %and3A_85 {strides = array<i32>} : memref<416xi32, #tpu.memory_space<vmem>>, vector<16xi32>,
      %get3A_88 = arith.constant 112 : index
      %get3A_89 = tpu.vector_load %arg14[%get3A_88] {strides = array<i32>} : memref<416xi32, #tpu.memory_space<vmem>>, vector<16xi32>,
      %get3A_90 = arith.constant 112 : index
      %get3A_91 = tpu.vector_load %arg10[%get3A_90] {strides = array<i32>} : memref<416xi32, #tpu.memory_space<vmem>>, vector<16xi32>,
      %add3A_92 = arith.addi %get3A_89, %get3A_91 : vector<16xi32>
      %shift_right_logical3A_93 = arith.shrui %add3A_92, %broadcast_in_dim3A_14 : vector<16xi32>
      %swap3A_94 = arith.constant 112 : index
      %swap3A_95 = tpu.vector_load %arg14[%swap3A_94] {strides = array<i32>} : memref<416xi32, #tpu.memory_space<vmem>>, vector<16xi32>,
      tpu.vector_store %arg14[%swap3A_94], %shift_right_logical3A_93 {strides = array<i32>} : memref<416xi32, #tpu.memory_space<vmem>>, vector<16xi32>,
      %and3A_96 = arith.andi %add3A_92, %broadcast_in_dim3A_14 : vector<16xi32>
      %swap3A_97 = arith.constant 112 : index
      %swap3A_98 = tpu.vector_load %arg15[%swap3A_97] {strides = array<i32>} : memref<416xi32, #tpu.memory_space<vmem>>, vector<16xi32>,
      tpu.vector_store %arg15[%swap3A_97], %and3A_96 {strides = array<i32>} : memref<416xi32, #tpu.memory_space<vmem>>, vector<16xi32>,
      %get3A_99 = arith.constant 128 : index
      %get3A_100 = tpu.vector_load %arg14[%get3A_99] {strides = array<i32>} : memref<416xi32, #tpu.memory_space<vmem>>, vector<16xi32>,
      %get3A_101 = arith.constant 128 : index
      %get3A_102 = tpu.vector_load %arg10[%get3A_101] {strides = array<i32>} : memref<416xi32, #tpu.memory_space<vmem>>, vector<16xi32>,
      %add3A_103 = arith.addi %get3A_100, %get3A_102 : vector<16xi32>
      %shift_right_logical3A_104 = arith.shrui %add3A_103, %broadcast_in_dim3A_14 : vector<16xi32>
      %swap3A_105 = arith.constant 128 : index
      %swap3A_106 = tpu.vector_load %arg14[%swap3A_105] {strides = array<i32>} : memref<416xi32, #tpu.memory_space<vmem>>, vector<16xi32>,
      tpu.vector_store %arg14[%swap3A_105], %shift_right_logical3A_104 {strides = array<i32>} : memref<416xi32, #tpu.memory_space<vmem>>, vector<16xi32>,
      %and3A_107 = arith.andi %add3A_103, %broadcast_in_dim3A_14 : vector<16xi32>
      %swap3A_108 = arith.constant 128 : index
      %swap3A_109 = tpu.vector_load %arg15[%swap3A_108] {strides = array<i32>} : memref<416xi32, #tpu.memory_space<vmem>>, vector<16xi32>,
      tpu.vector_store %arg15[%swap3A_108], %and3A_107 {strides = array<i32>} : memref<416xi32, #tpu.memory_space<vmem>>, vector<16xi32>,
      %get3A_110 = arith.constant 144 : index
      %get3A_111 = tpu.vector_load %arg14[%get3A_110] {strides = array<i32>} : memref<416xi32, #tpu.memory_space<vmem>>, vector<16xi32>,
      %get3A_112 = arith.constant 144 : index
      %get3A_113 = tpu.vector_load %arg10[%get3A_112] {strides = array<i32>} : memref<416xi32, #tpu.memory_space<vmem>>, vector<16xi32>,
      %add3A_114 = arith.addi %get3A_111, %get3A_113 : vector<16xi32>
      %shift_right_logical3A_115 = arith.shrui %add3A_114, %broadcast_in_dim3A_14 : vector<16xi32>
      %swap3A_116 = arith.constant 144 : index
      %swap3A_117 = tpu.vector_load %arg14[%swap3A_116] {strides = array<i32>} : memref<416xi32, #tpu.memory_space<vmem>>, vector<16xi32>,
      tpu.vector_store %arg14[%swap3A_116], %shift_right_logical3A_115 {strides = array<i32>} : memref<416xi32, #tpu.memory_space<vmem>>, vector<16xi32>,
      %and3A_118 = arith.andi %add3A_114, %broadcast_in_dim3A_14 : vector<16xi32>
      %swap3A_119 = arith.constant 144 : index
      %swap3A_120 = tpu.vector_load %arg15[%swap3A_119] {strides = array<i32>} : memref<416xi32, #tpu.memory_space<vmem>>, vector<16xi32>,
      tpu.vector_store %arg15[%swap3A_119], %and3A_118 {strides = array<i32>} : memref<416xi32, #tpu.memory_space<vmem>>, vector<16xi32>,
      %get3A_121 = arith.constant 160 : index
      %get3A_122 = tpu.vector_load %arg14[%get3A_121] {strides = array<i32>} : memref<416xi32, #tpu.memory_space<vmem>>, vector<16xi32>,
      %get3A_123 = arith.constant 160 : index
      %get3A_124 = tpu.vector_load %arg10[%get3A_123] {strides = array<i32>} : memref<416xi32, #tpu.memory_space<vmem>>, vector<16xi32>,
      %add3A_125 = arith.addi %get3A_122, %get3A_124 : vector<16xi32>
      %shift_right_logical3A_126 = arith.shrui %add3A_125, %broadcast_in_dim3A_14 : vector<16xi32>
      %swap3A_127 = arith.constant 160 : index
      %swap3A_128 = tpu.vector_load %arg14[%swap3A_127] {strides = array<i32>} : memref<416xi32, #tpu.memory_space<vmem>>, vector<16xi32>,
      tpu.vector_store %arg14[%swap3A_127], %shift_right_logical3A_126 {strides = array<i32>} : memref<416xi32, #tpu.memory_space<vmem>>, vector<16xi32>,
      %and3A_129 = arith.andi %add3A_125, %broadcast_in_dim3A_14 : vector<16xi32>
      %swap3A_130 = arith.constant 160 : index
      %swap3A_131 = tpu.vector_load %arg15[%swap3A_130] {strides = array<i32>} : memref<416xi32, #tpu.memory_space<vmem>>, vector<16xi32>,
      tpu.vector_store %arg15[%swap3A_130], %and3A_129 {strides = array<i32>} : memref<416xi32, #tpu.memory_space<vmem>>, vector<16xi32>,
      %get3A_132 = arith.constant 176 : index
      %get3A_133 = tpu.vector_load %arg14[%get3A_132] {strides = array<i32>} : memref<416xi32, #tpu.memory_space<vmem>>, vector<16xi32>,
      %get3A_134 = arith.constant 176 : index
      %get3A_135 = tpu.vector_load %arg10[%get3A_134] {strides = array<i32>} : memref<416xi32, #tpu.memory_space<vmem>>, vector<16xi32>,
      %add3A_136 = arith.addi %get3A_133, %get3A_135 : vector<16xi32>
      %shift_right_logical3A_137 = arith.shrui %add3A_136, %broadcast_in_dim3A_14 : vector<16xi32>
      %swap3A_138 = arith.constant 176 : index
      %swap3A_139 = tpu.vector_load %arg14[%swap3A_138] {strides = array<i32>} : memref<416xi32, #tpu.memory_space<vmem>>, vector<16xi32>,
      tpu.vector_store %arg14[%swap3A_138], %shift_right_logical3A_137 {strides = array<i32>} : memref<416xi32, #tpu.memory_space<vmem>>, vector<16xi32>,
      %and3A_140 = arith.andi %add3A_136, %broadcast_in_dim3A_14 : vector<16xi32>
      %swap3A_141 = arith.constant 176 : index
      %swap3A_142 = tpu.vector_load %arg15[%swap3A_141] {strides = array<i32>} : memref<416xi32, #tpu.memory_space<vmem>>, vector<16xi32>,
      tpu.vector_store %arg15[%swap3A_141], %and3A_140 {strides = array<i32>} : memref<416xi32, #tpu.memory_space<vmem>>, vector<16xi32>,
      %get3A_143 = arith.constant 192 : index
      %get3A_144 = tpu.vector_load %arg14[%get3A_143] {strides = array<i32>} : memref<416xi32, #tpu.memory_space<vmem>>, vector<16xi32>,
      %get3A_145 = arith.constant 192 : index
      %get3A_146 = tpu.vector_load %arg10[%get3A_145] {strides = array<i32>} : memref<416xi32, #tpu.memory_space<vmem>>, vector<16xi32>,
      %add3A_147 = arith.addi %get3A_144, %get3A_146 : vector<16xi32>
      %shift_right_logical3A_148 = arith.shrui %add3A_147, %broadcast_in_dim3A_14 : vector<16xi32>
      %swap3A_149 = arith.constant 192 : index
      %swap3A_150 = tpu.vector_load %arg14[%swap3A_149] {strides = array<i32>} : memref<416xi32, #tpu.memory_space<vmem>>, vector<16xi32>,
      tpu.vector_store %arg14[%swap3A_149], %shift_right_logical3A_148 {strides = array<i32>} : memref<416xi32, #tpu.memory_space<vmem>>, vector<16xi32>,
      %and3A_151 = arith.andi %add3A_147, %broadcast_in_dim3A_14 : vector<16xi32>
      %swap3A_152 = arith.constant 192 : index
      %swap3A_153 = tpu.vector_load %arg15[%swap3A_152] {strides = array<i32>} : memref<416xi32, #tpu.memory_space<vmem>>, vector<16xi32>,
      tpu.vector_store %arg15[%swap3A_152], %and3A_151 {strides = array<i32>} : memref<416xi32, #tpu.memory_space<vmem>>, vector<16xi32>,
      %get3A_154 = arith.constant 208 : index
      %get3A_155 = tpu.vector_load %arg14[%get3A_154] {strides = array<i32>} : memref<416xi32, #tpu.memory_space<vmem>>, vector<16xi32>,
      %get3A_156 = arith.constant 208 : index
      %get3A_157 = tpu.vector_load %arg10[%get3A_156] {strides = array<i32>} : memref<416xi32, #tpu.memory_space<vmem>>, vector<16xi32>,
      %add3A_158 = arith.addi %get3A_155, %get3A_157 : vector<16xi32>
      %shift_right_logical3A_159 = arith.shrui %add3A_158, %broadcast_in_dim3A_14 : vector<16xi32>
      %swap3A_160 = arith.constant 208 : index
      %swap3A_161 = tpu.vector_load %arg14[%swap3A_160] {strides = array<i32>} : memref<416xi32, #tpu.memory_space<vmem>>, vector<16xi32>,
      tpu.vector_store %arg14[%swap3A_160], %shift_right_logical3A_159 {strides = array<i32>} : memref<416xi32, #tpu.memory_space<vmem>>, vector<16xi32>,
      %and3A_162 = arith.andi %add3A_158, %broadcast_in_dim3A_14 : vector<16xi32>
      %swap3A_163 = arith.constant 208 : index
      %swap3A_164 = tpu.vector_load %arg15[%swap3A_163] {strides = array<i32>} : memref<416xi32, #tpu.memory_space<vmem>>, vector<16xi32>,
      tpu.vector_store %arg15[%swap3A_163], %and3A_162 {strides = array<i32>} : memref<416xi32, #tpu.memory_space<vmem>>, vector<16xi32>,
      %get3A_165 = arith.constant 224 : index
      %get3A_166 = tpu.vector_load %arg14[%get3A_165] {strides = array<i32>} : memref<416xi32, #tpu.memory_space<vmem>>, vector<16xi32>,
      %get3A_167 = arith.constant 224 : index
      %get3A_168 = tpu.vector_load %arg10[%get3A_167] {strides = array<i32>} : memref<416xi32, #tpu.memory_space<vmem>>, vector<16xi32>,
      %add3A_169 = arith.addi %get3A_166, %get3A_168 : vector<16xi32>
      %shift_right_logical3A_170 = arith.shrui %add3A_169, %broadcast_in_dim3A_14 : vector<16xi32>
      %swap3A_171 = arith.constant 224 : index
      %swap3A_172 = tpu.vector_load %arg14[%swap3A_171] {strides = array<i32>} : memref<416xi32, #tpu.memory_space<vmem>>, vector<16xi32>,
      tpu.vector_store %arg14[%swap3A_171], %shift_right_logical3A_170 {strides = array<i32>} : memref<416xi32, #tpu.memory_space<vmem>>, vector<16xi32>,
      %and3A_173 = arith.andi %add3A_169, %broadcast_in_dim3A_14 : vector<16xi32>
      %swap3A_174 = arith.constant 224 : index
      %swap3A_175 = tpu.vector_load %arg15[%swap3A_174] {strides = array<i32>} : memref<416xi32, #tpu.memory_space<vmem>>, vector<16xi32>,
      tpu.vector_store %arg15[%swap3A_174], %and3A_173 {strides = array<i32>} : memref<416xi32, #tpu.memory_space<vmem>>, vector<16xi32>,
      %get3A_176 = arith.constant 240 : index
      %get3A_177 = tpu.vector_load %arg14[%get3A_176] {strides = array<i32>} : memref<416xi32, #tpu.memory_space<vmem>>, vector<16xi32>,
      %get3A_178 = arith.constant 240 : index
      %get3A_179 = tpu.vector_load %arg10[%get3A_178] {strides = array<i32>} : memref<416xi32, #tpu.memory_space<vmem>>, vector<16xi32>,
      %add3A_180 = arith.addi %get3A_177, %get3A_179 : vector<16xi32>
      %shift_right_logical3A_181 = arith.shrui %add3A_180, %broadcast_in_dim3A_14 : vector<16xi32>
      %swap3A_182 = arith.constant 240 : index
      %swap3A_183 = tpu.vector_load %arg14[%swap3A_182] {strides = array<i32>} : memref<416xi32, #tpu.memory_space<vmem>>, vector<16xi32>,
      tpu.vector_store %arg14[%swap3A_182], %shift_right_logical3A_181 {strides = array<i32>} : memref<416xi32, #tpu.memory_space<vmem>>, vector<16xi32>,
      %and3A_184 = arith.andi %add3A_180, %broadcast_in_dim3A_14 : vector<16xi32>
      %swap3A_185 = arith.constant 240 : index
      %swap3A_186 = tpu.vector_load %arg15[%swap3A_185] {strides = array<i32>} : memref<416xi32, #tpu.memory_space<vmem>>, vector<16xi32>,
      tpu.vector_store %arg15[%swap3A_185], %and3A_184 {strides = array<i32>} : memref<416xi32, #tpu.memory_space<vmem>>, vector<16xi32>,
      %get3A_187 = arith.constant 256 : index
      %get3A_188 = tpu.vector_load %arg14[%get3A_187] {strides = array<i32>} : memref<416xi32, #tpu.memory_space<vmem>>, vector<16xi32>,
      %get3A_189 = arith.constant 256 : index
      %get3A_190 = tpu.vector_load %arg10[%get3A_189] {strides = array<i32>} : memref<416xi32, #tpu.memory_space<vmem>>, vector<16xi32>,
      %add3A_191 = arith.addi %get3A_188, %get3A_190 : vector<16xi32>
      %shift_right_logical3A_192 = arith.shrui %add3A_191, %broadcast_in_dim3A_14 : vector<16xi32>
      %swap3A_193 = arith.constant 256 : index
      %swap3A_194 = tpu.vector_load %arg14[%swap3A_193] {strides = array<i32>} : memref<416xi32, #tpu.memory_space<vmem>>, vector<16xi32>,
      tpu.vector_store %arg14[%swap3A_193], %shift_right_logical3A_192 {strides = array<i32>} : memref<416xi32, #tpu.memory_space<vmem>>, vector<16xi32>,
      %and3A_195 = arith.andi %add3A_191, %broadcast_in_dim3A_14 : vector<16xi32>
      %swap3A_196 = arith.constant 256 : index
      %swap3A_197 = tpu.vector_load %arg15[%swap3A_196] {strides = array<i32>} : memref<416xi32, #tpu.memory_space<vmem>>, vector<16xi32>,
      tpu.vector_store %arg15[%swap3A_196], %and3A_195 {strides = array<i32>} : memref<416xi32, #tpu.memory_space<vmem>>, vector<16xi32>,
      %get3A_198 = arith.constant 272 : index
      %get3A_199 = tpu.vector_load %arg14[%get3A_198] {strides = array<i32>} : memref<416xi32, #tpu.memory_space<vmem>>, vector<16xi32>,
      %get3A_200 = arith.constant 272 : index
      %get3A_201 = tpu.vector_load %arg10[%get3A_200] {strides = array<i32>} : memref<416xi32, #tpu.memory_space<vmem>>, vector<16xi32>,
      %add3A_202 = arith.addi %get3A_199, %get3A_201 : vector<16xi32>
      %shift_right_logical3A_203 = arith.shrui %add3A_202, %broadcast_in_dim3A_14 : vector<16xi32>
      %swap3A_204 = arith.constant 272 : index
      %swap3A_205 = tpu.vector_load %arg14[%swap3A_204] {strides = array<i32>} : memref<416xi32, #tpu.memory_space<vmem>>, vector<16xi32>,
      tpu.vector_store %arg14[%swap3A_204], %shift_right_logical3A_203 {strides = array<i32>} : memref<416xi32, #tpu.memory_space<vmem>>, vector<16xi32>,
      %and3A_206 = arith.andi %add3A_202, %broadcast_in_dim3A_14 : vector<16xi32>
      %swap3A_207 = arith.constant 272 : index
      %swap3A_208 = tpu.vector_load %arg15[%swap3A_207] {strides = array<i32>} : memref<416xi32, #tpu.memory_space<vmem>>, vector<16xi32>,
      tpu.vector_store %arg15[%swap3A_207], %and3A_206 {strides = array<i32>} : memref<416xi32, #tpu.memory_space<vmem>>, vector<16xi32>,
      %get3A_209 = arith.constant 288 : index
      %get3A_210 = tpu.vector_load %arg14[%get3A_209] {strides = array<i32>} : memref<416xi32, #tpu.memory_space<vmem>>, vector<16xi32>,
      %get3A_211 = arith.constant 288 : index
      %get3A_212 = tpu.vector_load %arg10[%get3A_211] {strides = array<i32>} : memref<416xi32, #tpu.memory_space<vmem>>, vector<16xi32>,
      %add3A_213 = arith.addi %get3A_210, %get3A_212 : vector<16xi32>
      %shift_right_logical3A_214 = arith.shrui %add3A_213, %broadcast_in_dim3A_14 : vector<16xi32>
      %swap3A_215 = arith.constant 288 : index
      %swap3A_216 = tpu.vector_load %arg14[%swap3A_215] {strides = array<i32>} : memref<416xi32, #tpu.memory_space<vmem>>, vector<16xi32>,
      tpu.vector_store %arg14[%swap3A_215], %shift_right_logical3A_214 {strides = array<i32>} : memref<416xi32, #tpu.memory_space<vmem>>, vector<16xi32>,
      %and3A_217 = arith.andi %add3A_213, %broadcast_in_dim3A_14 : vector<16xi32>
      %swap3A_218 = arith.constant 288 : index
      %swap3A_219 = tpu.vector_load %arg15[%swap3A_218] {strides = array<i32>} : memref<416xi32, #tpu.memory_space<vmem>>, vector<16xi32>,
      tpu.vector_store %arg15[%swap3A_218], %and3A_217 {strides = array<i32>} : memref<416xi32, #tpu.memory_space<vmem>>, vector<16xi32>,
      %get3A_220 = arith.constant 304 : index
      %get3A_221 = tpu.vector_load %arg14[%get3A_220] {strides = array<i32>} : memref<416xi32, #tpu.memory_space<vmem>>, vector<16xi32>,
      %get3A_222 = arith.constant 304 : index
      %get3A_223 = tpu.vector_load %arg10[%get3A_222] {strides = array<i32>} : memref<416xi32, #tpu.memory_space<vmem>>, vector<16xi32>,
      %add3A_224 = arith.addi %get3A_221, %get3A_223 : vector<16xi32>
      %shift_right_logical3A_225 = arith.shrui %add3A_224, %broadcast_in_dim3A_14 : vector<16xi32>
      %swap3A_226 = arith.constant 304 : index
      %swap3A_227 = tpu.vector_load %arg14[%swap3A_226] {strides = array<i32>} : memref<416xi32, #tpu.memory_space<vmem>>, vector<16xi32>,
      tpu.vector_store %arg14[%swap3A_226], %shift_right_logical3A_225 {strides = array<i32>} : memref<416xi32, #tpu.memory_space<vmem>>, vector<16xi32>,
      %and3A_228 = arith.andi %add3A_224, %broadcast_in_dim3A_14 : vector<16xi32>
      %swap3A_229 = arith.constant 304 : index
      %swap3A_230 = tpu.vector_load %arg15[%swap3A_229] {strides = array<i32>} : memref<416xi32, #tpu.memory_space<vmem>>, vector<16xi32>,
      tpu.vector_store %arg15[%swap3A_229], %and3A_228 {strides = array<i32>} : memref<416xi32, #tpu.memory_space<vmem>>, vector<16xi32>,
      %get3A_231 = arith.constant 320 : index
      %get3A_232 = tpu.vector_load %arg14[%get3A_231] {strides = array<i32>} : memref<416xi32, #tpu.memory_space<vmem>>, vector<16xi32>,
      %get3A_233 = arith.constant 320 : index
      %get3A_234 = tpu.vector_load %arg10[%get3A_233] {strides = array<i32>} : memref<416xi32, #tpu.memory_space<vmem>>, vector<16xi32>,
      %add3A_235 = arith.addi %get3A_232, %get3A_234 : vector<16xi32>
      %shift_right_logical3A_236 = arith.shrui %add3A_235, %broadcast_in_dim3A_14 : vector<16xi32>
      %swap3A_237 = arith.constant 320 : index
      %swap3A_238 = tpu.vector_load %arg14[%swap3A_237] {strides = array<i32>} : memref<416xi32, #tpu.memory_space<vmem>>, vector<16xi32>,
      tpu.vector_store %arg14[%swap3A_237], %shift_right_logical3A_236 {strides = array<i32>} : memref<416xi32, #tpu.memory_space<vmem>>, vector<16xi32>,
      %and3A_239 = arith.andi %add3A_235, %broadcast_in_dim3A_14 : vector<16xi32>
      %swap3A_240 = arith.constant 320 : index
      %swap3A_241 = tpu.vector_load %arg15[%swap3A_240] {strides = array<i32>} : memref<416xi32, #tpu.memory_space<vmem>>, vector<16xi32>,
      tpu.vector_store %arg15[%swap3A_240], %and3A_239 {strides = array<i32>} : memref<416xi32, #tpu.memory_space<vmem>>, vector<16xi32>,
      %get3A_242 = arith.constant 336 : index
      %get3A_243 = tpu.vector_load %arg14[%get3A_242] {strides = array<i32>} : memref<416xi32, #tpu.memory_space<vmem>>, vector<16xi32>,
      %get3A_244 = arith.constant 336 : index
      %get3A_245 = tpu.vector_load %arg10[%get3A_244] {strides = array<i32>} : memref<416xi32, #tpu.memory_space<vmem>>, vector<16xi32>,
      %add3A_246 = arith.addi %get3A_243, %get3A_245 : vector<16xi32>
      %shift_right_logical3A_247 = arith.shrui %add3A_246, %broadcast_in_dim3A_14 : vector<16xi32>
      %swap3A_248 = arith.constant 336 : index
      %swap3A_249 = tpu.vector_load %arg14[%swap3A_248] {strides = array<i32>} : memref<416xi32, #tpu.memory_space<vmem>>, vector<16xi32>,
      tpu.vector_store %arg14[%swap3A_248], %shift_right_logical3A_247 {strides = array<i32>} : memref<416xi32, #tpu.memory_space<vmem>>, vector<16xi32>,
      %and3A_250 = arith.andi %add3A_246, %broadcast_in_dim3A_14 : vector<16xi32>
      %swap3A_251 = arith.constant 336 : index
      %swap3A_252 = tpu.vector_load %arg15[%swap3A_251] {strides = array<i32>} : memref<416xi32, #tpu.memory_space<vmem>>, vector<16xi32>,
      tpu.vector_store %arg15[%swap3A_251], %and3A_250 {strides = array<i32>} : memref<416xi32, #tpu.memory_space<vmem>>, vector<16xi32>,
      %get3A_253 = arith.constant 352 : index
      %get3A_254 = tpu.vector_load %arg14[%get3A_253] {strides = array<i32>} : memref<416xi32, #tpu.memory_space<vmem>>, vector<16xi32>,
      %get3A_255 = arith.constant 352 : index
      %get3A_256 = tpu.vector_load %arg10[%get3A_255] {strides = array<i32>} : memref<416xi32, #tpu.memory_space<vmem>>, vector<16xi32>,
      %add3A_257 = arith.addi %get3A_254, %get3A_256 : vector<16xi32>
      %shift_right_logical3A_258 = arith.shrui %add3A_257, %broadcast_in_dim3A_14 : vector<16xi32>
      %swap3A_259 = arith.constant 352 : index
      %swap3A_260 = tpu.vector_load %arg14[%swap3A_259] {strides = array<i32>} : memref<416xi32, #tpu.memory_space<vmem>>, vector<16xi32>,
      tpu.vector_store %arg14[%swap3A_259], %shift_right_logical3A_258 {strides = array<i32>} : memref<416xi32, #tpu.memory_space<vmem>>, vector<16xi32>,
      %and3A_261 = arith.andi %add3A_257, %broadcast_in_dim3A_14 : vector<16xi32>
      %swap3A_262 = arith.constant 352 : index
      %swap3A_263 = tpu.vector_load %arg15[%swap3A_262] {strides = array<i32>} : memref<416xi32, #tpu.memory_space<vmem>>, vector<16xi32>,
      tpu.vector_store %arg15[%swap3A_262], %and3A_261 {strides = array<i32>} : memref<416xi32, #tpu.memory_space<vmem>>, vector<16xi32>,
      %get3A_264 = arith.constant 368 : index
      %get3A_265 = tpu.vector_load %arg14[%get3A_264] {strides = array<i32>} : memref<416xi32, #tpu.memory_space<vmem>>, vector<16xi32>,
      %get3A_266 = arith.constant 368 : index
      %get3A_267 = tpu.vector_load %arg10[%get3A_266] {strides = array<i32>} : memref<416xi32, #tpu.memory_space<vmem>>, vector<16xi32>,
      %add3A_268 = arith.addi %get3A_265, %get3A_267 : vector<16xi32>
      %shift_right_logical3A_269 = arith.shrui %add3A_268, %broadcast_in_dim3A_14 : vector<16xi32>
      %swap3A_270 = arith.constant 368 : index
      %swap3A_271 = tpu.vector_load %arg14[%swap3A_270] {strides = array<i32>} : memref<416xi32, #tpu.memory_space<vmem>>, vector<16xi32>,
      tpu.vector_store %arg14[%swap3A_270], %shift_right_logical3A_269 {strides = array<i32>} : memref<416xi32, #tpu.memory_space<vmem>>, vector<16xi32>,
      %and3A_272 = arith.andi %add3A_268, %broadcast_in_dim3A_14 : vector<16xi32>
      %swap3A_273 = arith.constant 368 : index
      %swap3A_274 = tpu.vector_load %arg15[%swap3A_273] {strides = array<i32>} : memref<416xi32, #tpu.memory_space<vmem>>, vector<16xi32>,
      tpu.vector_store %arg15[%swap3A_273], %and3A_272 {strides = array<i32>} : memref<416xi32, #tpu.memory_space<vmem>>, vector<16xi32>,
      %get3A_275 = arith.constant 384 : index
      %get3A_276 = tpu.vector_load %arg14[%get3A_275] {strides = array<i32>} : memref<416xi32, #tpu.memory_space<vmem>>, vector<16xi32>,
      %get3A_277 = arith.constant 384 : index
      %get3A_278 = tpu.vector_load %arg10[%get3A_277] {strides = array<i32>} : memref<416xi32, #tpu.memory_space<vmem>>, vector<16xi32>,
      %add3A_279 = arith.addi %get3A_276, %get3A_278 : vector<16xi32>
      %shift_right_logical3A_280 = arith.shrui %add3A_279, %broadcast_in_dim3A_14 : vector<16xi32>
      %swap3A_281 = arith.constant 384 : index
      %swap3A_282 = tpu.vector_load %arg14[%swap3A_281] {strides = array<i32>} : memref<416xi32, #tpu.memory_space<vmem>>, vector<16xi32>,
      tpu.vector_store %arg14[%swap3A_281], %shift_right_logical3A_280 {strides = array<i32>} : memref<416xi32, #tpu.memory_space<vmem>>, vector<16xi32>,
      %and3A_283 = arith.andi %add3A_279, %broadcast_in_dim3A_14 : vector<16xi32>
      %swap3A_284 = arith.constant 384 : index
      %swap3A_285 = tpu.vector_load %arg15[%swap3A_284] {strides = array<i32>} : memref<416xi32, #tpu.memory_space<vmem>>, vector<16xi32>,
      tpu.vector_store %arg15[%swap3A_284], %and3A_283 {strides = array<i32>} : memref<416xi32, #tpu.memory_space<vmem>>, vector<16xi32>,
      %get3A_286 = arith.constant 400 : index
      %get3A_287 = tpu.vector_load %arg14[%get3A_286] {strides = array<i32>} : memref<416xi32, #tpu.memory_space<vmem>>, vector<16xi32>,
      %get3A_288 = arith.constant 400 : index
      %get3A_289 = tpu.vector_load %arg10[%get3A_288] {strides = array<i32>} : memref<416xi32, #tpu.memory_space<vmem>>, vector<16xi32>,
      %add3A_290 = arith.addi %get3A_287, %get3A_289 : vector<16xi32>
      %shift_right_logical3A_291 = arith.shrui %add3A_290, %broadcast_in_dim3A_14 : vector<16xi32>
      %swap3A_292 = arith.constant 400 : index
      %swap3A_293 = tpu.vector_load %arg14[%swap3A_292] {strides = array<i32>} : memref<416xi32, #tpu.memory_space<vmem>>, vector<16xi32>,
      tpu.vector_store %arg14[%swap3A_292], %shift_right_logical3A_291 {strides = array<i32>} : memref<416xi32, #tpu.memory_space<vmem>>, vector<16xi32>,
      %and3A_294 = arith.andi %add3A_290, %broadcast_in_dim3A_14 : vector<16xi32>
      %swap3A_295 = arith.constant 400 : index
      %swap3A_296 = tpu.vector_load %arg15[%swap3A_295] {strides = array<i32>} : memref<416xi32, #tpu.memory_space<vmem>>, vector<16xi32>,
      tpu.vector_store %arg15[%swap3A_295], %and3A_294 {strides = array<i32>} : memref<416xi32, #tpu.memory_space<vmem>>, vector<16xi32>,
      %dma_start3A = arith.constant 0 : i32
      %dma_start3A_297 = arith.constant 0 : i32
      %dma_start3A_298 = tpu.memref_slice %arg17[%dma_start3A, %dma_start3A_297] : memref<416x128xf32, #tpu.memory_space<vmem>> -> memref<104x128xf32, #tpu.memory_space<vmem>>
      %dma_start3A_299 = arith.constant 0 : i32
      %dma_start3A_300 = tpu.memref_slice %arg14[%dma_start3A_299] : memref<416xi32, #tpu.memory_space<vmem>> -> memref<104xi32, #tpu.memory_space<vmem>>
      %dma_start3A_301 = arith.constant 0 : i32
      %dma_start3A_302 = arith.constant 0 : i32
      %dma_start3A_303 = tpu.memref_slice %arg6[%dma_start3A_301, %dma_start3A_302] : memref<1300000x128xf32, #tpu.memory_space<hbm>> -> memref<1300000x128xf32, #tpu.memory_space<hbm>>
      tpu.enqueue_indirect_dma source(%dma_start3A_303 : memref<1300000x128xf32, #tpu.memory_space<hbm>>) target(%dma_start3A_298 : memref<104x128xf32, #tpu.memory_space<vmem>>) offsets(%dma_start3A_300 : memref<104xi32, #tpu.memory_space<vmem>>) semaphore(%arg20 : memref<!tpu.dma_semaphore, #tpu.memory_space<semaphore_mem>>)
      %dma_start3A_304 = arith.constant 104 : i32
      %dma_start3A_305 = arith.constant 0 : i32
      %dma_start3A_306 = tpu.memref_slice %arg17[%dma_start3A_304, %dma_start3A_305] : memref<416x128xf32, #tpu.memory_space<vmem>> -> memref<104x128xf32, #tpu.memory_space<vmem>>
      %dma_start3A_307 = arith.constant 104 : i32
      %dma_start3A_308 = tpu.memref_slice %arg14[%dma_start3A_307] : memref<416xi32, #tpu.memory_space<vmem>> -> memref<104xi32, #tpu.memory_space<vmem>>
      %dma_start3A_309 = arith.constant 0 : i32
      %dma_start3A_310 = arith.constant 0 : i32
      %dma_start3A_311 = tpu.memref_slice %arg6[%dma_start3A_309, %dma_start3A_310] : memref<1300000x128xf32, #tpu.memory_space<hbm>> -> memref<1300000x128xf32, #tpu.memory_space<hbm>>
      tpu.enqueue_indirect_dma source(%dma_start3A_311 : memref<1300000x128xf32, #tpu.memory_space<hbm>>) target(%dma_start3A_306 : memref<104x128xf32, #tpu.memory_space<vmem>>) offsets(%dma_start3A_308 : memref<104xi32, #tpu.memory_space<vmem>>) semaphore(%arg20 : memref<!tpu.dma_semaphore, #tpu.memory_space<semaphore_mem>>)
      %dma_start3A_312 = arith.constant 208 : i32
      %dma_start3A_313 = arith.constant 0 : i32
      %dma_start3A_314 = tpu.memref_slice %arg17[%dma_start3A_312, %dma_start3A_313] : memref<416x128xf32, #tpu.memory_space<vmem>> -> memref<104x128xf32, #tpu.memory_space<vmem>>
      %dma_start3A_315 = arith.constant 208 : i32
      %dma_start3A_316 = tpu.memref_slice %arg14[%dma_start3A_315] : memref<416xi32, #tpu.memory_space<vmem>> -> memref<104xi32, #tpu.memory_space<vmem>>
      %dma_start3A_317 = arith.constant 0 : i32
      %dma_start3A_318 = arith.constant 0 : i32
      %dma_start3A_319 = tpu.memref_slice %arg6[%dma_start3A_317, %dma_start3A_318] : memref<1300000x128xf32, #tpu.memory_space<hbm>> -> memref<1300000x128xf32, #tpu.memory_space<hbm>>
      tpu.enqueue_indirect_dma source(%dma_start3A_319 : memref<1300000x128xf32, #tpu.memory_space<hbm>>) target(%dma_start3A_314 : memref<104x128xf32, #tpu.memory_space<vmem>>) offsets(%dma_start3A_316 : memref<104xi32, #tpu.memory_space<vmem>>) semaphore(%arg20 : memref<!tpu.dma_semaphore, #tpu.memory_space<semaphore_mem>>)
      %dma_start3A_320 = arith.constant 312 : i32
      %dma_start3A_321 = arith.constant 0 : i32
      %dma_start3A_322 = tpu.memref_slice %arg17[%dma_start3A_320, %dma_start3A_321] : memref<416x128xf32, #tpu.memory_space<vmem>> -> memref<104x128xf32, #tpu.memory_space<vmem>>
      %dma_start3A_323 = arith.constant 312 : i32
      %dma_start3A_324 = tpu.memref_slice %arg14[%dma_start3A_323] : memref<416xi32, #tpu.memory_space<vmem>> -> memref<104xi32, #tpu.memory_space<vmem>>
      %dma_start3A_325 = arith.constant 0 : i32
      %dma_start3A_326 = arith.constant 0 : i32
      %dma_start3A_327 = tpu.memref_slice %arg6[%dma_start3A_325, %dma_start3A_326] : memref<1300000x128xf32, #tpu.memory_space<hbm>> -> memref<1300000x128xf32, #tpu.memory_space<hbm>>
      tpu.enqueue_indirect_dma source(%dma_start3A_327 : memref<1300000x128xf32, #tpu.memory_space<hbm>>) target(%dma_start3A_322 : memref<104x128xf32, #tpu.memory_space<vmem>>) offsets(%dma_start3A_324 : memref<104xi32, #tpu.memory_space<vmem>>) semaphore(%arg20 : memref<!tpu.dma_semaphore, #tpu.memory_space<semaphore_mem>>)
      %mul3A_328 = arith.constant 13 : i32
      %mul3A_329 = arith.muli %add3A_11, %mul3A_328 : i32
      "tpu.region"() ({
        %run_scoped3A = tpu.sem_alloc : memref<!tpu.dma_semaphore, #tpu.memory_space<semaphore_mem>>
        %dma_start3A_875 = tpu.memref_slice %arg2[%mul3A_329] : memref<212992xf32, #tpu.memory_space<hbm>> -> memref<208xf32, #tpu.memory_space<hbm>>
        %dma_start3A_876 = tpu.memref_slice %arg2[%mul3A_329] : memref<212992xf32, #tpu.memory_space<hbm>> -> memref<208xf32, #tpu.memory_space<hbm>>
        tpu.enqueue_dma source(%dma_start3A_876 : memref<208xf32, #tpu.memory_space<hbm>>) target(%arg16 : memref<208xf32, #tpu.memory_space<vmem>>) target_semaphore(%run_scoped3A : memref<!tpu.dma_semaphore, #tpu.memory_space<semaphore_mem>>)
        %dma_wait3A_877 = tpu.memref_slice %arg2[%mul3A_329] : memref<212992xf32, #tpu.memory_space<hbm>> -> memref<208xf32, #tpu.memory_space<hbm>>
        %dma_wait3A_878 = tpu.memref_slice %arg2[%mul3A_329] : memref<212992xf32, #tpu.memory_space<hbm>> -> memref<208xf32, #tpu.memory_space<hbm>>
        tpu.wait_dma2 semaphore(%run_scoped3A : memref<!tpu.dma_semaphore, #tpu.memory_space<semaphore_mem>>) src(%dma_wait3A_878 : memref<208xf32, #tpu.memory_space<hbm>>) dst(%arg16 : memref<208xf32, #tpu.memory_space<vmem>>)
        tpu.yield
      }) : () -> ()
      %scan3A_330 = arith.constant 0 : i32
      %scan3A_331 = arith.constant 0 : i32
      %scan3A_332 = arith.constant 16 : i32
      %scan3A_333 = arith.addi %scan3A_331, %scan3A_332 : i32
      %scan3A_334 = arith.constant 1 : i32
      scf.for %scan3A_875 = %scan3A_331 to %scan3A_333 step %scan3A_334  : i32 {
        %get3A_876 = arith.constant 0 : index
        %get3A_877 = tpu.vector_load %arg13[%get3A_876] {strides = array<i32>} : memref<64xf32, #tpu.memory_space<vmem>>, vector<16xf32>,
        %swap3A_878 = arith.constant 0 : i32
        %swap3A_879 = arith.index_cast %scan3A_875 : i32 to index
        %swap3A_880 = arith.index_cast %swap3A_878 : i32 to index
        %swap3A_881 = arith.constant 0 : index
        %swap3A_882 = tpu.vector_load %arg19[%swap3A_879, %swap3A_880, %swap3A_881] {strides = array<i32>} : memref<16x14x64xf32, #tpu.memory_space<vmem>>, vector<16xf32>,
        tpu.vector_store %arg19[%swap3A_879, %swap3A_880, %swap3A_881], %get3A_877 {strides = array<i32>} : memref<16x14x64xf32, #tpu.memory_space<vmem>>, vector<16xf32>,
        %get3A_883 = arith.constant 16 : index
        %get3A_884 = tpu.vector_load %arg13[%get3A_883] {strides = array<i32>} : memref<64xf32, #tpu.memory_space<vmem>>, vector<16xf32>,
        %swap3A_885 = arith.constant 0 : i32
        %swap3A_886 = arith.index_cast %scan3A_875 : i32 to index
        %swap3A_887 = arith.index_cast %swap3A_885 : i32 to index
        %swap3A_888 = arith.constant 16 : index
        %swap3A_889 = tpu.vector_load %arg19[%swap3A_886, %swap3A_887, %swap3A_888] {strides = array<i32>} : memref<16x14x64xf32, #tpu.memory_space<vmem>>, vector<16xf32>,
        tpu.vector_store %arg19[%swap3A_886, %swap3A_887, %swap3A_888], %get3A_884 {strides = array<i32>} : memref<16x14x64xf32, #tpu.memory_space<vmem>>, vector<16xf32>,
        %get3A_890 = arith.constant 32 : index
        %get3A_891 = tpu.vector_load %arg13[%get3A_890] {strides = array<i32>} : memref<64xf32, #tpu.memory_space<vmem>>, vector<16xf32>,
        %swap3A_892 = arith.constant 0 : i32
        %swap3A_893 = arith.index_cast %scan3A_875 : i32 to index
        %swap3A_894 = arith.index_cast %swap3A_892 : i32 to index
        %swap3A_895 = arith.constant 32 : index
        %swap3A_896 = tpu.vector_load %arg19[%swap3A_893, %swap3A_894, %swap3A_895] {strides = array<i32>} : memref<16x14x64xf32, #tpu.memory_space<vmem>>, vector<16xf32>,
        tpu.vector_store %arg19[%swap3A_893, %swap3A_894, %swap3A_895], %get3A_891 {strides = array<i32>} : memref<16x14x64xf32, #tpu.memory_space<vmem>>, vector<16xf32>,
        %get3A_897 = arith.constant 48 : index
        %get3A_898 = tpu.vector_load %arg13[%get3A_897] {strides = array<i32>} : memref<64xf32, #tpu.memory_space<vmem>>, vector<16xf32>,
        %swap3A_899 = arith.constant 0 : i32
        %swap3A_900 = arith.index_cast %scan3A_875 : i32 to index
        %swap3A_901 = arith.index_cast %swap3A_899 : i32 to index
        %swap3A_902 = arith.constant 48 : index
        %swap3A_903 = tpu.vector_load %arg19[%swap3A_900, %swap3A_901, %swap3A_902] {strides = array<i32>} : memref<16x14x64xf32, #tpu.memory_space<vmem>>, vector<16xf32>,
        tpu.vector_store %arg19[%swap3A_900, %swap3A_901, %swap3A_902], %get3A_898 {strides = array<i32>} : memref<16x14x64xf32, #tpu.memory_space<vmem>>, vector<16xf32>,
      }
      %scan3A_335 = arith.constant 16 : i32
      %broadcast_in_dim3A_336 = arith.constant 0.000000e+00 : f32
      %broadcast_in_dim3A_337 = vector.broadcast %broadcast_in_dim3A_336 : f32 to vector<16xf32>
      %get3A_338 = arith.constant 0 : i32
      %get3A_339 = arith.index_cast %get3A_338 : i32 to index
      %get3A_340 = arith.constant 0 : index
      %get3A_341 = tpu.vector_load %arg11[%get3A_339, %get3A_340] {strides = array<i32>} : memref<13x64xf32, #tpu.memory_space<vmem>>, vector<16xf32>,
      %get3A_342 = arith.constant 0 : i32
      %get3A_343 = arith.index_cast %get3A_342 : i32 to index
      %get3A_344 = arith.constant 16 : index
      %get3A_345 = tpu.vector_load %arg11[%get3A_343, %get3A_344] {strides = array<i32>} : memref<13x64xf32, #tpu.memory_space<vmem>>, vector<16xf32>,
      %get3A_346 = arith.constant 0 : i32
      %get3A_347 = arith.index_cast %get3A_346 : i32 to index
      %get3A_348 = arith.constant 32 : index
      %get3A_349 = tpu.vector_load %arg11[%get3A_347, %get3A_348] {strides = array<i32>} : memref<13x64xf32, #tpu.memory_space<vmem>>, vector<16xf32>,
      %get3A_350 = arith.constant 0 : i32
      %get3A_351 = arith.index_cast %get3A_350 : i32 to index
      %get3A_352 = arith.constant 48 : index
      %get3A_353 = tpu.vector_load %arg11[%get3A_351, %get3A_352] {strides = array<i32>} : memref<13x64xf32, #tpu.memory_space<vmem>>, vector<16xf32>,
      %get3A_354 = arith.constant 0 : i32
      %get3A_355 = arith.index_cast %get3A_354 : i32 to index
      %get3A_356 = arith.constant 0 : index
      %get3A_357 = tpu.vector_load %arg12[%get3A_355, %get3A_356] {strides = array<i32>} : memref<13x64xf32, #tpu.memory_space<vmem>>, vector<16xf32>,
      %get3A_358 = arith.constant 0 : i32
      %get3A_359 = arith.index_cast %get3A_358 : i32 to index
      %get3A_360 = arith.constant 16 : index
      %get3A_361 = tpu.vector_load %arg12[%get3A_359, %get3A_360] {strides = array<i32>} : memref<13x64xf32, #tpu.memory_space<vmem>>, vector<16xf32>,
      %get3A_362 = arith.constant 0 : i32
      %get3A_363 = arith.index_cast %get3A_362 : i32 to index
      %get3A_364 = arith.constant 32 : index
      %get3A_365 = tpu.vector_load %arg12[%get3A_363, %get3A_364] {strides = array<i32>} : memref<13x64xf32, #tpu.memory_space<vmem>>, vector<16xf32>,
      %get3A_366 = arith.constant 0 : i32
      %get3A_367 = arith.index_cast %get3A_366 : i32 to index
      %get3A_368 = arith.constant 48 : index
      %get3A_369 = tpu.vector_load %arg12[%get3A_367, %get3A_368] {strides = array<i32>} : memref<13x64xf32, #tpu.memory_space<vmem>>, vector<16xf32>,
      %scan3A_370 = arith.constant 0 : i32
      %scan3A_371 = arith.constant 0 : i32
      %scan3A_372 = arith.constant 16 : i32
      %scan3A_373 = arith.addi %scan3A_371, %scan3A_372 : i32
      %scan3A_374 = arith.constant 1 : i32
      scf.for %scan3A_875 = %scan3A_371 to %scan3A_373 step %scan3A_374  : i32 {
        %mul3A_876 = arith.constant 13 : i32
        %mul3A_877 = arith.muli %scan3A_875, %mul3A_876 : i32
        %add3A_878 = arith.constant 0 : i32
        %add3A_879 = arith.addi %mul3A_877, %add3A_878 : i32
        %broadcast_in_dim3A_880 = vector.broadcast %add3A_879 : i32 to vector<16xi32>
        %gather3A = tpu.vector_load_idx %arg16[%broadcast_in_dim3A_880] : memref<208xf32, #tpu.memory_space<vmem>>[vector<16xi32>], vector<16xf32>,
        %ne3A = arith.cmpf one, %gather3A, %gather3A : vector<16xf32>
        %mul3A_881 = arith.mulf %gather3A, %get3A_341 : vector<16xf32>
        %add3A_882 = arith.addf %mul3A_881, %get3A_357 : vector<16xf32>
        %select_n3A = arith.select %ne3A, %broadcast_in_dim3A_337, %add3A_882 : vector<16xi1>, vector<16xf32>
        %swap3A_883 = arith.constant 1 : i32
        %swap3A_884 = arith.index_cast %scan3A_875 : i32 to index
        %swap3A_885 = arith.index_cast %swap3A_883 : i32 to index
        %swap3A_886 = arith.constant 0 : index
        %swap3A_887 = tpu.vector_load %arg19[%swap3A_884, %swap3A_885, %swap3A_886] {strides = array<i32>} : memref<16x14x64xf32, #tpu.memory_space<vmem>>, vector<16xf32>,
        tpu.vector_store %arg19[%swap3A_884, %swap3A_885, %swap3A_886], %select_n3A {strides = array<i32>} : memref<16x14x64xf32, #tpu.memory_space<vmem>>, vector<16xf32>,
        %mul3A_888 = arith.mulf %gather3A, %get3A_345 : vector<16xf32>
        %add3A_889 = arith.addf %mul3A_888, %get3A_361 : vector<16xf32>
        %select_n3A_890 = arith.select %ne3A, %broadcast_in_dim3A_337, %add3A_889 : vector<16xi1>, vector<16xf32>
        %swap3A_891 = arith.constant 1 : i32
        %swap3A_892 = arith.index_cast %scan3A_875 : i32 to index
        %swap3A_893 = arith.index_cast %swap3A_891 : i32 to index
        %swap3A_894 = arith.constant 16 : index
        %swap3A_895 = tpu.vector_load %arg19[%swap3A_892, %swap3A_893, %swap3A_894] {strides = array<i32>} : memref<16x14x64xf32, #tpu.memory_space<vmem>>, vector<16xf32>,
        tpu.vector_store %arg19[%swap3A_892, %swap3A_893, %swap3A_894], %select_n3A_890 {strides = array<i32>} : memref<16x14x64xf32, #tpu.memory_space<vmem>>, vector<16xf32>,
        %mul3A_896 = arith.mulf %gather3A, %get3A_349 : vector<16xf32>
        %add3A_897 = arith.addf %mul3A_896, %get3A_365 : vector<16xf32>
        %select_n3A_898 = arith.select %ne3A, %broadcast_in_dim3A_337, %add3A_897 : vector<16xi1>, vector<16xf32>
        %swap3A_899 = arith.constant 1 : i32
        %swap3A_900 = arith.index_cast %scan3A_875 : i32 to index
        %swap3A_901 = arith.index_cast %swap3A_899 : i32 to index
        %swap3A_902 = arith.constant 32 : index
        %swap3A_903 = tpu.vector_load %arg19[%swap3A_900, %swap3A_901, %swap3A_902] {strides = array<i32>} : memref<16x14x64xf32, #tpu.memory_space<vmem>>, vector<16xf32>,
        tpu.vector_store %arg19[%swap3A_900, %swap3A_901, %swap3A_902], %select_n3A_898 {strides = array<i32>} : memref<16x14x64xf32, #tpu.memory_space<vmem>>, vector<16xf32>,
        %mul3A_904 = arith.mulf %gather3A, %get3A_353 : vector<16xf32>
        %add3A_905 = arith.addf %mul3A_904, %get3A_369 : vector<16xf32>
        %select_n3A_906 = arith.select %ne3A, %broadcast_in_dim3A_337, %add3A_905 : vector<16xi1>, vector<16xf32>
        %swap3A_907 = arith.constant 1 : i32
        %swap3A_908 = arith.index_cast %scan3A_875 : i32 to index
        %swap3A_909 = arith.index_cast %swap3A_907 : i32 to index
        %swap3A_910 = arith.constant 48 : index
        %swap3A_911 = tpu.vector_load %arg19[%swap3A_908, %swap3A_909, %swap3A_910] {strides = array<i32>} : memref<16x14x64xf32, #tpu.memory_space<vmem>>, vector<16xf32>,
        tpu.vector_store %arg19[%swap3A_908, %swap3A_909, %swap3A_910], %select_n3A_906 {strides = array<i32>} : memref<16x14x64xf32, #tpu.memory_space<vmem>>, vector<16xf32>,
      }
      %scan3A_375 = arith.constant 16 : i32
      %get3A_376 = arith.constant 1 : i32
      %get3A_377 = arith.index_cast %get3A_376 : i32 to index
      %get3A_378 = arith.constant 0 : index
      %get3A_379 = tpu.vector_load %arg11[%get3A_377, %get3A_378] {strides = array<i32>} : memref<13x64xf32, #tpu.memory_space<vmem>>, vector<16xf32>,
      %get3A_380 = arith.constant 1 : i32
      %get3A_381 = arith.index_cast %get3A_380 : i32 to index
      %get3A_382 = arith.constant 16 : index
      %get3A_383 = tpu.vector_load %arg11[%get3A_381, %get3A_382] {strides = array<i32>} : memref<13x64xf32, #tpu.memory_space<vmem>>, vector<16xf32>,
      %get3A_384 = arith.constant 1 : i32
      %get3A_385 = arith.index_cast %get3A_384 : i32 to index
      %get3A_386 = arith.constant 32 : index
      %get3A_387 = tpu.vector_load %arg11[%get3A_385, %get3A_386] {strides = array<i32>} : memref<13x64xf32, #tpu.memory_space<vmem>>, vector<16xf32>,
      %get3A_388 = arith.constant 1 : i32
      %get3A_389 = arith.index_cast %get3A_388 : i32 to index
      %get3A_390 = arith.constant 48 : index
      %get3A_391 = tpu.vector_load %arg11[%get3A_389, %get3A_390] {strides = array<i32>} : memref<13x64xf32, #tpu.memory_space<vmem>>, vector<16xf32>,
      %get3A_392 = arith.constant 1 : i32
      %get3A_393 = arith.index_cast %get3A_392 : i32 to index
      %get3A_394 = arith.constant 0 : index
      %get3A_395 = tpu.vector_load %arg12[%get3A_393, %get3A_394] {strides = array<i32>} : memref<13x64xf32, #tpu.memory_space<vmem>>, vector<16xf32>,
      %get3A_396 = arith.constant 1 : i32
      %get3A_397 = arith.index_cast %get3A_396 : i32 to index
      %get3A_398 = arith.constant 16 : index
      %get3A_399 = tpu.vector_load %arg12[%get3A_397, %get3A_398] {strides = array<i32>} : memref<13x64xf32, #tpu.memory_space<vmem>>, vector<16xf32>,
      %get3A_400 = arith.constant 1 : i32
      %get3A_401 = arith.index_cast %get3A_400 : i32 to index
      %get3A_402 = arith.constant 32 : index
      %get3A_403 = tpu.vector_load %arg12[%get3A_401, %get3A_402] {strides = array<i32>} : memref<13x64xf32, #tpu.memory_space<vmem>>, vector<16xf32>,
      %get3A_404 = arith.constant 1 : i32
      %get3A_405 = arith.index_cast %get3A_404 : i32 to index
      %get3A_406 = arith.constant 48 : index
      %get3A_407 = tpu.vector_load %arg12[%get3A_405, %get3A_406] {strides = array<i32>} : memref<13x64xf32, #tpu.memory_space<vmem>>, vector<16xf32>,
      %scan3A_408 = arith.constant 0 : i32
      %scan3A_409 = arith.constant 0 : i32
      %scan3A_410 = arith.constant 16 : i32
      %scan3A_411 = arith.addi %scan3A_409, %scan3A_410 : i32
      %scan3A_412 = arith.constant 1 : i32
      scf.for %scan3A_875 = %scan3A_409 to %scan3A_411 step %scan3A_412  : i32 {
        %mul3A_876 = arith.constant 13 : i32
        %mul3A_877 = arith.muli %scan3A_875, %mul3A_876 : i32
        %add3A_878 = arith.constant 1 : i32
        %add3A_879 = arith.addi %mul3A_877, %add3A_878 : i32
        %broadcast_in_dim3A_880 = vector.broadcast %add3A_879 : i32 to vector<16xi32>
        %gather3A = tpu.vector_load_idx %arg16[%broadcast_in_dim3A_880] : memref<208xf32, #tpu.memory_space<vmem>>[vector<16xi32>], vector<16xf32>,
        %ne3A = arith.cmpf one, %gather3A, %gather3A : vector<16xf32>
        %mul3A_881 = arith.mulf %gather3A, %get3A_379 : vector<16xf32>
        %add3A_882 = arith.addf %mul3A_881, %get3A_395 : vector<16xf32>
        %select_n3A = arith.select %ne3A, %broadcast_in_dim3A_337, %add3A_882 : vector<16xi1>, vector<16xf32>
        %swap3A_883 = arith.constant 2 : i32
        %swap3A_884 = arith.index_cast %scan3A_875 : i32 to index
        %swap3A_885 = arith.index_cast %swap3A_883 : i32 to index
        %swap3A_886 = arith.constant 0 : index
        %swap3A_887 = tpu.vector_load %arg19[%swap3A_884, %swap3A_885, %swap3A_886] {strides = array<i32>} : memref<16x14x64xf32, #tpu.memory_space<vmem>>, vector<16xf32>,
        tpu.vector_store %arg19[%swap3A_884, %swap3A_885, %swap3A_886], %select_n3A {strides = array<i32>} : memref<16x14x64xf32, #tpu.memory_space<vmem>>, vector<16xf32>,
        %mul3A_888 = arith.mulf %gather3A, %get3A_383 : vector<16xf32>
        %add3A_889 = arith.addf %mul3A_888, %get3A_399 : vector<16xf32>
        %select_n3A_890 = arith.select %ne3A, %broadcast_in_dim3A_337, %add3A_889 : vector<16xi1>, vector<16xf32>
        %swap3A_891 = arith.constant 2 : i32
        %swap3A_892 = arith.index_cast %scan3A_875 : i32 to index
        %swap3A_893 = arith.index_cast %swap3A_891 : i32 to index
        %swap3A_894 = arith.constant 16 : index
        %swap3A_895 = tpu.vector_load %arg19[%swap3A_892, %swap3A_893, %swap3A_894] {strides = array<i32>} : memref<16x14x64xf32, #tpu.memory_space<vmem>>, vector<16xf32>,
        tpu.vector_store %arg19[%swap3A_892, %swap3A_893, %swap3A_894], %select_n3A_890 {strides = array<i32>} : memref<16x14x64xf32, #tpu.memory_space<vmem>>, vector<16xf32>,
        %mul3A_896 = arith.mulf %gather3A, %get3A_387 : vector<16xf32>
        %add3A_897 = arith.addf %mul3A_896, %get3A_403 : vector<16xf32>
        %select_n3A_898 = arith.select %ne3A, %broadcast_in_dim3A_337, %add3A_897 : vector<16xi1>, vector<16xf32>
        %swap3A_899 = arith.constant 2 : i32
        %swap3A_900 = arith.index_cast %scan3A_875 : i32 to index
        %swap3A_901 = arith.index_cast %swap3A_899 : i32 to index
        %swap3A_902 = arith.constant 32 : index
        %swap3A_903 = tpu.vector_load %arg19[%swap3A_900, %swap3A_901, %swap3A_902] {strides = array<i32>} : memref<16x14x64xf32, #tpu.memory_space<vmem>>, vector<16xf32>,
        tpu.vector_store %arg19[%swap3A_900, %swap3A_901, %swap3A_902], %select_n3A_898 {strides = array<i32>} : memref<16x14x64xf32, #tpu.memory_space<vmem>>, vector<16xf32>,
        %mul3A_904 = arith.mulf %gather3A, %get3A_391 : vector<16xf32>
        %add3A_905 = arith.addf %mul3A_904, %get3A_407 : vector<16xf32>
        %select_n3A_906 = arith.select %ne3A, %broadcast_in_dim3A_337, %add3A_905 : vector<16xi1>, vector<16xf32>
        %swap3A_907 = arith.constant 2 : i32
        %swap3A_908 = arith.index_cast %scan3A_875 : i32 to index
        %swap3A_909 = arith.index_cast %swap3A_907 : i32 to index
        %swap3A_910 = arith.constant 48 : index
        %swap3A_911 = tpu.vector_load %arg19[%swap3A_908, %swap3A_909, %swap3A_910] {strides = array<i32>} : memref<16x14x64xf32, #tpu.memory_space<vmem>>, vector<16xf32>,
        tpu.vector_store %arg19[%swap3A_908, %swap3A_909, %swap3A_910], %select_n3A_906 {strides = array<i32>} : memref<16x14x64xf32, #tpu.memory_space<vmem>>, vector<16xf32>,
      }
      %scan3A_413 = arith.constant 16 : i32
      %get3A_414 = arith.constant 2 : i32
      %get3A_415 = arith.index_cast %get3A_414 : i32 to index
      %get3A_416 = arith.constant 0 : index
      %get3A_417 = tpu.vector_load %arg11[%get3A_415, %get3A_416] {strides = array<i32>} : memref<13x64xf32, #tpu.memory_space<vmem>>, vector<16xf32>,
      %get3A_418 = arith.constant 2 : i32
      %get3A_419 = arith.index_cast %get3A_418 : i32 to index
      %get3A_420 = arith.constant 16 : index
      %get3A_421 = tpu.vector_load %arg11[%get3A_419, %get3A_420] {strides = array<i32>} : memref<13x64xf32, #tpu.memory_space<vmem>>, vector<16xf32>,
      %get3A_422 = arith.constant 2 : i32
      %get3A_423 = arith.index_cast %get3A_422 : i32 to index
      %get3A_424 = arith.constant 32 : index
      %get3A_425 = tpu.vector_load %arg11[%get3A_423, %get3A_424] {strides = array<i32>} : memref<13x64xf32, #tpu.memory_space<vmem>>, vector<16xf32>,
      %get3A_426 = arith.constant 2 : i32
      %get3A_427 = arith.index_cast %get3A_426 : i32 to index
      %get3A_428 = arith.constant 48 : index
      %get3A_429 = tpu.vector_load %arg11[%get3A_427, %get3A_428] {strides = array<i32>} : memref<13x64xf32, #tpu.memory_space<vmem>>, vector<16xf32>,
      %get3A_430 = arith.constant 2 : i32
      %get3A_431 = arith.index_cast %get3A_430 : i32 to index
      %get3A_432 = arith.constant 0 : index
      %get3A_433 = tpu.vector_load %arg12[%get3A_431, %get3A_432] {strides = array<i32>} : memref<13x64xf32, #tpu.memory_space<vmem>>, vector<16xf32>,
      %get3A_434 = arith.constant 2 : i32
      %get3A_435 = arith.index_cast %get3A_434 : i32 to index
      %get3A_436 = arith.constant 16 : index
      %get3A_437 = tpu.vector_load %arg12[%get3A_435, %get3A_436] {strides = array<i32>} : memref<13x64xf32, #tpu.memory_space<vmem>>, vector<16xf32>,
      %get3A_438 = arith.constant 2 : i32
      %get3A_439 = arith.index_cast %get3A_438 : i32 to index
      %get3A_440 = arith.constant 32 : index
      %get3A_441 = tpu.vector_load %arg12[%get3A_439, %get3A_440] {strides = array<i32>} : memref<13x64xf32, #tpu.memory_space<vmem>>, vector<16xf32>,
      %get3A_442 = arith.constant 2 : i32
      %get3A_443 = arith.index_cast %get3A_442 : i32 to index
      %get3A_444 = arith.constant 48 : index
      %get3A_445 = tpu.vector_load %arg12[%get3A_443, %get3A_444] {strides = array<i32>} : memref<13x64xf32, #tpu.memory_space<vmem>>, vector<16xf32>,
      %scan3A_446 = arith.constant 0 : i32
      %scan3A_447 = arith.constant 0 : i32
      %scan3A_448 = arith.constant 16 : i32
      %scan3A_449 = arith.addi %scan3A_447, %scan3A_448 : i32
      %scan3A_450 = arith.constant 1 : i32
      scf.for %scan3A_875 = %scan3A_447 to %scan3A_449 step %scan3A_450  : i32 {
        %mul3A_876 = arith.constant 13 : i32
        %mul3A_877 = arith.muli %scan3A_875, %mul3A_876 : i32
        %add3A_878 = arith.constant 2 : i32
        %add3A_879 = arith.addi %mul3A_877, %add3A_878 : i32
        %broadcast_in_dim3A_880 = vector.broadcast %add3A_879 : i32 to vector<16xi32>
        %gather3A = tpu.vector_load_idx %arg16[%broadcast_in_dim3A_880] : memref<208xf32, #tpu.memory_space<vmem>>[vector<16xi32>], vector<16xf32>,
        %ne3A = arith.cmpf one, %gather3A, %gather3A : vector<16xf32>
        %mul3A_881 = arith.mulf %gather3A, %get3A_417 : vector<16xf32>
        %add3A_882 = arith.addf %mul3A_881, %get3A_433 : vector<16xf32>
        %select_n3A = arith.select %ne3A, %broadcast_in_dim3A_337, %add3A_882 : vector<16xi1>, vector<16xf32>
        %swap3A_883 = arith.constant 3 : i32
        %swap3A_884 = arith.index_cast %scan3A_875 : i32 to index
        %swap3A_885 = arith.index_cast %swap3A_883 : i32 to index
        %swap3A_886 = arith.constant 0 : index
        %swap3A_887 = tpu.vector_load %arg19[%swap3A_884, %swap3A_885, %swap3A_886] {strides = array<i32>} : memref<16x14x64xf32, #tpu.memory_space<vmem>>, vector<16xf32>,
        tpu.vector_store %arg19[%swap3A_884, %swap3A_885, %swap3A_886], %select_n3A {strides = array<i32>} : memref<16x14x64xf32, #tpu.memory_space<vmem>>, vector<16xf32>,
        %mul3A_888 = arith.mulf %gather3A, %get3A_421 : vector<16xf32>
        %add3A_889 = arith.addf %mul3A_888, %get3A_437 : vector<16xf32>
        %select_n3A_890 = arith.select %ne3A, %broadcast_in_dim3A_337, %add3A_889 : vector<16xi1>, vector<16xf32>
        %swap3A_891 = arith.constant 3 : i32
        %swap3A_892 = arith.index_cast %scan3A_875 : i32 to index
        %swap3A_893 = arith.index_cast %swap3A_891 : i32 to index
        %swap3A_894 = arith.constant 16 : index
        %swap3A_895 = tpu.vector_load %arg19[%swap3A_892, %swap3A_893, %swap3A_894] {strides = array<i32>} : memref<16x14x64xf32, #tpu.memory_space<vmem>>, vector<16xf32>,
        tpu.vector_store %arg19[%swap3A_892, %swap3A_893, %swap3A_894], %select_n3A_890 {strides = array<i32>} : memref<16x14x64xf32, #tpu.memory_space<vmem>>, vector<16xf32>,
        %mul3A_896 = arith.mulf %gather3A, %get3A_425 : vector<16xf32>
        %add3A_897 = arith.addf %mul3A_896, %get3A_441 : vector<16xf32>
        %select_n3A_898 = arith.select %ne3A, %broadcast_in_dim3A_337, %add3A_897 : vector<16xi1>, vector<16xf32>
        %swap3A_899 = arith.constant 3 : i32
        %swap3A_900 = arith.index_cast %scan3A_875 : i32 to index
        %swap3A_901 = arith.index_cast %swap3A_899 : i32 to index
        %swap3A_902 = arith.constant 32 : index
        %swap3A_903 = tpu.vector_load %arg19[%swap3A_900, %swap3A_901, %swap3A_902] {strides = array<i32>} : memref<16x14x64xf32, #tpu.memory_space<vmem>>, vector<16xf32>,
        tpu.vector_store %arg19[%swap3A_900, %swap3A_901, %swap3A_902], %select_n3A_898 {strides = array<i32>} : memref<16x14x64xf32, #tpu.memory_space<vmem>>, vector<16xf32>,
        %mul3A_904 = arith.mulf %gather3A, %get3A_429 : vector<16xf32>
        %add3A_905 = arith.addf %mul3A_904, %get3A_445 : vector<16xf32>
        %select_n3A_906 = arith.select %ne3A, %broadcast_in_dim3A_337, %add3A_905 : vector<16xi1>, vector<16xf32>
        %swap3A_907 = arith.constant 3 : i32
        %swap3A_908 = arith.index_cast %scan3A_875 : i32 to index
        %swap3A_909 = arith.index_cast %swap3A_907 : i32 to index
        %swap3A_910 = arith.constant 48 : index
        %swap3A_911 = tpu.vector_load %arg19[%swap3A_908, %swap3A_909, %swap3A_910] {strides = array<i32>} : memref<16x14x64xf32, #tpu.memory_space<vmem>>, vector<16xf32>,
        tpu.vector_store %arg19[%swap3A_908, %swap3A_909, %swap3A_910], %select_n3A_906 {strides = array<i32>} : memref<16x14x64xf32, #tpu.memory_space<vmem>>, vector<16xf32>,
      }
      %scan3A_451 = arith.constant 16 : i32
      %get3A_452 = arith.constant 3 : i32
      %get3A_453 = arith.index_cast %get3A_452 : i32 to index
      %get3A_454 = arith.constant 0 : index
      %get3A_455 = tpu.vector_load %arg11[%get3A_453, %get3A_454] {strides = array<i32>} : memref<13x64xf32, #tpu.memory_space<vmem>>, vector<16xf32>,
      %get3A_456 = arith.constant 3 : i32
      %get3A_457 = arith.index_cast %get3A_456 : i32 to index
      %get3A_458 = arith.constant 16 : index
      %get3A_459 = tpu.vector_load %arg11[%get3A_457, %get3A_458] {strides = array<i32>} : memref<13x64xf32, #tpu.memory_space<vmem>>, vector<16xf32>,
      %get3A_460 = arith.constant 3 : i32
      %get3A_461 = arith.index_cast %get3A_460 : i32 to index
      %get3A_462 = arith.constant 32 : index
      %get3A_463 = tpu.vector_load %arg11[%get3A_461, %get3A_462] {strides = array<i32>} : memref<13x64xf32, #tpu.memory_space<vmem>>, vector<16xf32>,
      %get3A_464 = arith.constant 3 : i32
      %get3A_465 = arith.index_cast %get3A_464 : i32 to index
      %get3A_466 = arith.constant 48 : index
      %get3A_467 = tpu.vector_load %arg11[%get3A_465, %get3A_466] {strides = array<i32>} : memref<13x64xf32, #tpu.memory_space<vmem>>, vector<16xf32>,
      %get3A_468 = arith.constant 3 : i32
      %get3A_469 = arith.index_cast %get3A_468 : i32 to index
      %get3A_470 = arith.constant 0 : index
      %get3A_471 = tpu.vector_load %arg12[%get3A_469, %get3A_470] {strides = array<i32>} : memref<13x64xf32, #tpu.memory_space<vmem>>, vector<16xf32>,
      %get3A_472 = arith.constant 3 : i32
      %get3A_473 = arith.index_cast %get3A_472 : i32 to index
      %get3A_474 = arith.constant 16 : index
      %get3A_475 = tpu.vector_load %arg12[%get3A_473, %get3A_474] {strides = array<i32>} : memref<13x64xf32, #tpu.memory_space<vmem>>, vector<16xf32>,
      %get3A_476 = arith.constant 3 : i32
      %get3A_477 = arith.index_cast %get3A_476 : i32 to index
      %get3A_478 = arith.constant 32 : index
      %get3A_479 = tpu.vector_load %arg12[%get3A_477, %get3A_478] {strides = array<i32>} : memref<13x64xf32, #tpu.memory_space<vmem>>, vector<16xf32>,
      %get3A_480 = arith.constant 3 : i32
      %get3A_481 = arith.index_cast %get3A_480 : i32 to index
      %get3A_482 = arith.constant 48 : index
      %get3A_483 = tpu.vector_load %arg12[%get3A_481, %get3A_482] {strides = array<i32>} : memref<13x64xf32, #tpu.memory_space<vmem>>, vector<16xf32>,
      %scan3A_484 = arith.constant 0 : i32
      %scan3A_485 = arith.constant 0 : i32
      %scan3A_486 = arith.constant 16 : i32
      %scan3A_487 = arith.addi %scan3A_485, %scan3A_486 : i32
      %scan3A_488 = arith.constant 1 : i32
      scf.for %scan3A_875 = %scan3A_485 to %scan3A_487 step %scan3A_488  : i32 {
        %mul3A_876 = arith.constant 13 : i32
        %mul3A_877 = arith.muli %scan3A_875, %mul3A_876 : i32
        %add3A_878 = arith.constant 3 : i32
        %add3A_879 = arith.addi %mul3A_877, %add3A_878 : i32
        %broadcast_in_dim3A_880 = vector.broadcast %add3A_879 : i32 to vector<16xi32>
        %gather3A = tpu.vector_load_idx %arg16[%broadcast_in_dim3A_880] : memref<208xf32, #tpu.memory_space<vmem>>[vector<16xi32>], vector<16xf32>,
        %ne3A = arith.cmpf one, %gather3A, %gather3A : vector<16xf32>
        %mul3A_881 = arith.mulf %gather3A, %get3A_455 : vector<16xf32>
        %add3A_882 = arith.addf %mul3A_881, %get3A_471 : vector<16xf32>
        %select_n3A = arith.select %ne3A, %broadcast_in_dim3A_337, %add3A_882 : vector<16xi1>, vector<16xf32>
        %swap3A_883 = arith.constant 4 : i32
        %swap3A_884 = arith.index_cast %scan3A_875 : i32 to index
        %swap3A_885 = arith.index_cast %swap3A_883 : i32 to index
        %swap3A_886 = arith.constant 0 : index
        %swap3A_887 = tpu.vector_load %arg19[%swap3A_884, %swap3A_885, %swap3A_886] {strides = array<i32>} : memref<16x14x64xf32, #tpu.memory_space<vmem>>, vector<16xf32>,
        tpu.vector_store %arg19[%swap3A_884, %swap3A_885, %swap3A_886], %select_n3A {strides = array<i32>} : memref<16x14x64xf32, #tpu.memory_space<vmem>>, vector<16xf32>,
        %mul3A_888 = arith.mulf %gather3A, %get3A_459 : vector<16xf32>
        %add3A_889 = arith.addf %mul3A_888, %get3A_475 : vector<16xf32>
        %select_n3A_890 = arith.select %ne3A, %broadcast_in_dim3A_337, %add3A_889 : vector<16xi1>, vector<16xf32>
        %swap3A_891 = arith.constant 4 : i32
        %swap3A_892 = arith.index_cast %scan3A_875 : i32 to index
        %swap3A_893 = arith.index_cast %swap3A_891 : i32 to index
        %swap3A_894 = arith.constant 16 : index
        %swap3A_895 = tpu.vector_load %arg19[%swap3A_892, %swap3A_893, %swap3A_894] {strides = array<i32>} : memref<16x14x64xf32, #tpu.memory_space<vmem>>, vector<16xf32>,
        tpu.vector_store %arg19[%swap3A_892, %swap3A_893, %swap3A_894], %select_n3A_890 {strides = array<i32>} : memref<16x14x64xf32, #tpu.memory_space<vmem>>, vector<16xf32>,
        %mul3A_896 = arith.mulf %gather3A, %get3A_463 : vector<16xf32>
        %add3A_897 = arith.addf %mul3A_896, %get3A_479 : vector<16xf32>
        %select_n3A_898 = arith.select %ne3A, %broadcast_in_dim3A_337, %add3A_897 : vector<16xi1>, vector<16xf32>
        %swap3A_899 = arith.constant 4 : i32
        %swap3A_900 = arith.index_cast %scan3A_875 : i32 to index
        %swap3A_901 = arith.index_cast %swap3A_899 : i32 to index
        %swap3A_902 = arith.constant 32 : index
        %swap3A_903 = tpu.vector_load %arg19[%swap3A_900, %swap3A_901, %swap3A_902] {strides = array<i32>} : memref<16x14x64xf32, #tpu.memory_space<vmem>>, vector<16xf32>,
        tpu.vector_store %arg19[%swap3A_900, %swap3A_901, %swap3A_902], %select_n3A_898 {strides = array<i32>} : memref<16x14x64xf32, #tpu.memory_space<vmem>>, vector<16xf32>,
        %mul3A_904 = arith.mulf %gather3A, %get3A_467 : vector<16xf32>
        %add3A_905 = arith.addf %mul3A_904, %get3A_483 : vector<16xf32>
        %select_n3A_906 = arith.select %ne3A, %broadcast_in_dim3A_337, %add3A_905 : vector<16xi1>, vector<16xf32>
        %swap3A_907 = arith.constant 4 : i32
        %swap3A_908 = arith.index_cast %scan3A_875 : i32 to index
        %swap3A_909 = arith.index_cast %swap3A_907 : i32 to index
        %swap3A_910 = arith.constant 48 : index
        %swap3A_911 = tpu.vector_load %arg19[%swap3A_908, %swap3A_909, %swap3A_910] {strides = array<i32>} : memref<16x14x64xf32, #tpu.memory_space<vmem>>, vector<16xf32>,
        tpu.vector_store %arg19[%swap3A_908, %swap3A_909, %swap3A_910], %select_n3A_906 {strides = array<i32>} : memref<16x14x64xf32, #tpu.memory_space<vmem>>, vector<16xf32>,
      }
      %scan3A_489 = arith.constant 16 : i32
      %get3A_490 = arith.constant 4 : i32
      %get3A_491 = arith.index_cast %get3A_490 : i32 to index
      %get3A_492 = arith.constant 0 : index
      %get3A_493 = tpu.vector_load %arg11[%get3A_491, %get3A_492] {strides = array<i32>} : memref<13x64xf32, #tpu.memory_space<vmem>>, vector<16xf32>,
      %get3A_494 = arith.constant 4 : i32
      %get3A_495 = arith.index_cast %get3A_494 : i32 to index
      %get3A_496 = arith.constant 16 : index
      %get3A_497 = tpu.vector_load %arg11[%get3A_495, %get3A_496] {strides = array<i32>} : memref<13x64xf32, #tpu.memory_space<vmem>>, vector<16xf32>,
      %get3A_498 = arith.constant 4 : i32
      %get3A_499 = arith.index_cast %get3A_498 : i32 to index
      %get3A_500 = arith.constant 32 : index
      %get3A_501 = tpu.vector_load %arg11[%get3A_499, %get3A_500] {strides = array<i32>} : memref<13x64xf32, #tpu.memory_space<vmem>>, vector<16xf32>,
      %get3A_502 = arith.constant 4 : i32
      %get3A_503 = arith.index_cast %get3A_502 : i32 to index
      %get3A_504 = arith.constant 48 : index
      %get3A_505 = tpu.vector_load %arg11[%get3A_503, %get3A_504] {strides = array<i32>} : memref<13x64xf32, #tpu.memory_space<vmem>>, vector<16xf32>,
      %get3A_506 = arith.constant 4 : i32
      %get3A_507 = arith.index_cast %get3A_506 : i32 to index
      %get3A_508 = arith.constant 0 : index
      %get3A_509 = tpu.vector_load %arg12[%get3A_507, %get3A_508] {strides = array<i32>} : memref<13x64xf32, #tpu.memory_space<vmem>>, vector<16xf32>,
      %get3A_510 = arith.constant 4 : i32
      %get3A_511 = arith.index_cast %get3A_510 : i32 to index
      %get3A_512 = arith.constant 16 : index
      %get3A_513 = tpu.vector_load %arg12[%get3A_511, %get3A_512] {strides = array<i32>} : memref<13x64xf32, #tpu.memory_space<vmem>>, vector<16xf32>,
      %get3A_514 = arith.constant 4 : i32
      %get3A_515 = arith.index_cast %get3A_514 : i32 to index
      %get3A_516 = arith.constant 32 : index
      %get3A_517 = tpu.vector_load %arg12[%get3A_515, %get3A_516] {strides = array<i32>} : memref<13x64xf32, #tpu.memory_space<vmem>>, vector<16xf32>,
      %get3A_518 = arith.constant 4 : i32
      %get3A_519 = arith.index_cast %get3A_518 : i32 to index
      %get3A_520 = arith.constant 48 : index
      %get3A_521 = tpu.vector_load %arg12[%get3A_519, %get3A_520] {strides = array<i32>} : memref<13x64xf32, #tpu.memory_space<vmem>>, vector<16xf32>,
      %scan3A_522 = arith.constant 0 : i32
      %scan3A_523 = arith.constant 0 : i32
      %scan3A_524 = arith.constant 16 : i32
      %scan3A_525 = arith.addi %scan3A_523, %scan3A_524 : i32
      %scan3A_526 = arith.constant 1 : i32
      scf.for %scan3A_875 = %scan3A_523 to %scan3A_525 step %scan3A_526  : i32 {
        %mul3A_876 = arith.constant 13 : i32
        %mul3A_877 = arith.muli %scan3A_875, %mul3A_876 : i32
        %add3A_878 = arith.constant 4 : i32
        %add3A_879 = arith.addi %mul3A_877, %add3A_878 : i32
        %broadcast_in_dim3A_880 = vector.broadcast %add3A_879 : i32 to vector<16xi32>
        %gather3A = tpu.vector_load_idx %arg16[%broadcast_in_dim3A_880] : memref<208xf32, #tpu.memory_space<vmem>>[vector<16xi32>], vector<16xf32>,
        %ne3A = arith.cmpf one, %gather3A, %gather3A : vector<16xf32>
        %mul3A_881 = arith.mulf %gather3A, %get3A_493 : vector<16xf32>
        %add3A_882 = arith.addf %mul3A_881, %get3A_509 : vector<16xf32>
        %select_n3A = arith.select %ne3A, %broadcast_in_dim3A_337, %add3A_882 : vector<16xi1>, vector<16xf32>
        %swap3A_883 = arith.constant 5 : i32
        %swap3A_884 = arith.index_cast %scan3A_875 : i32 to index
        %swap3A_885 = arith.index_cast %swap3A_883 : i32 to index
        %swap3A_886 = arith.constant 0 : index
        %swap3A_887 = tpu.vector_load %arg19[%swap3A_884, %swap3A_885, %swap3A_886] {strides = array<i32>} : memref<16x14x64xf32, #tpu.memory_space<vmem>>, vector<16xf32>,
        tpu.vector_store %arg19[%swap3A_884, %swap3A_885, %swap3A_886], %select_n3A {strides = array<i32>} : memref<16x14x64xf32, #tpu.memory_space<vmem>>, vector<16xf32>,
        %mul3A_888 = arith.mulf %gather3A, %get3A_497 : vector<16xf32>
        %add3A_889 = arith.addf %mul3A_888, %get3A_513 : vector<16xf32>
        %select_n3A_890 = arith.select %ne3A, %broadcast_in_dim3A_337, %add3A_889 : vector<16xi1>, vector<16xf32>
        %swap3A_891 = arith.constant 5 : i32
        %swap3A_892 = arith.index_cast %scan3A_875 : i32 to index
        %swap3A_893 = arith.index_cast %swap3A_891 : i32 to index
        %swap3A_894 = arith.constant 16 : index
        %swap3A_895 = tpu.vector_load %arg19[%swap3A_892, %swap3A_893, %swap3A_894] {strides = array<i32>} : memref<16x14x64xf32, #tpu.memory_space<vmem>>, vector<16xf32>,
        tpu.vector_store %arg19[%swap3A_892, %swap3A_893, %swap3A_894], %select_n3A_890 {strides = array<i32>} : memref<16x14x64xf32, #tpu.memory_space<vmem>>, vector<16xf32>,
        %mul3A_896 = arith.mulf %gather3A, %get3A_501 : vector<16xf32>
        %add3A_897 = arith.addf %mul3A_896, %get3A_517 : vector<16xf32>
        %select_n3A_898 = arith.select %ne3A, %broadcast_in_dim3A_337, %add3A_897 : vector<16xi1>, vector<16xf32>
        %swap3A_899 = arith.constant 5 : i32
        %swap3A_900 = arith.index_cast %scan3A_875 : i32 to index
        %swap3A_901 = arith.index_cast %swap3A_899 : i32 to index
        %swap3A_902 = arith.constant 32 : index
        %swap3A_903 = tpu.vector_load %arg19[%swap3A_900, %swap3A_901, %swap3A_902] {strides = array<i32>} : memref<16x14x64xf32, #tpu.memory_space<vmem>>, vector<16xf32>,
        tpu.vector_store %arg19[%swap3A_900, %swap3A_901, %swap3A_902], %select_n3A_898 {strides = array<i32>} : memref<16x14x64xf32, #tpu.memory_space<vmem>>, vector<16xf32>,
        %mul3A_904 = arith.mulf %gather3A, %get3A_505 : vector<16xf32>
        %add3A_905 = arith.addf %mul3A_904, %get3A_521 : vector<16xf32>
        %select_n3A_906 = arith.select %ne3A, %broadcast_in_dim3A_337, %add3A_905 : vector<16xi1>, vector<16xf32>
        %swap3A_907 = arith.constant 5 : i32
        %swap3A_908 = arith.index_cast %scan3A_875 : i32 to index
        %swap3A_909 = arith.index_cast %swap3A_907 : i32 to index
        %swap3A_910 = arith.constant 48 : index
        %swap3A_911 = tpu.vector_load %arg19[%swap3A_908, %swap3A_909, %swap3A_910] {strides = array<i32>} : memref<16x14x64xf32, #tpu.memory_space<vmem>>, vector<16xf32>,
        tpu.vector_store %arg19[%swap3A_908, %swap3A_909, %swap3A_910], %select_n3A_906 {strides = array<i32>} : memref<16x14x64xf32, #tpu.memory_space<vmem>>, vector<16xf32>,
      }
      %scan3A_527 = arith.constant 16 : i32
      %get3A_528 = arith.constant 5 : i32
      %get3A_529 = arith.index_cast %get3A_528 : i32 to index
      %get3A_530 = arith.constant 0 : index
      %get3A_531 = tpu.vector_load %arg11[%get3A_529, %get3A_530] {strides = array<i32>} : memref<13x64xf32, #tpu.memory_space<vmem>>, vector<16xf32>,
      %get3A_532 = arith.constant 5 : i32
      %get3A_533 = arith.index_cast %get3A_532 : i32 to index
      %get3A_534 = arith.constant 16 : index
      %get3A_535 = tpu.vector_load %arg11[%get3A_533, %get3A_534] {strides = array<i32>} : memref<13x64xf32, #tpu.memory_space<vmem>>, vector<16xf32>,
      %get3A_536 = arith.constant 5 : i32
      %get3A_537 = arith.index_cast %get3A_536 : i32 to index
      %get3A_538 = arith.constant 32 : index
      %get3A_539 = tpu.vector_load %arg11[%get3A_537, %get3A_538] {strides = array<i32>} : memref<13x64xf32, #tpu.memory_space<vmem>>, vector<16xf32>,
      %get3A_540 = arith.constant 5 : i32
      %get3A_541 = arith.index_cast %get3A_540 : i32 to index
      %get3A_542 = arith.constant 48 : index
      %get3A_543 = tpu.vector_load %arg11[%get3A_541, %get3A_542] {strides = array<i32>} : memref<13x64xf32, #tpu.memory_space<vmem>>, vector<16xf32>,
      %get3A_544 = arith.constant 5 : i32
      %get3A_545 = arith.index_cast %get3A_544 : i32 to index
      %get3A_546 = arith.constant 0 : index
      %get3A_547 = tpu.vector_load %arg12[%get3A_545, %get3A_546] {strides = array<i32>} : memref<13x64xf32, #tpu.memory_space<vmem>>, vector<16xf32>,
      %get3A_548 = arith.constant 5 : i32
      %get3A_549 = arith.index_cast %get3A_548 : i32 to index
      %get3A_550 = arith.constant 16 : index
      %get3A_551 = tpu.vector_load %arg12[%get3A_549, %get3A_550] {strides = array<i32>} : memref<13x64xf32, #tpu.memory_space<vmem>>, vector<16xf32>,
      %get3A_552 = arith.constant 5 : i32
      %get3A_553 = arith.index_cast %get3A_552 : i32 to index
      %get3A_554 = arith.constant 32 : index
      %get3A_555 = tpu.vector_load %arg12[%get3A_553, %get3A_554] {strides = array<i32>} : memref<13x64xf32, #tpu.memory_space<vmem>>, vector<16xf32>,
      %get3A_556 = arith.constant 5 : i32
      %get3A_557 = arith.index_cast %get3A_556 : i32 to index
      %get3A_558 = arith.constant 48 : index
      %get3A_559 = tpu.vector_load %arg12[%get3A_557, %get3A_558] {strides = array<i32>} : memref<13x64xf32, #tpu.memory_space<vmem>>, vector<16xf32>,
      %scan3A_560 = arith.constant 0 : i32
      %scan3A_561 = arith.constant 0 : i32
      %scan3A_562 = arith.constant 16 : i32
      %scan3A_563 = arith.addi %scan3A_561, %scan3A_562 : i32
      %scan3A_564 = arith.constant 1 : i32
      scf.for %scan3A_875 = %scan3A_561 to %scan3A_563 step %scan3A_564  : i32 {
        %mul3A_876 = arith.constant 13 : i32
        %mul3A_877 = arith.muli %scan3A_875, %mul3A_876 : i32
        %add3A_878 = arith.constant 5 : i32
        %add3A_879 = arith.addi %mul3A_877, %add3A_878 : i32
        %broadcast_in_dim3A_880 = vector.broadcast %add3A_879 : i32 to vector<16xi32>
        %gather3A = tpu.vector_load_idx %arg16[%broadcast_in_dim3A_880] : memref<208xf32, #tpu.memory_space<vmem>>[vector<16xi32>], vector<16xf32>,
        %ne3A = arith.cmpf one, %gather3A, %gather3A : vector<16xf32>
        %mul3A_881 = arith.mulf %gather3A, %get3A_531 : vector<16xf32>
        %add3A_882 = arith.addf %mul3A_881, %get3A_547 : vector<16xf32>
        %select_n3A = arith.select %ne3A, %broadcast_in_dim3A_337, %add3A_882 : vector<16xi1>, vector<16xf32>
        %swap3A_883 = arith.constant 6 : i32
        %swap3A_884 = arith.index_cast %scan3A_875 : i32 to index
        %swap3A_885 = arith.index_cast %swap3A_883 : i32 to index
        %swap3A_886 = arith.constant 0 : index
        %swap3A_887 = tpu.vector_load %arg19[%swap3A_884, %swap3A_885, %swap3A_886] {strides = array<i32>} : memref<16x14x64xf32, #tpu.memory_space<vmem>>, vector<16xf32>,
        tpu.vector_store %arg19[%swap3A_884, %swap3A_885, %swap3A_886], %select_n3A {strides = array<i32>} : memref<16x14x64xf32, #tpu.memory_space<vmem>>, vector<16xf32>,
        %mul3A_888 = arith.mulf %gather3A, %get3A_535 : vector<16xf32>
        %add3A_889 = arith.addf %mul3A_888, %get3A_551 : vector<16xf32>
        %select_n3A_890 = arith.select %ne3A, %broadcast_in_dim3A_337, %add3A_889 : vector<16xi1>, vector<16xf32>
        %swap3A_891 = arith.constant 6 : i32
        %swap3A_892 = arith.index_cast %scan3A_875 : i32 to index
        %swap3A_893 = arith.index_cast %swap3A_891 : i32 to index
        %swap3A_894 = arith.constant 16 : index
        %swap3A_895 = tpu.vector_load %arg19[%swap3A_892, %swap3A_893, %swap3A_894] {strides = array<i32>} : memref<16x14x64xf32, #tpu.memory_space<vmem>>, vector<16xf32>,
        tpu.vector_store %arg19[%swap3A_892, %swap3A_893, %swap3A_894], %select_n3A_890 {strides = array<i32>} : memref<16x14x64xf32, #tpu.memory_space<vmem>>, vector<16xf32>,
        %mul3A_896 = arith.mulf %gather3A, %get3A_539 : vector<16xf32>
        %add3A_897 = arith.addf %mul3A_896, %get3A_555 : vector<16xf32>
        %select_n3A_898 = arith.select %ne3A, %broadcast_in_dim3A_337, %add3A_897 : vector<16xi1>, vector<16xf32>
        %swap3A_899 = arith.constant 6 : i32
        %swap3A_900 = arith.index_cast %scan3A_875 : i32 to index
        %swap3A_901 = arith.index_cast %swap3A_899 : i32 to index
        %swap3A_902 = arith.constant 32 : index
        %swap3A_903 = tpu.vector_load %arg19[%swap3A_900, %swap3A_901, %swap3A_902] {strides = array<i32>} : memref<16x14x64xf32, #tpu.memory_space<vmem>>, vector<16xf32>,
        tpu.vector_store %arg19[%swap3A_900, %swap3A_901, %swap3A_902], %select_n3A_898 {strides = array<i32>} : memref<16x14x64xf32, #tpu.memory_space<vmem>>, vector<16xf32>,
        %mul3A_904 = arith.mulf %gather3A, %get3A_543 : vector<16xf32>
        %add3A_905 = arith.addf %mul3A_904, %get3A_559 : vector<16xf32>
        %select_n3A_906 = arith.select %ne3A, %broadcast_in_dim3A_337, %add3A_905 : vector<16xi1>, vector<16xf32>
        %swap3A_907 = arith.constant 6 : i32
        %swap3A_908 = arith.index_cast %scan3A_875 : i32 to index
        %swap3A_909 = arith.index_cast %swap3A_907 : i32 to index
        %swap3A_910 = arith.constant 48 : index
        %swap3A_911 = tpu.vector_load %arg19[%swap3A_908, %swap3A_909, %swap3A_910] {strides = array<i32>} : memref<16x14x64xf32, #tpu.memory_space<vmem>>, vector<16xf32>,
        tpu.vector_store %arg19[%swap3A_908, %swap3A_909, %swap3A_910], %select_n3A_906 {strides = array<i32>} : memref<16x14x64xf32, #tpu.memory_space<vmem>>, vector<16xf32>,
      }
      %scan3A_565 = arith.constant 16 : i32
      %get3A_566 = arith.constant 6 : i32
      %get3A_567 = arith.index_cast %get3A_566 : i32 to index
      %get3A_568 = arith.constant 0 : index
      %get3A_569 = tpu.vector_load %arg11[%get3A_567, %get3A_568] {strides = array<i32>} : memref<13x64xf32, #tpu.memory_space<vmem>>, vector<16xf32>,
      %get3A_570 = arith.constant 6 : i32
      %get3A_571 = arith.index_cast %get3A_570 : i32 to index
      %get3A_572 = arith.constant 16 : index
      %get3A_573 = tpu.vector_load %arg11[%get3A_571, %get3A_572] {strides = array<i32>} : memref<13x64xf32, #tpu.memory_space<vmem>>, vector<16xf32>,
      %get3A_574 = arith.constant 6 : i32
      %get3A_575 = arith.index_cast %get3A_574 : i32 to index
      %get3A_576 = arith.constant 32 : index
      %get3A_577 = tpu.vector_load %arg11[%get3A_575, %get3A_576] {strides = array<i32>} : memref<13x64xf32, #tpu.memory_space<vmem>>, vector<16xf32>,
      %get3A_578 = arith.constant 6 : i32
      %get3A_579 = arith.index_cast %get3A_578 : i32 to index
      %get3A_580 = arith.constant 48 : index
      %get3A_581 = tpu.vector_load %arg11[%get3A_579, %get3A_580] {strides = array<i32>} : memref<13x64xf32, #tpu.memory_space<vmem>>, vector<16xf32>,
      %get3A_582 = arith.constant 6 : i32
      %get3A_583 = arith.index_cast %get3A_582 : i32 to index
      %get3A_584 = arith.constant 0 : index
      %get3A_585 = tpu.vector_load %arg12[%get3A_583, %get3A_584] {strides = array<i32>} : memref<13x64xf32, #tpu.memory_space<vmem>>, vector<16xf32>,
      %get3A_586 = arith.constant 6 : i32
      %get3A_587 = arith.index_cast %get3A_586 : i32 to index
      %get3A_588 = arith.constant 16 : index
      %get3A_589 = tpu.vector_load %arg12[%get3A_587, %get3A_588] {strides = array<i32>} : memref<13x64xf32, #tpu.memory_space<vmem>>, vector<16xf32>,
      %get3A_590 = arith.constant 6 : i32
      %get3A_591 = arith.index_cast %get3A_590 : i32 to index
      %get3A_592 = arith.constant 32 : index
      %get3A_593 = tpu.vector_load %arg12[%get3A_591, %get3A_592] {strides = array<i32>} : memref<13x64xf32, #tpu.memory_space<vmem>>, vector<16xf32>,
      %get3A_594 = arith.constant 6 : i32
      %get3A_595 = arith.index_cast %get3A_594 : i32 to index
      %get3A_596 = arith.constant 48 : index
      %get3A_597 = tpu.vector_load %arg12[%get3A_595, %get3A_596] {strides = array<i32>} : memref<13x64xf32, #tpu.memory_space<vmem>>, vector<16xf32>,
      %scan3A_598 = arith.constant 0 : i32
      %scan3A_599 = arith.constant 0 : i32
      %scan3A_600 = arith.constant 16 : i32
      %scan3A_601 = arith.addi %scan3A_599, %scan3A_600 : i32
      %scan3A_602 = arith.constant 1 : i32
      scf.for %scan3A_875 = %scan3A_599 to %scan3A_601 step %scan3A_602  : i32 {
        %mul3A_876 = arith.constant 13 : i32
        %mul3A_877 = arith.muli %scan3A_875, %mul3A_876 : i32
        %add3A_878 = arith.constant 6 : i32
        %add3A_879 = arith.addi %mul3A_877, %add3A_878 : i32
        %broadcast_in_dim3A_880 = vector.broadcast %add3A_879 : i32 to vector<16xi32>
        %gather3A = tpu.vector_load_idx %arg16[%broadcast_in_dim3A_880] : memref<208xf32, #tpu.memory_space<vmem>>[vector<16xi32>], vector<16xf32>,
        %ne3A = arith.cmpf one, %gather3A, %gather3A : vector<16xf32>
        %mul3A_881 = arith.mulf %gather3A, %get3A_569 : vector<16xf32>
        %add3A_882 = arith.addf %mul3A_881, %get3A_585 : vector<16xf32>
        %select_n3A = arith.select %ne3A, %broadcast_in_dim3A_337, %add3A_882 : vector<16xi1>, vector<16xf32>
        %swap3A_883 = arith.constant 7 : i32
        %swap3A_884 = arith.index_cast %scan3A_875 : i32 to index
        %swap3A_885 = arith.index_cast %swap3A_883 : i32 to index
        %swap3A_886 = arith.constant 0 : index
        %swap3A_887 = tpu.vector_load %arg19[%swap3A_884, %swap3A_885, %swap3A_886] {strides = array<i32>} : memref<16x14x64xf32, #tpu.memory_space<vmem>>, vector<16xf32>,
        tpu.vector_store %arg19[%swap3A_884, %swap3A_885, %swap3A_886], %select_n3A {strides = array<i32>} : memref<16x14x64xf32, #tpu.memory_space<vmem>>, vector<16xf32>,
        %mul3A_888 = arith.mulf %gather3A, %get3A_573 : vector<16xf32>
        %add3A_889 = arith.addf %mul3A_888, %get3A_589 : vector<16xf32>
        %select_n3A_890 = arith.select %ne3A, %broadcast_in_dim3A_337, %add3A_889 : vector<16xi1>, vector<16xf32>
        %swap3A_891 = arith.constant 7 : i32
        %swap3A_892 = arith.index_cast %scan3A_875 : i32 to index
        %swap3A_893 = arith.index_cast %swap3A_891 : i32 to index
        %swap3A_894 = arith.constant 16 : index
        %swap3A_895 = tpu.vector_load %arg19[%swap3A_892, %swap3A_893, %swap3A_894] {strides = array<i32>} : memref<16x14x64xf32, #tpu.memory_space<vmem>>, vector<16xf32>,
        tpu.vector_store %arg19[%swap3A_892, %swap3A_893, %swap3A_894], %select_n3A_890 {strides = array<i32>} : memref<16x14x64xf32, #tpu.memory_space<vmem>>, vector<16xf32>,
        %mul3A_896 = arith.mulf %gather3A, %get3A_577 : vector<16xf32>
        %add3A_897 = arith.addf %mul3A_896, %get3A_593 : vector<16xf32>
        %select_n3A_898 = arith.select %ne3A, %broadcast_in_dim3A_337, %add3A_897 : vector<16xi1>, vector<16xf32>
        %swap3A_899 = arith.constant 7 : i32
        %swap3A_900 = arith.index_cast %scan3A_875 : i32 to index
        %swap3A_901 = arith.index_cast %swap3A_899 : i32 to index
        %swap3A_902 = arith.constant 32 : index
        %swap3A_903 = tpu.vector_load %arg19[%swap3A_900, %swap3A_901, %swap3A_902] {strides = array<i32>} : memref<16x14x64xf32, #tpu.memory_space<vmem>>, vector<16xf32>,
        tpu.vector_store %arg19[%swap3A_900, %swap3A_901, %swap3A_902], %select_n3A_898 {strides = array<i32>} : memref<16x14x64xf32, #tpu.memory_space<vmem>>, vector<16xf32>,
        %mul3A_904 = arith.mulf %gather3A, %get3A_581 : vector<16xf32>
        %add3A_905 = arith.addf %mul3A_904, %get3A_597 : vector<16xf32>
        %select_n3A_906 = arith.select %ne3A, %broadcast_in_dim3A_337, %add3A_905 : vector<16xi1>, vector<16xf32>
        %swap3A_907 = arith.constant 7 : i32
        %swap3A_908 = arith.index_cast %scan3A_875 : i32 to index
        %swap3A_909 = arith.index_cast %swap3A_907 : i32 to index
        %swap3A_910 = arith.constant 48 : index
        %swap3A_911 = tpu.vector_load %arg19[%swap3A_908, %swap3A_909, %swap3A_910] {strides = array<i32>} : memref<16x14x64xf32, #tpu.memory_space<vmem>>, vector<16xf32>,
        tpu.vector_store %arg19[%swap3A_908, %swap3A_909, %swap3A_910], %select_n3A_906 {strides = array<i32>} : memref<16x14x64xf32, #tpu.memory_space<vmem>>, vector<16xf32>,
      }
      %scan3A_603 = arith.constant 16 : i32
      %get3A_604 = arith.constant 7 : i32
      %get3A_605 = arith.index_cast %get3A_604 : i32 to index
      %get3A_606 = arith.constant 0 : index
      %get3A_607 = tpu.vector_load %arg11[%get3A_605, %get3A_606] {strides = array<i32>} : memref<13x64xf32, #tpu.memory_space<vmem>>, vector<16xf32>,
      %get3A_608 = arith.constant 7 : i32
      %get3A_609 = arith.index_cast %get3A_608 : i32 to index
      %get3A_610 = arith.constant 16 : index
      %get3A_611 = tpu.vector_load %arg11[%get3A_609, %get3A_610] {strides = array<i32>} : memref<13x64xf32, #tpu.memory_space<vmem>>, vector<16xf32>,
      %get3A_612 = arith.constant 7 : i32
      %get3A_613 = arith.index_cast %get3A_612 : i32 to index
      %get3A_614 = arith.constant 32 : index
      %get3A_615 = tpu.vector_load %arg11[%get3A_613, %get3A_614] {strides = array<i32>} : memref<13x64xf32, #tpu.memory_space<vmem>>, vector<16xf32>,
      %get3A_616 = arith.constant 7 : i32
      %get3A_617 = arith.index_cast %get3A_616 : i32 to index
      %get3A_618 = arith.constant 48 : index
      %get3A_619 = tpu.vector_load %arg11[%get3A_617, %get3A_618] {strides = array<i32>} : memref<13x64xf32, #tpu.memory_space<vmem>>, vector<16xf32>,
      %get3A_620 = arith.constant 7 : i32
      %get3A_621 = arith.index_cast %get3A_620 : i32 to index
      %get3A_622 = arith.constant 0 : index
      %get3A_623 = tpu.vector_load %arg12[%get3A_621, %get3A_622] {strides = array<i32>} : memref<13x64xf32, #tpu.memory_space<vmem>>, vector<16xf32>,
      %get3A_624 = arith.constant 7 : i32
      %get3A_625 = arith.index_cast %get3A_624 : i32 to index
      %get3A_626 = arith.constant 16 : index
      %get3A_627 = tpu.vector_load %arg12[%get3A_625, %get3A_626] {strides = array<i32>} : memref<13x64xf32, #tpu.memory_space<vmem>>, vector<16xf32>,
      %get3A_628 = arith.constant 7 : i32
      %get3A_629 = arith.index_cast %get3A_628 : i32 to index
      %get3A_630 = arith.constant 32 : index
      %get3A_631 = tpu.vector_load %arg12[%get3A_629, %get3A_630] {strides = array<i32>} : memref<13x64xf32, #tpu.memory_space<vmem>>, vector<16xf32>,
      %get3A_632 = arith.constant 7 : i32
      %get3A_633 = arith.index_cast %get3A_632 : i32 to index
      %get3A_634 = arith.constant 48 : index
      %get3A_635 = tpu.vector_load %arg12[%get3A_633, %get3A_634] {strides = array<i32>} : memref<13x64xf32, #tpu.memory_space<vmem>>, vector<16xf32>,
      %scan3A_636 = arith.constant 0 : i32
      %scan3A_637 = arith.constant 0 : i32
      %scan3A_638 = arith.constant 16 : i32
      %scan3A_639 = arith.addi %scan3A_637, %scan3A_638 : i32
      %scan3A_640 = arith.constant 1 : i32
      scf.for %scan3A_875 = %scan3A_637 to %scan3A_639 step %scan3A_640  : i32 {
        %mul3A_876 = arith.constant 13 : i32
        %mul3A_877 = arith.muli %scan3A_875, %mul3A_876 : i32
        %add3A_878 = arith.constant 7 : i32
        %add3A_879 = arith.addi %mul3A_877, %add3A_878 : i32
        %broadcast_in_dim3A_880 = vector.broadcast %add3A_879 : i32 to vector<16xi32>
        %gather3A = tpu.vector_load_idx %arg16[%broadcast_in_dim3A_880] : memref<208xf32, #tpu.memory_space<vmem>>[vector<16xi32>], vector<16xf32>,
        %ne3A = arith.cmpf one, %gather3A, %gather3A : vector<16xf32>
        %mul3A_881 = arith.mulf %gather3A, %get3A_607 : vector<16xf32>
        %add3A_882 = arith.addf %mul3A_881, %get3A_623 : vector<16xf32>
        %select_n3A = arith.select %ne3A, %broadcast_in_dim3A_337, %add3A_882 : vector<16xi1>, vector<16xf32>
        %swap3A_883 = arith.constant 8 : i32
        %swap3A_884 = arith.index_cast %scan3A_875 : i32 to index
        %swap3A_885 = arith.index_cast %swap3A_883 : i32 to index
        %swap3A_886 = arith.constant 0 : index
        %swap3A_887 = tpu.vector_load %arg19[%swap3A_884, %swap3A_885, %swap3A_886] {strides = array<i32>} : memref<16x14x64xf32, #tpu.memory_space<vmem>>, vector<16xf32>,
        tpu.vector_store %arg19[%swap3A_884, %swap3A_885, %swap3A_886], %select_n3A {strides = array<i32>} : memref<16x14x64xf32, #tpu.memory_space<vmem>>, vector<16xf32>,
        %mul3A_888 = arith.mulf %gather3A, %get3A_611 : vector<16xf32>
        %add3A_889 = arith.addf %mul3A_888, %get3A_627 : vector<16xf32>
        %select_n3A_890 = arith.select %ne3A, %broadcast_in_dim3A_337, %add3A_889 : vector<16xi1>, vector<16xf32>
        %swap3A_891 = arith.constant 8 : i32
        %swap3A_892 = arith.index_cast %scan3A_875 : i32 to index
        %swap3A_893 = arith.index_cast %swap3A_891 : i32 to index
        %swap3A_894 = arith.constant 16 : index
        %swap3A_895 = tpu.vector_load %arg19[%swap3A_892, %swap3A_893, %swap3A_894] {strides = array<i32>} : memref<16x14x64xf32, #tpu.memory_space<vmem>>, vector<16xf32>,
        tpu.vector_store %arg19[%swap3A_892, %swap3A_893, %swap3A_894], %select_n3A_890 {strides = array<i32>} : memref<16x14x64xf32, #tpu.memory_space<vmem>>, vector<16xf32>,
        %mul3A_896 = arith.mulf %gather3A, %get3A_615 : vector<16xf32>
        %add3A_897 = arith.addf %mul3A_896, %get3A_631 : vector<16xf32>
        %select_n3A_898 = arith.select %ne3A, %broadcast_in_dim3A_337, %add3A_897 : vector<16xi1>, vector<16xf32>
        %swap3A_899 = arith.constant 8 : i32
        %swap3A_900 = arith.index_cast %scan3A_875 : i32 to index
        %swap3A_901 = arith.index_cast %swap3A_899 : i32 to index
        %swap3A_902 = arith.constant 32 : index
        %swap3A_903 = tpu.vector_load %arg19[%swap3A_900, %swap3A_901, %swap3A_902] {strides = array<i32>} : memref<16x14x64xf32, #tpu.memory_space<vmem>>, vector<16xf32>,
        tpu.vector_store %arg19[%swap3A_900, %swap3A_901, %swap3A_902], %select_n3A_898 {strides = array<i32>} : memref<16x14x64xf32, #tpu.memory_space<vmem>>, vector<16xf32>,
        %mul3A_904 = arith.mulf %gather3A, %get3A_619 : vector<16xf32>
        %add3A_905 = arith.addf %mul3A_904, %get3A_635 : vector<16xf32>
        %select_n3A_906 = arith.select %ne3A, %broadcast_in_dim3A_337, %add3A_905 : vector<16xi1>, vector<16xf32>
        %swap3A_907 = arith.constant 8 : i32
        %swap3A_908 = arith.index_cast %scan3A_875 : i32 to index
        %swap3A_909 = arith.index_cast %swap3A_907 : i32 to index
        %swap3A_910 = arith.constant 48 : index
        %swap3A_911 = tpu.vector_load %arg19[%swap3A_908, %swap3A_909, %swap3A_910] {strides = array<i32>} : memref<16x14x64xf32, #tpu.memory_space<vmem>>, vector<16xf32>,
        tpu.vector_store %arg19[%swap3A_908, %swap3A_909, %swap3A_910], %select_n3A_906 {strides = array<i32>} : memref<16x14x64xf32, #tpu.memory_space<vmem>>, vector<16xf32>,
      }
      %scan3A_641 = arith.constant 16 : i32
      %get3A_642 = arith.constant 8 : i32
      %get3A_643 = arith.index_cast %get3A_642 : i32 to index
      %get3A_644 = arith.constant 0 : index
      %get3A_645 = tpu.vector_load %arg11[%get3A_643, %get3A_644] {strides = array<i32>} : memref<13x64xf32, #tpu.memory_space<vmem>>, vector<16xf32>,
      %get3A_646 = arith.constant 8 : i32
      %get3A_647 = arith.index_cast %get3A_646 : i32 to index
      %get3A_648 = arith.constant 16 : index
      %get3A_649 = tpu.vector_load %arg11[%get3A_647, %get3A_648] {strides = array<i32>} : memref<13x64xf32, #tpu.memory_space<vmem>>, vector<16xf32>,
      %get3A_650 = arith.constant 8 : i32
      %get3A_651 = arith.index_cast %get3A_650 : i32 to index
      %get3A_652 = arith.constant 32 : index
      %get3A_653 = tpu.vector_load %arg11[%get3A_651, %get3A_652] {strides = array<i32>} : memref<13x64xf32, #tpu.memory_space<vmem>>, vector<16xf32>,
      %get3A_654 = arith.constant 8 : i32
      %get3A_655 = arith.index_cast %get3A_654 : i32 to index
      %get3A_656 = arith.constant 48 : index
      %get3A_657 = tpu.vector_load %arg11[%get3A_655, %get3A_656] {strides = array<i32>} : memref<13x64xf32, #tpu.memory_space<vmem>>, vector<16xf32>,
      %get3A_658 = arith.constant 8 : i32
      %get3A_659 = arith.index_cast %get3A_658 : i32 to index
      %get3A_660 = arith.constant 0 : index
      %get3A_661 = tpu.vector_load %arg12[%get3A_659, %get3A_660] {strides = array<i32>} : memref<13x64xf32, #tpu.memory_space<vmem>>, vector<16xf32>,
      %get3A_662 = arith.constant 8 : i32
      %get3A_663 = arith.index_cast %get3A_662 : i32 to index
      %get3A_664 = arith.constant 16 : index
      %get3A_665 = tpu.vector_load %arg12[%get3A_663, %get3A_664] {strides = array<i32>} : memref<13x64xf32, #tpu.memory_space<vmem>>, vector<16xf32>,
      %get3A_666 = arith.constant 8 : i32
      %get3A_667 = arith.index_cast %get3A_666 : i32 to index
      %get3A_668 = arith.constant 32 : index
      %get3A_669 = tpu.vector_load %arg12[%get3A_667, %get3A_668] {strides = array<i32>} : memref<13x64xf32, #tpu.memory_space<vmem>>, vector<16xf32>,
      %get3A_670 = arith.constant 8 : i32
      %get3A_671 = arith.index_cast %get3A_670 : i32 to index
      %get3A_672 = arith.constant 48 : index
      %get3A_673 = tpu.vector_load %arg12[%get3A_671, %get3A_672] {strides = array<i32>} : memref<13x64xf32, #tpu.memory_space<vmem>>, vector<16xf32>,
      %scan3A_674 = arith.constant 0 : i32
      %scan3A_675 = arith.constant 0 : i32
      %scan3A_676 = arith.constant 16 : i32
      %scan3A_677 = arith.addi %scan3A_675, %scan3A_676 : i32
      %scan3A_678 = arith.constant 1 : i32
      scf.for %scan3A_875 = %scan3A_675 to %scan3A_677 step %scan3A_678  : i32 {
        %mul3A_876 = arith.constant 13 : i32
        %mul3A_877 = arith.muli %scan3A_875, %mul3A_876 : i32
        %add3A_878 = arith.constant 8 : i32
        %add3A_879 = arith.addi %mul3A_877, %add3A_878 : i32
        %broadcast_in_dim3A_880 = vector.broadcast %add3A_879 : i32 to vector<16xi32>
        %gather3A = tpu.vector_load_idx %arg16[%broadcast_in_dim3A_880] : memref<208xf32, #tpu.memory_space<vmem>>[vector<16xi32>], vector<16xf32>,
        %ne3A = arith.cmpf one, %gather3A, %gather3A : vector<16xf32>
        %mul3A_881 = arith.mulf %gather3A, %get3A_645 : vector<16xf32>
        %add3A_882 = arith.addf %mul3A_881, %get3A_661 : vector<16xf32>
        %select_n3A = arith.select %ne3A, %broadcast_in_dim3A_337, %add3A_882 : vector<16xi1>, vector<16xf32>
        %swap3A_883 = arith.constant 9 : i32
        %swap3A_884 = arith.index_cast %scan3A_875 : i32 to index
        %swap3A_885 = arith.index_cast %swap3A_883 : i32 to index
        %swap3A_886 = arith.constant 0 : index
        %swap3A_887 = tpu.vector_load %arg19[%swap3A_884, %swap3A_885, %swap3A_886] {strides = array<i32>} : memref<16x14x64xf32, #tpu.memory_space<vmem>>, vector<16xf32>,
        tpu.vector_store %arg19[%swap3A_884, %swap3A_885, %swap3A_886], %select_n3A {strides = array<i32>} : memref<16x14x64xf32, #tpu.memory_space<vmem>>, vector<16xf32>,
        %mul3A_888 = arith.mulf %gather3A, %get3A_649 : vector<16xf32>
        %add3A_889 = arith.addf %mul3A_888, %get3A_665 : vector<16xf32>
        %select_n3A_890 = arith.select %ne3A, %broadcast_in_dim3A_337, %add3A_889 : vector<16xi1>, vector<16xf32>
        %swap3A_891 = arith.constant 9 : i32
        %swap3A_892 = arith.index_cast %scan3A_875 : i32 to index
        %swap3A_893 = arith.index_cast %swap3A_891 : i32 to index
        %swap3A_894 = arith.constant 16 : index
        %swap3A_895 = tpu.vector_load %arg19[%swap3A_892, %swap3A_893, %swap3A_894] {strides = array<i32>} : memref<16x14x64xf32, #tpu.memory_space<vmem>>, vector<16xf32>,
        tpu.vector_store %arg19[%swap3A_892, %swap3A_893, %swap3A_894], %select_n3A_890 {strides = array<i32>} : memref<16x14x64xf32, #tpu.memory_space<vmem>>, vector<16xf32>,
        %mul3A_896 = arith.mulf %gather3A, %get3A_653 : vector<16xf32>
        %add3A_897 = arith.addf %mul3A_896, %get3A_669 : vector<16xf32>
        %select_n3A_898 = arith.select %ne3A, %broadcast_in_dim3A_337, %add3A_897 : vector<16xi1>, vector<16xf32>
        %swap3A_899 = arith.constant 9 : i32
        %swap3A_900 = arith.index_cast %scan3A_875 : i32 to index
        %swap3A_901 = arith.index_cast %swap3A_899 : i32 to index
        %swap3A_902 = arith.constant 32 : index
        %swap3A_903 = tpu.vector_load %arg19[%swap3A_900, %swap3A_901, %swap3A_902] {strides = array<i32>} : memref<16x14x64xf32, #tpu.memory_space<vmem>>, vector<16xf32>,
        tpu.vector_store %arg19[%swap3A_900, %swap3A_901, %swap3A_902], %select_n3A_898 {strides = array<i32>} : memref<16x14x64xf32, #tpu.memory_space<vmem>>, vector<16xf32>,
        %mul3A_904 = arith.mulf %gather3A, %get3A_657 : vector<16xf32>
        %add3A_905 = arith.addf %mul3A_904, %get3A_673 : vector<16xf32>
        %select_n3A_906 = arith.select %ne3A, %broadcast_in_dim3A_337, %add3A_905 : vector<16xi1>, vector<16xf32>
        %swap3A_907 = arith.constant 9 : i32
        %swap3A_908 = arith.index_cast %scan3A_875 : i32 to index
        %swap3A_909 = arith.index_cast %swap3A_907 : i32 to index
        %swap3A_910 = arith.constant 48 : index
        %swap3A_911 = tpu.vector_load %arg19[%swap3A_908, %swap3A_909, %swap3A_910] {strides = array<i32>} : memref<16x14x64xf32, #tpu.memory_space<vmem>>, vector<16xf32>,
        tpu.vector_store %arg19[%swap3A_908, %swap3A_909, %swap3A_910], %select_n3A_906 {strides = array<i32>} : memref<16x14x64xf32, #tpu.memory_space<vmem>>, vector<16xf32>,
      }
      %scan3A_679 = arith.constant 16 : i32
      %get3A_680 = arith.constant 9 : i32
      %get3A_681 = arith.index_cast %get3A_680 : i32 to index
      %get3A_682 = arith.constant 0 : index
      %get3A_683 = tpu.vector_load %arg11[%get3A_681, %get3A_682] {strides = array<i32>} : memref<13x64xf32, #tpu.memory_space<vmem>>, vector<16xf32>,
      %get3A_684 = arith.constant 9 : i32
      %get3A_685 = arith.index_cast %get3A_684 : i32 to index
      %get3A_686 = arith.constant 16 : index
      %get3A_687 = tpu.vector_load %arg11[%get3A_685, %get3A_686] {strides = array<i32>} : memref<13x64xf32, #tpu.memory_space<vmem>>, vector<16xf32>,
      %get3A_688 = arith.constant 9 : i32
      %get3A_689 = arith.index_cast %get3A_688 : i32 to index
      %get3A_690 = arith.constant 32 : index
      %get3A_691 = tpu.vector_load %arg11[%get3A_689, %get3A_690] {strides = array<i32>} : memref<13x64xf32, #tpu.memory_space<vmem>>, vector<16xf32>,
      %get3A_692 = arith.constant 9 : i32
      %get3A_693 = arith.index_cast %get3A_692 : i32 to index
      %get3A_694 = arith.constant 48 : index
      %get3A_695 = tpu.vector_load %arg11[%get3A_693, %get3A_694] {strides = array<i32>} : memref<13x64xf32, #tpu.memory_space<vmem>>, vector<16xf32>,
      %get3A_696 = arith.constant 9 : i32
      %get3A_697 = arith.index_cast %get3A_696 : i32 to index
      %get3A_698 = arith.constant 0 : index
      %get3A_699 = tpu.vector_load %arg12[%get3A_697, %get3A_698] {strides = array<i32>} : memref<13x64xf32, #tpu.memory_space<vmem>>, vector<16xf32>,
      %get3A_700 = arith.constant 9 : i32
      %get3A_701 = arith.index_cast %get3A_700 : i32 to index
      %get3A_702 = arith.constant 16 : index
      %get3A_703 = tpu.vector_load %arg12[%get3A_701, %get3A_702] {strides = array<i32>} : memref<13x64xf32, #tpu.memory_space<vmem>>, vector<16xf32>,
      %get3A_704 = arith.constant 9 : i32
      %get3A_705 = arith.index_cast %get3A_704 : i32 to index
      %get3A_706 = arith.constant 32 : index
      %get3A_707 = tpu.vector_load %arg12[%get3A_705, %get3A_706] {strides = array<i32>} : memref<13x64xf32, #tpu.memory_space<vmem>>, vector<16xf32>,
      %get3A_708 = arith.constant 9 : i32
      %get3A_709 = arith.index_cast %get3A_708 : i32 to index
      %get3A_710 = arith.constant 48 : index
      %get3A_711 = tpu.vector_load %arg12[%get3A_709, %get3A_710] {strides = array<i32>} : memref<13x64xf32, #tpu.memory_space<vmem>>, vector<16xf32>,
      %scan3A_712 = arith.constant 0 : i32
      %scan3A_713 = arith.constant 0 : i32
      %scan3A_714 = arith.constant 16 : i32
      %scan3A_715 = arith.addi %scan3A_713, %scan3A_714 : i32
      %scan3A_716 = arith.constant 1 : i32
      scf.for %scan3A_875 = %scan3A_713 to %scan3A_715 step %scan3A_716  : i32 {
        %mul3A_876 = arith.constant 13 : i32
        %mul3A_877 = arith.muli %scan3A_875, %mul3A_876 : i32
        %add3A_878 = arith.constant 9 : i32
        %add3A_879 = arith.addi %mul3A_877, %add3A_878 : i32
        %broadcast_in_dim3A_880 = vector.broadcast %add3A_879 : i32 to vector<16xi32>
        %gather3A = tpu.vector_load_idx %arg16[%broadcast_in_dim3A_880] : memref<208xf32, #tpu.memory_space<vmem>>[vector<16xi32>], vector<16xf32>,
        %ne3A = arith.cmpf one, %gather3A, %gather3A : vector<16xf32>
        %mul3A_881 = arith.mulf %gather3A, %get3A_683 : vector<16xf32>
        %add3A_882 = arith.addf %mul3A_881, %get3A_699 : vector<16xf32>
        %select_n3A = arith.select %ne3A, %broadcast_in_dim3A_337, %add3A_882 : vector<16xi1>, vector<16xf32>
        %swap3A_883 = arith.constant 10 : i32
        %swap3A_884 = arith.index_cast %scan3A_875 : i32 to index
        %swap3A_885 = arith.index_cast %swap3A_883 : i32 to index
        %swap3A_886 = arith.constant 0 : index
        %swap3A_887 = tpu.vector_load %arg19[%swap3A_884, %swap3A_885, %swap3A_886] {strides = array<i32>} : memref<16x14x64xf32, #tpu.memory_space<vmem>>, vector<16xf32>,
        tpu.vector_store %arg19[%swap3A_884, %swap3A_885, %swap3A_886], %select_n3A {strides = array<i32>} : memref<16x14x64xf32, #tpu.memory_space<vmem>>, vector<16xf32>,
        %mul3A_888 = arith.mulf %gather3A, %get3A_687 : vector<16xf32>
        %add3A_889 = arith.addf %mul3A_888, %get3A_703 : vector<16xf32>
        %select_n3A_890 = arith.select %ne3A, %broadcast_in_dim3A_337, %add3A_889 : vector<16xi1>, vector<16xf32>
        %swap3A_891 = arith.constant 10 : i32
        %swap3A_892 = arith.index_cast %scan3A_875 : i32 to index
        %swap3A_893 = arith.index_cast %swap3A_891 : i32 to index
        %swap3A_894 = arith.constant 16 : index
        %swap3A_895 = tpu.vector_load %arg19[%swap3A_892, %swap3A_893, %swap3A_894] {strides = array<i32>} : memref<16x14x64xf32, #tpu.memory_space<vmem>>, vector<16xf32>,
        tpu.vector_store %arg19[%swap3A_892, %swap3A_893, %swap3A_894], %select_n3A_890 {strides = array<i32>} : memref<16x14x64xf32, #tpu.memory_space<vmem>>, vector<16xf32>,
        %mul3A_896 = arith.mulf %gather3A, %get3A_691 : vector<16xf32>
        %add3A_897 = arith.addf %mul3A_896, %get3A_707 : vector<16xf32>
        %select_n3A_898 = arith.select %ne3A, %broadcast_in_dim3A_337, %add3A_897 : vector<16xi1>, vector<16xf32>
        %swap3A_899 = arith.constant 10 : i32
        %swap3A_900 = arith.index_cast %scan3A_875 : i32 to index
        %swap3A_901 = arith.index_cast %swap3A_899 : i32 to index
        %swap3A_902 = arith.constant 32 : index
        %swap3A_903 = tpu.vector_load %arg19[%swap3A_900, %swap3A_901, %swap3A_902] {strides = array<i32>} : memref<16x14x64xf32, #tpu.memory_space<vmem>>, vector<16xf32>,
        tpu.vector_store %arg19[%swap3A_900, %swap3A_901, %swap3A_902], %select_n3A_898 {strides = array<i32>} : memref<16x14x64xf32, #tpu.memory_space<vmem>>, vector<16xf32>,
        %mul3A_904 = arith.mulf %gather3A, %get3A_695 : vector<16xf32>
        %add3A_905 = arith.addf %mul3A_904, %get3A_711 : vector<16xf32>
        %select_n3A_906 = arith.select %ne3A, %broadcast_in_dim3A_337, %add3A_905 : vector<16xi1>, vector<16xf32>
        %swap3A_907 = arith.constant 10 : i32
        %swap3A_908 = arith.index_cast %scan3A_875 : i32 to index
        %swap3A_909 = arith.index_cast %swap3A_907 : i32 to index
        %swap3A_910 = arith.constant 48 : index
        %swap3A_911 = tpu.vector_load %arg19[%swap3A_908, %swap3A_909, %swap3A_910] {strides = array<i32>} : memref<16x14x64xf32, #tpu.memory_space<vmem>>, vector<16xf32>,
        tpu.vector_store %arg19[%swap3A_908, %swap3A_909, %swap3A_910], %select_n3A_906 {strides = array<i32>} : memref<16x14x64xf32, #tpu.memory_space<vmem>>, vector<16xf32>,
      }
      %scan3A_717 = arith.constant 16 : i32
      %get3A_718 = arith.constant 10 : i32
      %get3A_719 = arith.index_cast %get3A_718 : i32 to index
      %get3A_720 = arith.constant 0 : index
      %get3A_721 = tpu.vector_load %arg11[%get3A_719, %get3A_720] {strides = array<i32>} : memref<13x64xf32, #tpu.memory_space<vmem>>, vector<16xf32>,
      %get3A_722 = arith.constant 10 : i32
      %get3A_723 = arith.index_cast %get3A_722 : i32 to index
      %get3A_724 = arith.constant 16 : index
      %get3A_725 = tpu.vector_load %arg11[%get3A_723, %get3A_724] {strides = array<i32>} : memref<13x64xf32, #tpu.memory_space<vmem>>, vector<16xf32>,
      %get3A_726 = arith.constant 10 : i32
      %get3A_727 = arith.index_cast %get3A_726 : i32 to index
      %get3A_728 = arith.constant 32 : index
      %get3A_729 = tpu.vector_load %arg11[%get3A_727, %get3A_728] {strides = array<i32>} : memref<13x64xf32, #tpu.memory_space<vmem>>, vector<16xf32>,
      %get3A_730 = arith.constant 10 : i32
      %get3A_731 = arith.index_cast %get3A_730 : i32 to index
      %get3A_732 = arith.constant 48 : index
      %get3A_733 = tpu.vector_load %arg11[%get3A_731, %get3A_732] {strides = array<i32>} : memref<13x64xf32, #tpu.memory_space<vmem>>, vector<16xf32>,
      %get3A_734 = arith.constant 10 : i32
      %get3A_735 = arith.index_cast %get3A_734 : i32 to index
      %get3A_736 = arith.constant 0 : index
      %get3A_737 = tpu.vector_load %arg12[%get3A_735, %get3A_736] {strides = array<i32>} : memref<13x64xf32, #tpu.memory_space<vmem>>, vector<16xf32>,
      %get3A_738 = arith.constant 10 : i32
      %get3A_739 = arith.index_cast %get3A_738 : i32 to index
      %get3A_740 = arith.constant 16 : index
      %get3A_741 = tpu.vector_load %arg12[%get3A_739, %get3A_740] {strides = array<i32>} : memref<13x64xf32, #tpu.memory_space<vmem>>, vector<16xf32>,
      %get3A_742 = arith.constant 10 : i32
      %get3A_743 = arith.index_cast %get3A_742 : i32 to index
      %get3A_744 = arith.constant 32 : index
      %get3A_745 = tpu.vector_load %arg12[%get3A_743, %get3A_744] {strides = array<i32>} : memref<13x64xf32, #tpu.memory_space<vmem>>, vector<16xf32>,
      %get3A_746 = arith.constant 10 : i32
      %get3A_747 = arith.index_cast %get3A_746 : i32 to index
      %get3A_748 = arith.constant 48 : index
      %get3A_749 = tpu.vector_load %arg12[%get3A_747, %get3A_748] {strides = array<i32>} : memref<13x64xf32, #tpu.memory_space<vmem>>, vector<16xf32>,
      %scan3A_750 = arith.constant 0 : i32
      %scan3A_751 = arith.constant 0 : i32
      %scan3A_752 = arith.constant 16 : i32
      %scan3A_753 = arith.addi %scan3A_751, %scan3A_752 : i32
      %scan3A_754 = arith.constant 1 : i32
      scf.for %scan3A_875 = %scan3A_751 to %scan3A_753 step %scan3A_754  : i32 {
        %mul3A_876 = arith.constant 13 : i32
        %mul3A_877 = arith.muli %scan3A_875, %mul3A_876 : i32
        %add3A_878 = arith.constant 10 : i32
        %add3A_879 = arith.addi %mul3A_877, %add3A_878 : i32
        %broadcast_in_dim3A_880 = vector.broadcast %add3A_879 : i32 to vector<16xi32>
        %gather3A = tpu.vector_load_idx %arg16[%broadcast_in_dim3A_880] : memref<208xf32, #tpu.memory_space<vmem>>[vector<16xi32>], vector<16xf32>,
        %ne3A = arith.cmpf one, %gather3A, %gather3A : vector<16xf32>
        %mul3A_881 = arith.mulf %gather3A, %get3A_721 : vector<16xf32>
        %add3A_882 = arith.addf %mul3A_881, %get3A_737 : vector<16xf32>
        %select_n3A = arith.select %ne3A, %broadcast_in_dim3A_337, %add3A_882 : vector<16xi1>, vector<16xf32>
        %swap3A_883 = arith.constant 11 : i32
        %swap3A_884 = arith.index_cast %scan3A_875 : i32 to index
        %swap3A_885 = arith.index_cast %swap3A_883 : i32 to index
        %swap3A_886 = arith.constant 0 : index
        %swap3A_887 = tpu.vector_load %arg19[%swap3A_884, %swap3A_885, %swap3A_886] {strides = array<i32>} : memref<16x14x64xf32, #tpu.memory_space<vmem>>, vector<16xf32>,
        tpu.vector_store %arg19[%swap3A_884, %swap3A_885, %swap3A_886], %select_n3A {strides = array<i32>} : memref<16x14x64xf32, #tpu.memory_space<vmem>>, vector<16xf32>,
        %mul3A_888 = arith.mulf %gather3A, %get3A_725 : vector<16xf32>
        %add3A_889 = arith.addf %mul3A_888, %get3A_741 : vector<16xf32>
        %select_n3A_890 = arith.select %ne3A, %broadcast_in_dim3A_337, %add3A_889 : vector<16xi1>, vector<16xf32>
        %swap3A_891 = arith.constant 11 : i32
        %swap3A_892 = arith.index_cast %scan3A_875 : i32 to index
        %swap3A_893 = arith.index_cast %swap3A_891 : i32 to index
        %swap3A_894 = arith.constant 16 : index
        %swap3A_895 = tpu.vector_load %arg19[%swap3A_892, %swap3A_893, %swap3A_894] {strides = array<i32>} : memref<16x14x64xf32, #tpu.memory_space<vmem>>, vector<16xf32>,
        tpu.vector_store %arg19[%swap3A_892, %swap3A_893, %swap3A_894], %select_n3A_890 {strides = array<i32>} : memref<16x14x64xf32, #tpu.memory_space<vmem>>, vector<16xf32>,
        %mul3A_896 = arith.mulf %gather3A, %get3A_729 : vector<16xf32>
        %add3A_897 = arith.addf %mul3A_896, %get3A_745 : vector<16xf32>
        %select_n3A_898 = arith.select %ne3A, %broadcast_in_dim3A_337, %add3A_897 : vector<16xi1>, vector<16xf32>
        %swap3A_899 = arith.constant 11 : i32
        %swap3A_900 = arith.index_cast %scan3A_875 : i32 to index
        %swap3A_901 = arith.index_cast %swap3A_899 : i32 to index
        %swap3A_902 = arith.constant 32 : index
        %swap3A_903 = tpu.vector_load %arg19[%swap3A_900, %swap3A_901, %swap3A_902] {strides = array<i32>} : memref<16x14x64xf32, #tpu.memory_space<vmem>>, vector<16xf32>,
        tpu.vector_store %arg19[%swap3A_900, %swap3A_901, %swap3A_902], %select_n3A_898 {strides = array<i32>} : memref<16x14x64xf32, #tpu.memory_space<vmem>>, vector<16xf32>,
        %mul3A_904 = arith.mulf %gather3A, %get3A_733 : vector<16xf32>
        %add3A_905 = arith.addf %mul3A_904, %get3A_749 : vector<16xf32>
        %select_n3A_906 = arith.select %ne3A, %broadcast_in_dim3A_337, %add3A_905 : vector<16xi1>, vector<16xf32>
        %swap3A_907 = arith.constant 11 : i32
        %swap3A_908 = arith.index_cast %scan3A_875 : i32 to index
        %swap3A_909 = arith.index_cast %swap3A_907 : i32 to index
        %swap3A_910 = arith.constant 48 : index
        %swap3A_911 = tpu.vector_load %arg19[%swap3A_908, %swap3A_909, %swap3A_910] {strides = array<i32>} : memref<16x14x64xf32, #tpu.memory_space<vmem>>, vector<16xf32>,
        tpu.vector_store %arg19[%swap3A_908, %swap3A_909, %swap3A_910], %select_n3A_906 {strides = array<i32>} : memref<16x14x64xf32, #tpu.memory_space<vmem>>, vector<16xf32>,
      }
      %scan3A_755 = arith.constant 16 : i32
      %get3A_756 = arith.constant 11 : i32
      %get3A_757 = arith.index_cast %get3A_756 : i32 to index
      %get3A_758 = arith.constant 0 : index
      %get3A_759 = tpu.vector_load %arg11[%get3A_757, %get3A_758] {strides = array<i32>} : memref<13x64xf32, #tpu.memory_space<vmem>>, vector<16xf32>,
      %get3A_760 = arith.constant 11 : i32
      %get3A_761 = arith.index_cast %get3A_760 : i32 to index
      %get3A_762 = arith.constant 16 : index
      %get3A_763 = tpu.vector_load %arg11[%get3A_761, %get3A_762] {strides = array<i32>} : memref<13x64xf32, #tpu.memory_space<vmem>>, vector<16xf32>,
      %get3A_764 = arith.constant 11 : i32
      %get3A_765 = arith.index_cast %get3A_764 : i32 to index
      %get3A_766 = arith.constant 32 : index
      %get3A_767 = tpu.vector_load %arg11[%get3A_765, %get3A_766] {strides = array<i32>} : memref<13x64xf32, #tpu.memory_space<vmem>>, vector<16xf32>,
      %get3A_768 = arith.constant 11 : i32
      %get3A_769 = arith.index_cast %get3A_768 : i32 to index
      %get3A_770 = arith.constant 48 : index
      %get3A_771 = tpu.vector_load %arg11[%get3A_769, %get3A_770] {strides = array<i32>} : memref<13x64xf32, #tpu.memory_space<vmem>>, vector<16xf32>,
      %get3A_772 = arith.constant 11 : i32
      %get3A_773 = arith.index_cast %get3A_772 : i32 to index
      %get3A_774 = arith.constant 0 : index
      %get3A_775 = tpu.vector_load %arg12[%get3A_773, %get3A_774] {strides = array<i32>} : memref<13x64xf32, #tpu.memory_space<vmem>>, vector<16xf32>,
      %get3A_776 = arith.constant 11 : i32
      %get3A_777 = arith.index_cast %get3A_776 : i32 to index
      %get3A_778 = arith.constant 16 : index
      %get3A_779 = tpu.vector_load %arg12[%get3A_777, %get3A_778] {strides = array<i32>} : memref<13x64xf32, #tpu.memory_space<vmem>>, vector<16xf32>,
      %get3A_780 = arith.constant 11 : i32
      %get3A_781 = arith.index_cast %get3A_780 : i32 to index
      %get3A_782 = arith.constant 32 : index
      %get3A_783 = tpu.vector_load %arg12[%get3A_781, %get3A_782] {strides = array<i32>} : memref<13x64xf32, #tpu.memory_space<vmem>>, vector<16xf32>,
      %get3A_784 = arith.constant 11 : i32
      %get3A_785 = arith.index_cast %get3A_784 : i32 to index
      %get3A_786 = arith.constant 48 : index
      %get3A_787 = tpu.vector_load %arg12[%get3A_785, %get3A_786] {strides = array<i32>} : memref<13x64xf32, #tpu.memory_space<vmem>>, vector<16xf32>,
      %scan3A_788 = arith.constant 0 : i32
      %scan3A_789 = arith.constant 0 : i32
      %scan3A_790 = arith.constant 16 : i32
      %scan3A_791 = arith.addi %scan3A_789, %scan3A_790 : i32
      %scan3A_792 = arith.constant 1 : i32
      scf.for %scan3A_875 = %scan3A_789 to %scan3A_791 step %scan3A_792  : i32 {
        %mul3A_876 = arith.constant 13 : i32
        %mul3A_877 = arith.muli %scan3A_875, %mul3A_876 : i32
        %add3A_878 = arith.constant 11 : i32
        %add3A_879 = arith.addi %mul3A_877, %add3A_878 : i32
        %broadcast_in_dim3A_880 = vector.broadcast %add3A_879 : i32 to vector<16xi32>
        %gather3A = tpu.vector_load_idx %arg16[%broadcast_in_dim3A_880] : memref<208xf32, #tpu.memory_space<vmem>>[vector<16xi32>], vector<16xf32>,
        %ne3A = arith.cmpf one, %gather3A, %gather3A : vector<16xf32>
        %mul3A_881 = arith.mulf %gather3A, %get3A_759 : vector<16xf32>
        %add3A_882 = arith.addf %mul3A_881, %get3A_775 : vector<16xf32>
        %select_n3A = arith.select %ne3A, %broadcast_in_dim3A_337, %add3A_882 : vector<16xi1>, vector<16xf32>
        %swap3A_883 = arith.constant 12 : i32
        %swap3A_884 = arith.index_cast %scan3A_875 : i32 to index
        %swap3A_885 = arith.index_cast %swap3A_883 : i32 to index
        %swap3A_886 = arith.constant 0 : index
        %swap3A_887 = tpu.vector_load %arg19[%swap3A_884, %swap3A_885, %swap3A_886] {strides = array<i32>} : memref<16x14x64xf32, #tpu.memory_space<vmem>>, vector<16xf32>,
        tpu.vector_store %arg19[%swap3A_884, %swap3A_885, %swap3A_886], %select_n3A {strides = array<i32>} : memref<16x14x64xf32, #tpu.memory_space<vmem>>, vector<16xf32>,
        %mul3A_888 = arith.mulf %gather3A, %get3A_763 : vector<16xf32>
        %add3A_889 = arith.addf %mul3A_888, %get3A_779 : vector<16xf32>
        %select_n3A_890 = arith.select %ne3A, %broadcast_in_dim3A_337, %add3A_889 : vector<16xi1>, vector<16xf32>
        %swap3A_891 = arith.constant 12 : i32
        %swap3A_892 = arith.index_cast %scan3A_875 : i32 to index
        %swap3A_893 = arith.index_cast %swap3A_891 : i32 to index
        %swap3A_894 = arith.constant 16 : index
        %swap3A_895 = tpu.vector_load %arg19[%swap3A_892, %swap3A_893, %swap3A_894] {strides = array<i32>} : memref<16x14x64xf32, #tpu.memory_space<vmem>>, vector<16xf32>,
        tpu.vector_store %arg19[%swap3A_892, %swap3A_893, %swap3A_894], %select_n3A_890 {strides = array<i32>} : memref<16x14x64xf32, #tpu.memory_space<vmem>>, vector<16xf32>,
        %mul3A_896 = arith.mulf %gather3A, %get3A_767 : vector<16xf32>
        %add3A_897 = arith.addf %mul3A_896, %get3A_783 : vector<16xf32>
        %select_n3A_898 = arith.select %ne3A, %broadcast_in_dim3A_337, %add3A_897 : vector<16xi1>, vector<16xf32>
        %swap3A_899 = arith.constant 12 : i32
        %swap3A_900 = arith.index_cast %scan3A_875 : i32 to index
        %swap3A_901 = arith.index_cast %swap3A_899 : i32 to index
        %swap3A_902 = arith.constant 32 : index
        %swap3A_903 = tpu.vector_load %arg19[%swap3A_900, %swap3A_901, %swap3A_902] {strides = array<i32>} : memref<16x14x64xf32, #tpu.memory_space<vmem>>, vector<16xf32>,
        tpu.vector_store %arg19[%swap3A_900, %swap3A_901, %swap3A_902], %select_n3A_898 {strides = array<i32>} : memref<16x14x64xf32, #tpu.memory_space<vmem>>, vector<16xf32>,
        %mul3A_904 = arith.mulf %gather3A, %get3A_771 : vector<16xf32>
        %add3A_905 = arith.addf %mul3A_904, %get3A_787 : vector<16xf32>
        %select_n3A_906 = arith.select %ne3A, %broadcast_in_dim3A_337, %add3A_905 : vector<16xi1>, vector<16xf32>
        %swap3A_907 = arith.constant 12 : i32
        %swap3A_908 = arith.index_cast %scan3A_875 : i32 to index
        %swap3A_909 = arith.index_cast %swap3A_907 : i32 to index
        %swap3A_910 = arith.constant 48 : index
        %swap3A_911 = tpu.vector_load %arg19[%swap3A_908, %swap3A_909, %swap3A_910] {strides = array<i32>} : memref<16x14x64xf32, #tpu.memory_space<vmem>>, vector<16xf32>,
        tpu.vector_store %arg19[%swap3A_908, %swap3A_909, %swap3A_910], %select_n3A_906 {strides = array<i32>} : memref<16x14x64xf32, #tpu.memory_space<vmem>>, vector<16xf32>,
      }
      %scan3A_793 = arith.constant 16 : i32
      %get3A_794 = arith.constant 12 : i32
      %get3A_795 = arith.index_cast %get3A_794 : i32 to index
      %get3A_796 = arith.constant 0 : index
      %get3A_797 = tpu.vector_load %arg11[%get3A_795, %get3A_796] {strides = array<i32>} : memref<13x64xf32, #tpu.memory_space<vmem>>, vector<16xf32>,
      %get3A_798 = arith.constant 12 : i32
      %get3A_799 = arith.index_cast %get3A_798 : i32 to index
      %get3A_800 = arith.constant 16 : index
      %get3A_801 = tpu.vector_load %arg11[%get3A_799, %get3A_800] {strides = array<i32>} : memref<13x64xf32, #tpu.memory_space<vmem>>, vector<16xf32>,
      %get3A_802 = arith.constant 12 : i32
      %get3A_803 = arith.index_cast %get3A_802 : i32 to index
      %get3A_804 = arith.constant 32 : index
      %get3A_805 = tpu.vector_load %arg11[%get3A_803, %get3A_804] {strides = array<i32>} : memref<13x64xf32, #tpu.memory_space<vmem>>, vector<16xf32>,
      %get3A_806 = arith.constant 12 : i32
      %get3A_807 = arith.index_cast %get3A_806 : i32 to index
      %get3A_808 = arith.constant 48 : index
      %get3A_809 = tpu.vector_load %arg11[%get3A_807, %get3A_808] {strides = array<i32>} : memref<13x64xf32, #tpu.memory_space<vmem>>, vector<16xf32>,
      %get3A_810 = arith.constant 12 : i32
      %get3A_811 = arith.index_cast %get3A_810 : i32 to index
      %get3A_812 = arith.constant 0 : index
      %get3A_813 = tpu.vector_load %arg12[%get3A_811, %get3A_812] {strides = array<i32>} : memref<13x64xf32, #tpu.memory_space<vmem>>, vector<16xf32>,
      %get3A_814 = arith.constant 12 : i32
      %get3A_815 = arith.index_cast %get3A_814 : i32 to index
      %get3A_816 = arith.constant 16 : index
      %get3A_817 = tpu.vector_load %arg12[%get3A_815, %get3A_816] {strides = array<i32>} : memref<13x64xf32, #tpu.memory_space<vmem>>, vector<16xf32>,
      %get3A_818 = arith.constant 12 : i32
      %get3A_819 = arith.index_cast %get3A_818 : i32 to index
      %get3A_820 = arith.constant 32 : index
      %get3A_821 = tpu.vector_load %arg12[%get3A_819, %get3A_820] {strides = array<i32>} : memref<13x64xf32, #tpu.memory_space<vmem>>, vector<16xf32>,
      %get3A_822 = arith.constant 12 : i32
      %get3A_823 = arith.index_cast %get3A_822 : i32 to index
      %get3A_824 = arith.constant 48 : index
      %get3A_825 = tpu.vector_load %arg12[%get3A_823, %get3A_824] {strides = array<i32>} : memref<13x64xf32, #tpu.memory_space<vmem>>, vector<16xf32>,
      %scan3A_826 = arith.constant 0 : i32
      %scan3A_827 = arith.constant 0 : i32
      %scan3A_828 = arith.constant 16 : i32
      %scan3A_829 = arith.addi %scan3A_827, %scan3A_828 : i32
      %scan3A_830 = arith.constant 1 : i32
      scf.for %scan3A_875 = %scan3A_827 to %scan3A_829 step %scan3A_830  : i32 {
        %mul3A_876 = arith.constant 13 : i32
        %mul3A_877 = arith.muli %scan3A_875, %mul3A_876 : i32
        %add3A_878 = arith.constant 12 : i32
        %add3A_879 = arith.addi %mul3A_877, %add3A_878 : i32
        %broadcast_in_dim3A_880 = vector.broadcast %add3A_879 : i32 to vector<16xi32>
        %gather3A = tpu.vector_load_idx %arg16[%broadcast_in_dim3A_880] : memref<208xf32, #tpu.memory_space<vmem>>[vector<16xi32>], vector<16xf32>,
        %ne3A = arith.cmpf one, %gather3A, %gather3A : vector<16xf32>
        %mul3A_881 = arith.mulf %gather3A, %get3A_797 : vector<16xf32>
        %add3A_882 = arith.addf %mul3A_881, %get3A_813 : vector<16xf32>
        %select_n3A = arith.select %ne3A, %broadcast_in_dim3A_337, %add3A_882 : vector<16xi1>, vector<16xf32>
        %swap3A_883 = arith.constant 13 : i32
        %swap3A_884 = arith.index_cast %scan3A_875 : i32 to index
        %swap3A_885 = arith.index_cast %swap3A_883 : i32 to index
        %swap3A_886 = arith.constant 0 : index
        %swap3A_887 = tpu.vector_load %arg19[%swap3A_884, %swap3A_885, %swap3A_886] {strides = array<i32>} : memref<16x14x64xf32, #tpu.memory_space<vmem>>, vector<16xf32>,
        tpu.vector_store %arg19[%swap3A_884, %swap3A_885, %swap3A_886], %select_n3A {strides = array<i32>} : memref<16x14x64xf32, #tpu.memory_space<vmem>>, vector<16xf32>,
        %mul3A_888 = arith.mulf %gather3A, %get3A_801 : vector<16xf32>
        %add3A_889 = arith.addf %mul3A_888, %get3A_817 : vector<16xf32>
        %select_n3A_890 = arith.select %ne3A, %broadcast_in_dim3A_337, %add3A_889 : vector<16xi1>, vector<16xf32>
        %swap3A_891 = arith.constant 13 : i32
        %swap3A_892 = arith.index_cast %scan3A_875 : i32 to index
        %swap3A_893 = arith.index_cast %swap3A_891 : i32 to index
        %swap3A_894 = arith.constant 16 : index
        %swap3A_895 = tpu.vector_load %arg19[%swap3A_892, %swap3A_893, %swap3A_894] {strides = array<i32>} : memref<16x14x64xf32, #tpu.memory_space<vmem>>, vector<16xf32>,
        tpu.vector_store %arg19[%swap3A_892, %swap3A_893, %swap3A_894], %select_n3A_890 {strides = array<i32>} : memref<16x14x64xf32, #tpu.memory_space<vmem>>, vector<16xf32>,
        %mul3A_896 = arith.mulf %gather3A, %get3A_805 : vector<16xf32>
        %add3A_897 = arith.addf %mul3A_896, %get3A_821 : vector<16xf32>
        %select_n3A_898 = arith.select %ne3A, %broadcast_in_dim3A_337, %add3A_897 : vector<16xi1>, vector<16xf32>
        %swap3A_899 = arith.constant 13 : i32
        %swap3A_900 = arith.index_cast %scan3A_875 : i32 to index
        %swap3A_901 = arith.index_cast %swap3A_899 : i32 to index
        %swap3A_902 = arith.constant 32 : index
        %swap3A_903 = tpu.vector_load %arg19[%swap3A_900, %swap3A_901, %swap3A_902] {strides = array<i32>} : memref<16x14x64xf32, #tpu.memory_space<vmem>>, vector<16xf32>,
        tpu.vector_store %arg19[%swap3A_900, %swap3A_901, %swap3A_902], %select_n3A_898 {strides = array<i32>} : memref<16x14x64xf32, #tpu.memory_space<vmem>>, vector<16xf32>,
        %mul3A_904 = arith.mulf %gather3A, %get3A_809 : vector<16xf32>
        %add3A_905 = arith.addf %mul3A_904, %get3A_825 : vector<16xf32>
        %select_n3A_906 = arith.select %ne3A, %broadcast_in_dim3A_337, %add3A_905 : vector<16xi1>, vector<16xf32>
        %swap3A_907 = arith.constant 13 : i32
        %swap3A_908 = arith.index_cast %scan3A_875 : i32 to index
        %swap3A_909 = arith.index_cast %swap3A_907 : i32 to index
        %swap3A_910 = arith.constant 48 : index
        %swap3A_911 = tpu.vector_load %arg19[%swap3A_908, %swap3A_909, %swap3A_910] {strides = array<i32>} : memref<16x14x64xf32, #tpu.memory_space<vmem>>, vector<16xf32>,
        tpu.vector_store %arg19[%swap3A_908, %swap3A_909, %swap3A_910], %select_n3A_906 {strides = array<i32>} : memref<16x14x64xf32, #tpu.memory_space<vmem>>, vector<16xf32>,
      }
      %scan3A_831 = arith.constant 16 : i32
      %dma_wait3A = arith.constant 0 : i32
      %dma_wait3A_832 = arith.constant 0 : i32
      %dma_wait3A_833 = tpu.memref_slice %arg17[%dma_wait3A, %dma_wait3A_832] : memref<416x128xf32, #tpu.memory_space<vmem>> -> memref<104x128xf32, #tpu.memory_space<vmem>>
      %dma_wait3A_834 = arith.constant 0 : i32
      %dma_wait3A_835 = tpu.memref_slice %arg14[%dma_wait3A_834] : memref<416xi32, #tpu.memory_space<vmem>> -> memref<104xi32, #tpu.memory_space<vmem>>
      %dma_wait3A_836 = arith.constant 0 : i32
      %dma_wait3A_837 = arith.constant 0 : i32
      %dma_wait3A_838 = tpu.memref_slice %arg6[%dma_wait3A_836, %dma_wait3A_837] : memref<1300000x128xf32, #tpu.memory_space<hbm>> -> memref<1300000x128xf32, #tpu.memory_space<hbm>>
      tpu.wait_indirect_dma semaphore(%arg20 : memref<!tpu.dma_semaphore, #tpu.memory_space<semaphore_mem>>) src(%dma_wait3A_838 : memref<1300000x128xf32, #tpu.memory_space<hbm>>) dst(%dma_wait3A_833 : memref<104x128xf32, #tpu.memory_space<vmem>>)
      %dma_wait3A_839 = arith.constant 104 : i32
      %dma_wait3A_840 = arith.constant 0 : i32
      %dma_wait3A_841 = tpu.memref_slice %arg17[%dma_wait3A_839, %dma_wait3A_840] : memref<416x128xf32, #tpu.memory_space<vmem>> -> memref<104x128xf32, #tpu.memory_space<vmem>>
      %dma_wait3A_842 = arith.constant 104 : i32
      %dma_wait3A_843 = tpu.memref_slice %arg14[%dma_wait3A_842] : memref<416xi32, #tpu.memory_space<vmem>> -> memref<104xi32, #tpu.memory_space<vmem>>
      %dma_wait3A_844 = arith.constant 0 : i32
      %dma_wait3A_845 = arith.constant 0 : i32
      %dma_wait3A_846 = tpu.memref_slice %arg6[%dma_wait3A_844, %dma_wait3A_845] : memref<1300000x128xf32, #tpu.memory_space<hbm>> -> memref<1300000x128xf32, #tpu.memory_space<hbm>>
      tpu.wait_indirect_dma semaphore(%arg20 : memref<!tpu.dma_semaphore, #tpu.memory_space<semaphore_mem>>) src(%dma_wait3A_846 : memref<1300000x128xf32, #tpu.memory_space<hbm>>) dst(%dma_wait3A_841 : memref<104x128xf32, #tpu.memory_space<vmem>>)
      %dma_wait3A_847 = arith.constant 208 : i32
      %dma_wait3A_848 = arith.constant 0 : i32
      %dma_wait3A_849 = tpu.memref_slice %arg17[%dma_wait3A_847, %dma_wait3A_848] : memref<416x128xf32, #tpu.memory_space<vmem>> -> memref<104x128xf32, #tpu.memory_space<vmem>>
      %dma_wait3A_850 = arith.constant 208 : i32
      %dma_wait3A_851 = tpu.memref_slice %arg14[%dma_wait3A_850] : memref<416xi32, #tpu.memory_space<vmem>> -> memref<104xi32, #tpu.memory_space<vmem>>
      %dma_wait3A_852 = arith.constant 0 : i32
      %dma_wait3A_853 = arith.constant 0 : i32
      %dma_wait3A_854 = tpu.memref_slice %arg6[%dma_wait3A_852, %dma_wait3A_853] : memref<1300000x128xf32, #tpu.memory_space<hbm>> -> memref<1300000x128xf32, #tpu.memory_space<hbm>>
      tpu.wait_indirect_dma semaphore(%arg20 : memref<!tpu.dma_semaphore, #tpu.memory_space<semaphore_mem>>) src(%dma_wait3A_854 : memref<1300000x128xf32, #tpu.memory_space<hbm>>) dst(%dma_wait3A_849 : memref<104x128xf32, #tpu.memory_space<vmem>>)
      %dma_wait3A_855 = arith.constant 312 : i32
      %dma_wait3A_856 = arith.constant 0 : i32
      %dma_wait3A_857 = tpu.memref_slice %arg17[%dma_wait3A_855, %dma_wait3A_856] : memref<416x128xf32, #tpu.memory_space<vmem>> -> memref<104x128xf32, #tpu.memory_space<vmem>>
      %dma_wait3A_858 = arith.constant 312 : i32
      %dma_wait3A_859 = tpu.memref_slice %arg14[%dma_wait3A_858] : memref<416xi32, #tpu.memory_space<vmem>> -> memref<104xi32, #tpu.memory_space<vmem>>
      %dma_wait3A_860 = arith.constant 0 : i32
      %dma_wait3A_861 = arith.constant 0 : i32
      %dma_wait3A_862 = tpu.memref_slice %arg6[%dma_wait3A_860, %dma_wait3A_861] : memref<1300000x128xf32, #tpu.memory_space<hbm>> -> memref<1300000x128xf32, #tpu.memory_space<hbm>>
      tpu.wait_indirect_dma semaphore(%arg20 : memref<!tpu.dma_semaphore, #tpu.memory_space<semaphore_mem>>) src(%dma_wait3A_862 : memref<1300000x128xf32, #tpu.memory_space<hbm>>) dst(%dma_wait3A_857 : memref<104x128xf32, #tpu.memory_space<vmem>>)
      %scan3A_863 = arith.constant 0 : i32
      %scan3A_864 = arith.constant 0 : i32
      %scan3A_865 = arith.constant 416 : i32
      %scan3A_866 = arith.addi %scan3A_864, %scan3A_865 : i32
      %scan3A_867 = arith.constant 1 : i32
      scf.for %scan3A_875 = %scan3A_864 to %scan3A_866 step %scan3A_867  : i32 {
        %broadcast_in_dim3A_876 = vector.broadcast %scan3A_875 : i32 to vector<16xi32>
        %gather3A = tpu.vector_load_idx %arg15[%broadcast_in_dim3A_876] : memref<416xi32, #tpu.memory_space<vmem>>[vector<16xi32>], vector<16xi32>,
        %slice3A = vector.extract_strided_slice %gather3A {offsets = [0], sizes = [1], strides = [1]} : vector<16xi32> to vector<1xi32>
        %squeeze3A = vector.extract %slice3A[0] : i32 from vector<1xi32>
        %mul3A_877 = arith.constant 64 : i32
        %mul3A_878 = arith.muli %squeeze3A, %mul3A_877 : i32
        %broadcast_in_dim3A_879 = vector.broadcast %scan3A_875 : i32 to vector<16xi32>
        %add3A_880 = arith.constant 0 : i32
        %add3A_881 = arith.addi %mul3A_878, %add3A_880 : i32
        %broadcast_in_dim3A_882 = vector.broadcast %add3A_881 : i32 to vector<16xi32>
        %add3A_883 = arith.addi %broadcast_in_dim3A_882, %iota3A : vector<16xi32>
        %gather3A_884 = tpu.vector_load_idx %arg17[%broadcast_in_dim3A_879, %add3A_883] : memref<416x128xf32, #tpu.memory_space<vmem>>[vector<16xi32>, vector<16xi32>], vector<16xf32>,
        %swap3A_885 = arith.index_cast %scan3A_875 : i32 to index
        %swap3A_886 = arith.constant 0 : index
        %swap3A_887 = tpu.vector_load %arg18[%swap3A_885, %swap3A_886] {strides = array<i32>} : memref<416x64xf32, #tpu.memory_space<vmem>>, vector<16xf32>,
        tpu.vector_store %arg18[%swap3A_885, %swap3A_886], %gather3A_884 {strides = array<i32>} : memref<416x64xf32, #tpu.memory_space<vmem>>, vector<16xf32>,
        %add3A_888 = arith.constant 16 : i32
        %add3A_889 = arith.addi %mul3A_878, %add3A_888 : i32
        %broadcast_in_dim3A_890 = vector.broadcast %add3A_889 : i32 to vector<16xi32>
        %add3A_891 = arith.addi %broadcast_in_dim3A_890, %iota3A : vector<16xi32>
        %gather3A_892 = tpu.vector_load_idx %arg17[%broadcast_in_dim3A_879, %add3A_891] : memref<416x128xf32, #tpu.memory_space<vmem>>[vector<16xi32>, vector<16xi32>], vector<16xf32>,
        %swap3A_893 = arith.index_cast %scan3A_875 : i32 to index
        %swap3A_894 = arith.constant 16 : index
        %swap3A_895 = tpu.vector_load %arg18[%swap3A_893, %swap3A_894] {strides = array<i32>} : memref<416x64xf32, #tpu.memory_space<vmem>>, vector<16xf32>,
        tpu.vector_store %arg18[%swap3A_893, %swap3A_894], %gather3A_892 {strides = array<i32>} : memref<416x64xf32, #tpu.memory_space<vmem>>, vector<16xf32>,
        %add3A_896 = arith.constant 32 : i32
        %add3A_897 = arith.addi %mul3A_878, %add3A_896 : i32
        %broadcast_in_dim3A_898 = vector.broadcast %add3A_897 : i32 to vector<16xi32>
        %add3A_899 = arith.addi %broadcast_in_dim3A_898, %iota3A : vector<16xi32>
        %gather3A_900 = tpu.vector_load_idx %arg17[%broadcast_in_dim3A_879, %add3A_899] : memref<416x128xf32, #tpu.memory_space<vmem>>[vector<16xi32>, vector<16xi32>], vector<16xf32>,
        %swap3A_901 = arith.index_cast %scan3A_875 : i32 to index
        %swap3A_902 = arith.constant 32 : index
        %swap3A_903 = tpu.vector_load %arg18[%swap3A_901, %swap3A_902] {strides = array<i32>} : memref<416x64xf32, #tpu.memory_space<vmem>>, vector<16xf32>,
        tpu.vector_store %arg18[%swap3A_901, %swap3A_902], %gather3A_900 {strides = array<i32>} : memref<416x64xf32, #tpu.memory_space<vmem>>, vector<16xf32>,
        %add3A_904 = arith.constant 48 : i32
        %add3A_905 = arith.addi %mul3A_878, %add3A_904 : i32
        %broadcast_in_dim3A_906 = vector.broadcast %add3A_905 : i32 to vector<16xi32>
        %add3A_907 = arith.addi %broadcast_in_dim3A_906, %iota3A : vector<16xi32>
        %gather3A_908 = tpu.vector_load_idx %arg17[%broadcast_in_dim3A_879, %add3A_907] : memref<416x128xf32, #tpu.memory_space<vmem>>[vector<16xi32>, vector<16xi32>], vector<16xf32>,
        %swap3A_909 = arith.index_cast %scan3A_875 : i32 to index
        %swap3A_910 = arith.constant 48 : index
        %swap3A_911 = tpu.vector_load %arg18[%swap3A_909, %swap3A_910] {strides = array<i32>} : memref<416x64xf32, #tpu.memory_space<vmem>>, vector<16xf32>,
        tpu.vector_store %arg18[%swap3A_909, %swap3A_910], %gather3A_908 {strides = array<i32>} : memref<416x64xf32, #tpu.memory_space<vmem>>, vector<16xf32>,
      }
      %scan3A_868 = arith.constant 416 : i32
      "tpu.region"() ({
        %run_scoped3A = tpu.sem_alloc : memref<!tpu.dma_semaphore, #tpu.memory_space<semaphore_mem>>
        %dma_start3A_875 = arith.constant 0 : i32
        %dma_start3A_876 = arith.constant 0 : i32
        %dma_start3A_877 = tpu.memref_slice %arg9[%add3A_11, %dma_start3A_875, %dma_start3A_876] : memref<16384x40x64xf32, #tpu.memory_space<hbm>> -> memref<16x14x64xf32, #tpu.memory_space<hbm>>
        %dma_start3A_878 = arith.constant 0 : i32
        %dma_start3A_879 = arith.constant 0 : i32
        %dma_start3A_880 = tpu.memref_slice %arg9[%add3A_11, %dma_start3A_878, %dma_start3A_879] : memref<16384x40x64xf32, #tpu.memory_space<hbm>> -> memref<16x14x64xf32, #tpu.memory_space<hbm>>
        tpu.enqueue_dma source(%arg19 : memref<16x14x64xf32, #tpu.memory_space<vmem>>) target(%dma_start3A_880 : memref<16x14x64xf32, #tpu.memory_space<hbm>>) target_semaphore(%run_scoped3A : memref<!tpu.dma_semaphore, #tpu.memory_space<semaphore_mem>>)
        %dma_wait3A_881 = arith.constant 0 : i32
        %dma_wait3A_882 = arith.constant 0 : i32
        %dma_wait3A_883 = tpu.memref_slice %arg9[%add3A_11, %dma_wait3A_881, %dma_wait3A_882] : memref<16384x40x64xf32, #tpu.memory_space<hbm>> -> memref<16x14x64xf32, #tpu.memory_space<hbm>>
        %dma_wait3A_884 = arith.constant 0 : i32
        %dma_wait3A_885 = arith.constant 0 : i32
        %dma_wait3A_886 = tpu.memref_slice %arg9[%add3A_11, %dma_wait3A_884, %dma_wait3A_885] : memref<16384x40x64xf32, #tpu.memory_space<hbm>> -> memref<16x14x64xf32, #tpu.memory_space<hbm>>
        tpu.wait_dma2 semaphore(%run_scoped3A : memref<!tpu.dma_semaphore, #tpu.memory_space<semaphore_mem>>) src(%arg19 : memref<16x14x64xf32, #tpu.memory_space<vmem>>) dst(%dma_wait3A_886 : memref<16x14x64xf32, #tpu.memory_space<hbm>>)
        tpu.yield
      }) : () -> ()
      %scan3A_869 = arith.constant 0 : i32
      %scan3A_870 = arith.constant 0 : i32
      %scan3A_871 = arith.constant 16 : i32
      %scan3A_872 = arith.addi %scan3A_870, %scan3A_871 : i32
      %scan3A_873 = arith.constant 1 : i32
      scf.for %scan3A_875 = %scan3A_870 to %scan3A_872 step %scan3A_873  : i32 {
        %mul3A_876 = arith.constant 26 : i32
        %mul3A_877 = arith.muli %scan3A_875, %mul3A_876 : i32
        %add3A_878 = arith.addi %add3A_11, %scan3A_875 : i32
        "tpu.region"() ({
          %run_scoped3A = tpu.sem_alloc : memref<!tpu.dma_semaphore, #tpu.memory_space<semaphore_mem>>
          %dma_start3A_879 = arith.constant 0 : i32
          %dma_start3A_880 = tpu.memref_slice %arg18[%mul3A_877, %dma_start3A_879] : memref<416x64xf32, #tpu.memory_space<vmem>> -> memref<26x64xf32, #tpu.memory_space<vmem>>
          %dma_start3A_881 = arith.constant 14 : i32
          %dma_start3A_882 = arith.constant 0 : i32
          %dma_start3A_883 = tpu.memref_slice %arg9[%add3A_878, %dma_start3A_881, %dma_start3A_882] : memref<16384x40x64xf32, #tpu.memory_space<hbm>> -> memref<1x26x64xf32, #tpu.memory_space<hbm>>
          %dma_start3A_884 = tpu.memref_squeeze %dma_start3A_883 : memref<1x26x64xf32, #tpu.memory_space<hbm>> -> memref<26x64xf32, #tpu.memory_space<hbm>>
          %dma_start3A_885 = arith.constant 14 : i32
          %dma_start3A_886 = arith.constant 0 : i32
          %dma_start3A_887 = tpu.memref_slice %arg9[%add3A_878, %dma_start3A_885, %dma_start3A_886] : memref<16384x40x64xf32, #tpu.memory_space<hbm>> -> memref<1x26x64xf32, #tpu.memory_space<hbm>>
          %dma_start3A_888 = tpu.memref_squeeze %dma_start3A_887 : memref<1x26x64xf32, #tpu.memory_space<hbm>> -> memref<26x64xf32, #tpu.memory_space<hbm>>
          %dma_start3A_889 = arith.constant 0 : i32
          %dma_start3A_890 = tpu.memref_slice %arg18[%mul3A_877, %dma_start3A_889] : memref<416x64xf32, #tpu.memory_space<vmem>> -> memref<26x64xf32, #tpu.memory_space<vmem>>
          tpu.enqueue_dma source(%dma_start3A_890 : memref<26x64xf32, #tpu.memory_space<vmem>>) target(%dma_start3A_888 : memref<26x64xf32, #tpu.memory_space<hbm>>) target_semaphore(%run_scoped3A : memref<!tpu.dma_semaphore, #tpu.memory_space<semaphore_mem>>)
          %dma_wait3A_891 = arith.constant 0 : i32
          %dma_wait3A_892 = tpu.memref_slice %arg18[%mul3A_877, %dma_wait3A_891] : memref<416x64xf32, #tpu.memory_space<vmem>> -> memref<26x64xf32, #tpu.memory_space<vmem>>
          %dma_wait3A_893 = arith.constant 14 : i32
          %dma_wait3A_894 = arith.constant 0 : i32
          %dma_wait3A_895 = tpu.memref_slice %arg9[%add3A_878, %dma_wait3A_893, %dma_wait3A_894] : memref<16384x40x64xf32, #tpu.memory_space<hbm>> -> memref<1x26x64xf32, #tpu.memory_space<hbm>>
          %dma_wait3A_896 = tpu.memref_squeeze %dma_wait3A_895 : memref<1x26x64xf32, #tpu.memory_space<hbm>> -> memref<26x64xf32, #tpu.memory_space<hbm>>
          %dma_wait3A_897 = arith.constant 14 : i32
          %dma_wait3A_898 = arith.constant 0 : i32
          %dma_wait3A_899 = tpu.memref_slice %arg9[%add3A_878, %dma_wait3A_897, %dma_wait3A_898] : memref<16384x40x64xf32, #tpu.memory_space<hbm>> -> memref<1x26x64xf32, #tpu.memory_space<hbm>>
          %dma_wait3A_900 = tpu.memref_squeeze %dma_wait3A_899 : memref<1x26x64xf32, #tpu.memory_space<hbm>> -> memref<26x64xf32, #tpu.memory_space<hbm>>
          %dma_wait3A_901 = arith.constant 0 : i32
          %dma_wait3A_902 = tpu.memref_slice %arg18[%mul3A_877, %dma_wait3A_901] : memref<416x64xf32, #tpu.memory_space<vmem>> -> memref<26x64xf32, #tpu.memory_space<vmem>>
          tpu.wait_dma2 semaphore(%run_scoped3A : memref<!tpu.dma_semaphore, #tpu.memory_space<semaphore_mem>>) src(%dma_wait3A_902 : memref<26x64xf32, #tpu.memory_space<vmem>>) dst(%dma_wait3A_900 : memref<26x64xf32, #tpu.memory_space<hbm>>)
          tpu.yield
        }) : () -> ()
      }
      %scan3A_874 = arith.constant 16 : i32
    }
    %scan3A_7 = arith.constant 32 : i32
    return
  }
}

</mosaic_0001>

<sc_bundles>
// kernel: _tokenize.3.cloned.1.call-start
scs
__scs_entry_jumppad:
0x0: {  	(pc) =	sbr.rel $0x88, $3  }
0x1: {  	(tag) =	ssettag $0x0;
	lr =	simm.s32 $0x1  }
0x2: {  	[smem:$0x3F9A] =	sst lr;
	_ =	strace $0xD0000000  }
0x3: {  	_ = 	snop  }
0x4: {  	_ = 	snop  }
0x5: {  	_ = 	snop  }
0x6: {  	_ = 	snop  }
0x7: {  	_ = 	snop  }
__scs_overlays_trampoline_lowered:
0x8: {  	[smem:$0x3FA9] =	sst s0  }
0x9: {  	[smem:$0x3FAA] =	sst s1  }
0xa: {  	[smem:$0x3FAB] =	sst s2  }
0xb: {  	[smem:$0x3FAC] =	sst s3  }
0xc: {  	[smem:$0x3FAD] =	sst s4  }
0xd: {  	[smem:$0x3FAE] =	sst s5  }
0xe: {  	[smem:$0x3FAF] =	sst s6  }
0xf: {  	[smem:$0x3FB0] =	sst s7  }
0x10: {  	[smem:$0x3FB1] =	sst s8  }
0x11: {  	[smem:$0x3FB2] =	sst s9;
	s0 =	simm.s32 @!p0 $0x0  }
0x12: {  	s1 =	sld [smem:$0x3F98];
	s0 =	simm.s32 @p0 $0x1  }
0x13: {  	[smem:$0x3FB3] =	sst s0;
	s0 =	simm.s32 @!p1 $0x0  }
0x14: {  	s2 =	sld [smem:$0x3F97];
	s0 =	simm.s32 @p1 $0x1  }
0x15: {  	[smem:$0x3FB4] =	sst s0;
	s0 =	simm.s32 @!p2 $0x0  }
0x16: {  	s3 =	sld [smem:$0x3FDB];
	s0 =	simm.s32 @p2 $0x1  }
0x17: {  	s4 =	simm.s32 $0x1BF5;
	[smem:$0x3FB6] =	sst s0  }
0x18: {  	s0 =	sld [smem:$0x3F99];
	_ =	swait.ge [sflag:s4], $0x0  }
0x19: {  	s7 =	sld [smem:$0x3F9A]  }
0x1a: {  	s8 =	sadd.s32 $0xFFFFE003, lr  }
0x1b: {  	s9 =	sadd.s32 $0xFFFFFEF7, lr;
	s5 =	simm.s32 $0xFFFFFFFF;
	p2 =	slt.u32 s8, $0xFFFFF086  }
0x1c: {  	p1 =	slt.u32 s9, $0xF7A;
	s5 =	simm.s32 @!p2 $0x0  }
0x1d: {  	s5 =	simm.s32 @p1 $0x1;
	p0 =	seq.s32 s7, s2  }
0x1e: {  	s7 =	smul.u32 @!p0 $0xF7A, s2;
	p2 =	seq.s32 @!p0 s5, $0x0  }
0x1f: {  	s9 =	smul.u32 $0xF7A, s1;
	s8 =	simm.s32 @!p0 $0x1BF5;
	p2 =	por !p2, p0  }
0x20: {  	[sflag:s8] =	ssyncset.s32 @!p0 $0xFFFFF086;
	s6 =	sadd.s32 @!p0 s3, s7;
	s7 =	simm.s32 @!p0 $0x108  }
0x21: {  	s3 =	sadd.s32 s3, s9;
	s6 =	sadd.s32 @!p0 $0x88, s6;
	s7 =	simm.s32 @p2 $0x1082  }
0x22: {  	[simem:s7], [sflag:s8] =	dma.local @!p0 [hbm:s6], $0xF7A  }
0x23: {  	s9 =	sor.u32 $0xD0000000, s2;
	s6 =	simm.s32 $0x108;
	_ =	swait.ge @!p0 [sflag:s8], $0x0  }
0x24: {  	s3 =	sadd.s32 $0x88, s3;
	s6 =	simm.s32 @!p1 $0x1082;
	[sflag:s4] =	ssyncset.s32 $0xFFFFF086  }
0x25: {  	[simem:s6], [sflag:s4] =	dma.local [hbm:s3], $0xF7A  }
0x26: {  	[smem:$0x3F9A] =	sst s1;
	(tag) =	ssettag s2;
	_ =	strace s9  }
0x27: {  	s1 =	sld [smem:$0x3FAA]  }
0x28: {  	s2 =	sld [smem:$0x3FAB]  }
0x29: {  	s4 =	sld [smem:$0x3FAD]  }
0x2a: {  	p0 =	seq.s32 s5, $0x0;
	s5 =	sld [smem:$0x3FAE]  }
0x2b: {  	s6 =	sld [smem:$0x3FAF]  }
0x2c: {  	s7 =	sld [smem:$0x3FB0]  }
0x2d: {  	s3 =	simm.s32 $0x108;
	s8 =	sld [smem:$0x3FB1]  }
0x2e: {  	s3 =	simm.s32 @!p0 $0x1082;
	s9 =	sld [smem:$0x3FB2]  }
0x2f: {  	lr =	sadd.s32 s0, s3;
	s0 =	sld [smem:$0x3FA9]  }
0x30: {  	s3 =	sld [smem:$0x3FAC]  }
0x31: {  	[smem:$0x3FB5] =	sst s10  }
0x32: {  	s10 =	sld [smem:$0x3FB3];
	_ =	sdelay $0x3  }
0x33: {  	p0 =	seq.s32 s10, $0x1;
	s10 =	sld [smem:$0x3FB5];
	_ =	sdelay $0x3  }
0x34: {  	[smem:$0x3FB5] =	sst s10  }
0x35: {  	s10 =	sld [smem:$0x3FB4];
	_ =	sdelay $0x3  }
0x36: {  	p1 =	seq.s32 s10, $0x1;
	s10 =	sld [smem:$0x3FB5];
	_ =	sdelay $0x3  }
0x37: {  	[smem:$0x3FB5] =	sst s10  }
0x38: {  	s10 =	sld [smem:$0x3FB6]  }
0x39: {  	_ = 	snop;
	(pc) =	sbr.ind lr, $3  }
0x3a: {  	_ = 	snop  }
0x3b: {  	_ = 	snop  }
0x3c: {  	p2 =	seq.s32 s10, $0x1;
	s10 =	sld [smem:$0x3FB5]  }
0x3d: {  	_ =	shalt  }
0x3e: {  	_ =	shalt  }
0x3f: {  	_ =	shalt  }
0x40: {  	_ =	shalt  }
0x41: {  	_ =	shalt  }
0x42: {  	_ =	shalt  }
0x43: {  	_ =	shalt  }
0x44: {  	_ =	shalt  }
0x45: {  	_ =	shalt  }
0x46: {  	_ =	shalt  }
0x47: {  	_ =	shalt  }
0x48: {  	_ =	shalt  }
0x49: {  	_ =	shalt  }
0x4a: {  	_ =	shalt  }
0x4b: {  	_ =	shalt  }
0x4c: {  	_ =	shalt  }
0x4d: {  	_ =	shalt  }
0x4e: {  	_ =	shalt  }
0x4f: {  	_ =	shalt  }
0x50: {  	_ =	shalt  }
0x51: {  	_ =	shalt  }
0x52: {  	_ =	shalt  }
0x53: {  	_ =	shalt  }
0x54: {  	_ =	shalt  }
0x55: {  	_ =	shalt  }
0x56: {  	_ =	shalt  }
0x57: {  	_ =	shalt  }
0x58: {  	_ =	shalt  }
0x59: {  	_ =	shalt  }
0x5a: {  	_ =	shalt  }
0x5b: {  	_ =	shalt  }
0x5c: {  	_ =	shalt  }
0x5d: {  	_ =	shalt  }
0x5e: {  	_ =	shalt  }
0x5f: {  	_ =	shalt  }
0x60: {  	_ =	shalt  }
0x61: {  	_ =	shalt  }
0x62: {  	_ =	shalt  }
0x63: {  	_ =	shalt  }
0x64: {  	_ =	shalt  }
0x65: {  	_ =	shalt  }
0x66: {  	_ =	shalt  }
0x67: {  	_ =	shalt  }
0x68: {  	_ =	shalt  }
0x69: {  	_ =	shalt  }
0x6a: {  	_ =	shalt  }
0x6b: {  	_ =	shalt  }
0x6c: {  	_ =	shalt  }
0x6d: {  	_ =	shalt  }
0x6e: {  	_ =	shalt  }
0x6f: {  	_ =	shalt  }
0x70: {  	_ =	shalt  }
0x71: {  	_ =	shalt  }
0x72: {  	_ =	shalt  }
0x73: {  	_ =	shalt  }
0x74: {  	_ =	shalt  }
0x75: {  	_ =	shalt  }
0x76: {  	_ =	shalt  }
0x77: {  	_ =	shalt  }
0x78: {  	_ =	shalt  }
0x79: {  	_ =	shalt  }
0x7a: {  	_ =	shalt  }
0x7b: {  	_ =	shalt  }
0x7c: {  	_ =	shalt  }
0x7d: {  	_ =	shalt  }
0x7e: {  	_ =	shalt  }
0x7f: {  	_ =	shalt  }
0x80: {  	_ =	shalt  }
0x81: {  	_ =	shalt  }
0x82: {  	_ =	shalt  }
0x83: {  	_ =	shalt  }
0x84: {  	_ =	shalt  }
0x85: {  	_ =	shalt  }
0x86: {  	_ =	shalt  }
0x87: {  	_ =	shalt  }
.Lfunc_end0:
.L_simem_size_0:
called_computation.1_lowered:
.L_overlay_start_0:
0x88: {  	s2 =	sld [smem:$0x3FD9]  }
0x89: {  	s3 =	sld [smem:$0x3FFE];
	_ =	sdelay $0x1  }
0x8a: {  	s1 =	srdreg.scid  }
0x8b: {  	s0 =	sand.u32 $0x1, s1  }
0x8c: {  	s17 =	sshll.u32 s0, $0xA;
	s2 =	sadd.s32 s3, s2  }
0x8d: {  	s2 =	sadd.s32 s2, s17  }
0x8e: {  	[smem:$0x3FC1] =	sst s2  }
0x8f: {  	_ = 	snop  }
0x90: {  	s2 =	sld [smem:$0x3FC9]  }
0x91: {  	s18 =	sld [smem:$0x3FC8]  }
0x92: {  	s4 =	sld [smem:$0x3FC5]  }
0x93: {  	s5 =	sld [smem:$0x3FC4]  }
0x94: {  	s6 =	sld [smem:$0x3FC3]  }
0x95: {  	s7 =	sld [smem:$0x3FD0];
	(tm) =	ssettm $0x1  }
0x96: {  	s8 =	sld [smem:$0x3FFB];
	_ =	sdelay $0x3  }
0x97: {  	_ =	strace s8  }
0x98: {  	s8 =	sld [smem:$0x3FFC];
	_ =	sdelay $0x3  }
0x99: {  	_ =	strace s8  }
0x9a: {  	s8 =	sld [smem:$0x3FFD];
	_ =	sdelay $0x3  }
0x9b: {  	_ =	strace s8  }
0x9c: {  	_ =	strace $0x8FFFFFFF  }
0x9d: {  	s19 =	sld [smem:$0x3FDB];
	_ =	sdelay $0x1  }
0x9e: {  	s9 =	simm.s32 $_scs_section_size  }
0x9f: {  	s10 =	simm.s32 $_size__tile_overlayer_lowered;
	s11 =	simm.s32 $_tile_overlayer_lowered  }
0xa0: {  	s22 =	simm.s32 $0x1BFF;
	s21 =	sshll.u32 s11, $0x1;
	s8 =	sadd.s32 s9, s19  }
0xa1: {  	s12 =	simm.s32 $0x0;
	s20 =	sshll.u32 s10, $0x1;
	s10 =	sadd.s32 s21, s8  }
0xa2: {  	[timem:s12], [sflag:s22] =	dma.local [hbm:s10], s20  }
0xa3: {  	_ =	swait.ge [sflag:s22], s20  }
0xa4: {  	s9 =	ssub.s32 $0x0, s20;
	[sflag:s22] =	ssyncset.done $0x0  }
0xa5: {  	[sflag:s22] =	ssyncadd.s32 s9;
	_ =	sdelay $0x1  }
0xa6: {  	s23 =	simm.s32 $0x1B8B  }
0xa7: {  	_ =	swait.ge [sflag:s23], $0x1  }
0xa8: {  	[sflag:s23] =	ssyncset.done $0x0  }
0xa9: {  	s25 =	simm.s32 $0x1B8E;
	s24 =	sld [smem:$0x3FFE];
	[sflag:s23] =	ssyncadd.s32 $0xFFFFFFFF  }
0xaa: {  	s26 =	simm.s32 $execute0_lowered;
	[smem:$0x3FD2] =	sst s25  }
0xab: {  	s10 =	sshll.u32 s26, $0x1;
	_ =	strace $0x80000046;
	[dreg:$0x1] =	wrdreg $0xFFFFFFFF  }
0xac: {  	s28 =	simm.s32 $_size_execute0_lowered;
	s8 =	sadd.s32 s8, s10;
	[dreg:$0x0] =	wrdreg $0x0  }
0xad: {  	s10 =	sshll.u32 s28, $0x1;
	[dreg:$0x2] =	wrdreg s8  }
0xae: {  	[dreg:$0x3] =	wrdreg s10  }
0xaf: {  	[dreg:$0x4] =	wrdreg $0xC0  }
0xb0: {  	_ =	task [dreg:s12], $0x5FFFF  }
0xb1: {  	[dreg:$0x1] =	wrdreg $0xFFFFFFFF  }
0xb2: {  	[dreg:$0x0] =	wrdreg $0x60  }
0xb3: {  	[dreg:$0x2] =	wrdreg s2  }
0xb4: {  	[dreg:$0x3] =	wrdreg s18  }
0xb5: {  	[dreg:$0x4] =	wrdreg s24  }
0xb6: {  	[dreg:$0x5] =	wrdreg s4  }
0xb7: {  	[dreg:$0x6] =	wrdreg s5  }
0xb8: {  	[dreg:$0x7] =	wrdreg s6  }
0xb9: {  	[dreg:$0x8] =	wrdreg s7  }
0xba: {  	[dreg:$0x9] =	wrdreg $0x9  }
0xbb: {  	_ =	task.clear_ibuf [dreg:s12], $0xAFFFF;
	_ =	strace $0x90000046  }
0xbc: {  	s29 =	simm.s32 $0x9;
	_ =	strace $0x80000048  }
0xbd: {  	_ =	swait.ge [sflag:s29], $0x1  }
0xbe: {  	[sflag:s29] =	ssyncadd.s32 $0xFFFFFFFF  }
0xbf: {  	_ =	strace $0x90000048  }
0xc0: {  	_ =	sfence  }
0xc1: {  	s30 =	sld [smem:$0x0];
	_ =	sdelay $0x2  }
0xc2: {  	s31 =	sshll.u32 s1, $0xD;
	s1 =	sshrl.u32 s1, $0x2  }
0xc3: {  	s3 =	sand.u32 $0x4000, s31;
	s1 =	sadd.s32 s1, s30  }
0xc4: {  	s0 =	sor.u32 s3, s0;
	s1 =	sshll.u32 s1, $0x11  }
0xc5: {  	s0 =	sor.u32 s1, s0  }
0xc6: {  	s0 =	sadd.s32 $0x8F2B, s0  }
0xc7: {  	[sflag:s0] =	ssyncadd.remote.s32 $0x1  }
0xc8: {  	_ =	sfence.sel $0xFFFF  }
0xc9: {  	[dreg:$0x0] =	wrdreg $0xFFFFFFFF;
	(pc) =	sbr.abs _section_cstart, $3  }
0xca: {  	[dreg:$0x1] =	wrdreg $0xFFFFFFFF  }
0xcb: {  	_ =	task.clear_ibuf [dreg:s12], $0x2FFFF;
	_ =	strace $0x9FFFFFFF  }
0xcc: {  	(tm) =	ssettm $0x7FFFFFFF  }
0xcd: {  	_ =	shalt  }
tec
execute0_lowered:
.L_overlay_start_1:
0x0: {  	(tag) =	ssettag $0x1  }
0x1: {  	s0 =	rddreg [dreg:$0x0]  }
0x2: {  	s2 =	rddreg [dreg:$0x1]  }
0x3: {  	s1 =	rddreg [dreg:$0x2]  }
0x4: {  	s3 =	rddreg [dreg:$0x3]  }
0x5: {  	s7 =	rddreg [dreg:$0x6]  }
0x6: {  	s4 =	srdreg.scid;
	s10 =	stileid.u32  }
0x7: {  	s8 =	simm.s32 $0x0;
	s14 =	simm.s32 $0x2;
	s18 =	simm.s32 $0x860  }
0x8: {  	s19 =	simm.s32 $0x68;
	s20 =	simm.s32 $0xC70;
	s21 =	simm.s32 $0x8C8  }
0x9: {  	s28 =	simm.s32 $0xBA0;
	s29 =	simm.s32 $0x1;
	s30 =	simm.s32 $0xA00  }
0xa: {  	s31 =	simm.s32 $0x380;
	s4 =	sand.u32 $0x1, s4;
	s5 =	smul.u32 $0x280000, s10  }
0xb: {  	[smem:$0x7FF] =	sst s8;
	s9 =	sadd.s32 $0x800, s1;
	s1 =	sadd.s32 $0xA00, s1  }
0xc: {  	s24 =	sshll.u32 s10, $0xA;
	s6 =	smul.u32 $0x140000, s4;
	_ =	strace $0x80000047  }
0xd: {  	[dreg:$0x8] =	wrdreg s9;
	s22 =	ssub.s32 $0x2, s4;
	s4 =	sshll.u32 s4, $0x9  }
0xe: {  	[dreg:$0x9] =	wrdreg s1;
	s23 =	sshrl.u32 s22, $0x1;
	s11 =	sor.u32 s4, s24  }
0xf: {  	s24 =	simm.s32 $0x7470;
	s5 =	sadd.s32 s6, s5;
	s1 =	ssub.s32 s22, s23  }
0x10: {  	s22 =	simm.s32 $0x4070;
	s5 =	sor.u32 $0x380, s5;
	s1 =	smax.u32 s1, $0x1  }
0x11: {  	s23 =	simm.s32 $0x930;
	s25 =	sshrl.u32 s5, $0x3;
	[dreg:$0xa] =	wrdreg s1  }
0x12: {  	s1 =	simm.s32 $0x14470;
	s5 =	simm.s32 $0x0;
	s26 =	sadd.s32 s25, s7  }
0x13: {  	v0 =	vlaneseq.u32;
	s25 =	simm.s32 $0x998;
	[dreg:$0xb] =	wrdreg s26;
	s26 =	simm.s32 $0xA870  }
.LBB2_1:
0x14: {  	s4 =	rddreg [dreg:$0x5]  }
0x15: {  	[tilespmem:s8], [sflag:$0x2] =	stream.linear.gather [hbm4b:s4+s8], $0x1A0, $0x38;
	[tilespmem:$0x17C70] =	vst v63  }
0x16: {  	_ =	swait.ge [sflag:s14], $0x1A0  }
0x17: {  	[sflag:s14] =	ssyncset.done $0x0  }
0x18: {  	s6 =	simm.s32 $0x1A0;
	s12 =	rddreg [dreg:$0x8];
	[sflag:s14] =	ssyncadd.s32 $0xFFFFFE60  }
0x19: {  	[tilespmem:s6], [sflag:$0x2] =	stream.linear.gather [hbm4b:s12+s8], $0x340, $0x38;
	[tilespmem:$0x17C70] =	vst v63  }
0x1a: {  	_ =	swait.ge [sflag:s14], $0x340  }
0x1b: {  	[sflag:s14] =	ssyncset.done $0x0  }
0x1c: {  	s15 =	simm.s32 $0x4E0;
	s13 =	rddreg [dreg:$0x9];
	[sflag:s14] =	ssyncadd.s32 $0xFFFFFCC0  }
0x1d: {  	[tilespmem:s15], [sflag:$0x2] =	stream.linear.gather [hbm4b:s13+s8], $0x340, $0x38;
	[tilespmem:$0x17C70] =	vst v63  }
0x1e: {  	_ =	swait.ge [sflag:s14], $0x340  }
0x1f: {  	[sflag:s14] =	ssyncset.done $0x0  }
0x20: {  	[sflag:s14] =	ssyncadd.s32 $0xFFFFFCC0  }
0x21: {  	s17 =	simm.s32 $0x820;
	s16 =	rddreg [dreg:$0x4]  }
0x22: {  	[tilespmem:s17], [sflag:$0x2] =	stream.linear.gather [hbm4b:s16+s8], $0x40, $0x38;
	[tilespmem:$0x17C70] =	vst v63  }
0x23: {  	_ =	swait.ge [sflag:s14], $0x40  }
0x24: {  	[sflag:s14] =	ssyncset.done $0x0  }
0x25: {  	s6 =	simm.s32 $0x0;
	s13 =	rddreg [dreg:$0xb];
	[sflag:s14] =	ssyncadd.s32 $0xFFFFFFC0  }
.LBB2_2:
0x26: {  	s9 =	sshll.u32 s6, $0x4  }
0x27: {  	s15 =	sadd.s32 s11, s9  }
0x28: {  	s9 =	smul.u32 $0x1A, s15;
	_ =	sdelay $0x1  }
0x29: {  	s9 =	sshrl.u32 s9, $0x3  }
0x2a: {  	s16 =	simm.s32 $0x0;
	s9 =	sadd.s32 s2, s9  }
0x2b: {  	[tilespmem:s18], [sflag:$0x2] =	stream.linear.gather [hbm4b:s9+s16], $0x1A0, $0x38;
	[tilespmem:$0x17C70] =	vst v63  }
0x2c: {  	_ =	swait.ge [sflag:s14], $0x1A0  }
0x2d: {  	[sflag:s14] =	ssyncset.done $0x0  }
0x2e: {  	[sflag:s14] =	ssyncadd.s32 $0xFFFFFE60  }
0x2f: {  	v1 =	vld [tilespmem:$0x860]  }
0x30: {  	v2 =	vld [tilespmem:$0x0]  }
0x31: {  	v3 =	vld [tilespmem:$0x870]  }
0x32: {  	v4 =	vld [tilespmem:$0x10]  }
0x33: {  	v5 =	vld [tilespmem:$0x880]  }
0x34: {  	v6 =	vld [tilespmem:$0x20]  }
0x35: {  	v8 =	vld [tilespmem:$0x30];
	v1 =	vadd.s32 v1, v2  }
0x36: {  	v2 =	vld [tilespmem:$0x890];
	v7 =	vshrl.u32 v1, $0x1  }
0x37: {  	v27 =	vld [tilespmem:$0x8A0];
	v3 =	vadd.s32 v3, v4;
	v1 =	vand.u32 $0x1, v1;
	[tilespmem:$0x860] =	vst v7  }
0x38: {  	v28 =	vld [tilespmem:$0x40];
	[tilespmem:$0xA00] =	vst v1;
	v1 =	vshrl.u32 v3, $0x1  }
0x39: {  	v29 =	vld [tilespmem:$0x8B0];
	[tilespmem:$0x870] =	vst v1;
	v1 =	vand.u32 $0x1, v3;
	v3 =	vadd.s32 v5, v6  }
0x3a: {  	v30 =	vld [tilespmem:$0x50];
	[tilespmem:$0xA10] =	vst v1;
	v1 =	vshrl.u32 v3, $0x1  }
0x3b: {  	v31 =	vld [tilespmem:$0x60];
	[tilespmem:$0x880] =	vst v1;
	v1 =	vand.u32 $0x1, v3;
	v2 =	vadd.s32 v2, v8  }
0x3c: {  	v3 =	vld [tilespmem:$0x8C0];
	[tilespmem:$0xA20] =	vst v1;
	v1 =	vshrl.u32 v2, $0x1  }
0x3d: {  	v32 =	vld [tilespmem:$0x8D0];
	[tilespmem:$0x890] =	vst v1;
	v1 =	vand.u32 $0x1, v2;
	v2 =	vadd.s32 v27, v28  }
0x3e: {  	v33 =	vld [tilespmem:$0x70];
	[tilespmem:$0xA30] =	vst v1;
	v1 =	vshrl.u32 v2, $0x1  }
0x3f: {  	v34 =	vld [tilespmem:$0x8E0];
	[tilespmem:$0x8A0] =	vst v1;
	v1 =	vand.u32 $0x1, v2;
	v2 =	vadd.s32 v29, v30  }
0x40: {  	v35 =	vld [tilespmem:$0x80];
	[tilespmem:$0xA40] =	vst v1;
	v1 =	vshrl.u32 v2, $0x1  }
0x41: {  	v36 =	vld [tilespmem:$0x90];
	[tilespmem:$0x8B0] =	vst v1;
	v1 =	vand.u32 $0x1, v2;
	v2 =	vadd.s32 v3, v31  }
0x42: {  	v3 =	vld [tilespmem:$0x8F0];
	[tilespmem:$0xA50] =	vst v1;
	v1 =	vshrl.u32 v2, $0x1  }
0x43: {  	v37 =	vld [tilespmem:$0x900];
	[tilespmem:$0x8C0] =	vst v1;
	v1 =	vand.u32 $0x1, v2;
	v2 =	vadd.s32 v32, v33  }
0x44: {  	v38 =	vld [tilespmem:$0xA0];
	[tilespmem:$0xA60] =	vst v1;
	v1 =	vshrl.u32 v2, $0x1  }
0x45: {  	v39 =	vld [tilespmem:$0x910];
	[tilespmem:$0x8D0] =	vst v1;
	v1 =	vand.u32 $0x1, v2;
	v2 =	vadd.s32 v34, v35  }
0x46: {  	v40 =	vld [tilespmem:$0xB0];
	[tilespmem:$0xA70] =	vst v1;
	v1 =	vshrl.u32 v2, $0x1  }
0x47: {  	v41 =	vld [tilespmem:$0xC0];
	[tilespmem:$0x8E0] =	vst v1;
	v1 =	vand.u32 $0x1, v2;
	v2 =	vadd.s32 v3, v36  }
0x48: {  	v3 =	vld [tilespmem:$0x920];
	[tilespmem:$0xA80] =	vst v1;
	v1 =	vshrl.u32 v2, $0x1  }
0x49: {  	v42 =	vld [tilespmem:$0x930];
	[tilespmem:$0x8F0] =	vst v1;
	v1 =	vand.u32 $0x1, v2;
	v2 =	vadd.s32 v37, v38  }
0x4a: {  	v43 =	vld [tilespmem:$0xD0];
	[tilespmem:$0xA90] =	vst v1;
	v1 =	vshrl.u32 v2, $0x1  }
0x4b: {  	v44 =	vld [tilespmem:$0x940];
	[tilespmem:$0x900] =	vst v1;
	v1 =	vand.u32 $0x1, v2;
	v2 =	vadd.s32 v39, v40  }
0x4c: {  	v45 =	vld [tilespmem:$0xE0];
	[tilespmem:$0xAA0] =	vst v1;
	v1 =	vshrl.u32 v2, $0x1  }
0x4d: {  	v46 =	vld [tilespmem:$0xF0];
	[tilespmem:$0x910] =	vst v1;
	v1 =	vand.u32 $0x1, v2;
	v2 =	vadd.s32 v3, v41  }
0x4e: {  	v3 =	vld [tilespmem:$0x950];
	[tilespmem:$0xAB0] =	vst v1;
	v1 =	vshrl.u32 v2, $0x1  }
0x4f: {  	v47 =	vld [tilespmem:$0x960];
	[tilespmem:$0x920] =	vst v1;
	v1 =	vand.u32 $0x1, v2;
	v2 =	vadd.s32 v42, v43  }
0x50: {  	v48 =	vld [tilespmem:$0x100];
	[tilespmem:$0xAC0] =	vst v1;
	v1 =	vshrl.u32 v2, $0x1  }
0x51: {  	v49 =	vld [tilespmem:$0x970];
	[tilespmem:$0x930] =	vst v1;
	v1 =	vand.u32 $0x1, v2;
	v2 =	vadd.s32 v44, v45  }
0x52: {  	v50 =	vld [tilespmem:$0x110];
	[tilespmem:$0xAD0] =	vst v1;
	v1 =	vshrl.u32 v2, $0x1  }
0x53: {  	v51 =	vld [tilespmem:$0x120];
	[tilespmem:$0x940] =	vst v1;
	v1 =	vand.u32 $0x1, v2;
	v2 =	vadd.s32 v3, v46  }
0x54: {  	v3 =	vld [tilespmem:$0x980];
	[tilespmem:$0xAE0] =	vst v1;
	v1 =	vshrl.u32 v2, $0x1  }
0x55: {  	v52 =	vld [tilespmem:$0x990];
	[tilespmem:$0x950] =	vst v1;
	v1 =	vand.u32 $0x1, v2;
	v2 =	vadd.s32 v47, v48  }
0x56: {  	v53 =	vld [tilespmem:$0x130];
	[tilespmem:$0xAF0] =	vst v1;
	v1 =	vshrl.u32 v2, $0x1  }
0x57: {  	v54 =	vld [tilespmem:$0x9A0];
	[tilespmem:$0x960] =	vst v1;
	v1 =	vand.u32 $0x1, v2;
	v2 =	vadd.s32 v49, v50  }
0x58: {  	v55 =	vld [tilespmem:$0x140];
	[tilespmem:$0xB00] =	vst v1;
	v1 =	vshrl.u32 v2, $0x1  }
0x59: {  	v56 =	vld [tilespmem:$0x150];
	[tilespmem:$0x970] =	vst v1;
	v1 =	vand.u32 $0x1, v2;
	v2 =	vadd.s32 v3, v51  }
0x5a: {  	v3 =	vld [tilespmem:$0x9B0];
	[tilespmem:$0xB10] =	vst v1;
	v1 =	vshrl.u32 v2, $0x1  }
0x5b: {  	v57 =	vld [tilespmem:$0x9C0];
	[tilespmem:$0x980] =	vst v1;
	v1 =	vand.u32 $0x1, v2;
	v2 =	vadd.s32 v52, v53  }
0x5c: {  	v58 =	vld [tilespmem:$0x160];
	[tilespmem:$0xB20] =	vst v1;
	v1 =	vshrl.u32 v2, $0x1  }
0x5d: {  	v59 =	vld [tilespmem:$0x9D0];
	[tilespmem:$0x990] =	vst v1;
	v1 =	vand.u32 $0x1, v2;
	v2 =	vadd.s32 v54, v55  }
0x5e: {  	v60 =	vld [tilespmem:$0x170];
	[tilespmem:$0xB30] =	vst v1;
	v1 =	vshrl.u32 v2, $0x1  }
0x5f: {  	v61 =	vld [tilespmem:$0x180];
	[tilespmem:$0x9A0] =	vst v1;
	v1 =	vand.u32 $0x1, v2;
	v2 =	vadd.s32 v3, v56  }
0x60: {  	v3 =	vld [tilespmem:$0x9E0];
	[tilespmem:$0xB40] =	vst v1;
	v1 =	vshrl.u32 v2, $0x1  }
0x61: {  	v62 =	vld [tilespmem:$0x9F0];
	[tilespmem:$0x9B0] =	vst v1;
	v1 =	vand.u32 $0x1, v2;
	v2 =	vadd.s32 v57, v58  }
0x62: {  	v63 =	vld [tilespmem:$0x190];
	[tilespmem:$0xB50] =	vst v1;
	v1 =	vshrl.u32 v2, $0x1  }
0x63: {  	v2 =	vand.u32 $0x1, v2;
	[tilespmem:$0x9C0] =	vst v1;
	v1 =	vadd.s32 v59, v60  }
0x64: {  	[tilespmem:$0xB60] =	vst v2;
	v2 =	vshrl.u32 v1, $0x1  }
0x65: {  	v1 =	vand.u32 $0x1, v1;
	[tilespmem:$0x9D0] =	vst v2;
	v2 =	vadd.s32 v3, v61  }
0x66: {  	[tilespmem:$0xB70] =	vst v1;
	v1 =	vshrl.u32 v2, $0x1  }
0x67: {  	v2 =	vand.u32 $0x1, v2;
	[tilespmem:$0x9E0] =	vst v1;
	v1 =	vadd.s32 v62, v63  }
0x68: {  	[tilespmem:$0xB80] =	vst v2;
	v2 =	vshrl.u32 v1, $0x1  }
0x69: {  	v1 =	vand.u32 $0x1, v1;
	[tilespmem:$0x9F0] =	vst v2  }
0x6a: {  	[tilespmem:$0xB90] =	vst v1  }
0x6b: {  	[tilespmem:s20], [sflag:$0x1] =	stream.indirect.gather [hbm4b:s3+s19], $0x80, s18, s19, $0xb8;
	[tilespmem:$0x17C70] =	vst v63  }
0x6c: {  	_ = 	snop  }
0x6d: {  	[tilespmem:s22], [sflag:$0x1] =	stream.indirect.gather [hbm4b:s3+s19], $0x80, s21, s19, $0xb8;
	[tilespmem:$0x17C70] =	vst v63  }
0x6e: {  	s17 =	smul.u32 $0xD, s15  }
0x6f: {  	[tilespmem:s24], [sflag:$0x1] =	stream.indirect.gather [hbm4b:s3+s19], $0x80, s23, s19, $0xb8;
	[tilespmem:$0x17C70] =	vst v63  }
0x70: {  	s9 =	sshrl.u32 s17, $0x3  }
0x71: {  	[tilespmem:s26], [sflag:$0x1] =	stream.indirect.gather [hbm4b:s3+s19], $0x80, s25, s19, $0xb8;
	[tilespmem:$0x17C70] =	vst v63  }
0x72: {  	s9 =	sadd.s32 s0, s9  }
0x73: {  	[tilespmem:s28], [sflag:$0x2] =	stream.linear.gather [hbm4b:s9+s16], $0xD0, $0x38;
	[tilespmem:$0x17C70] =	vst v63  }
0x74: {  	_ =	swait.ge [sflag:s14], $0xD0  }
0x75: {  	[sflag:s14] =	ssyncset.done $0x0  }
0x76: {  	[sflag:s14] =	ssyncadd.s32 $0xFFFFFF30  }
0x77: {  	s9 =	simm.s32 $0xE00;
	v1 =	vld [tilespmem:$0x820]  }
.LBB2_3:
0x78: {  	p0 =	sne.s32 s9, $0xD200;
	_ =	sdelay $0x2  }
0x79: {  	s17 =	sshra.s32 s16, $0x2;
	s16 =	smov.u32 s9  }
0x7a: {  	[tilespmem:s17+$0x14470] =	vst v1  }
0x7b: {  	v1 =	vld [tilespmem:$0x830];
	_ =	sdelay $0x4  }
0x7c: {  	[tilespmem:s17+$0x14480] =	vst v1  }
0x7d: {  	v1 =	vld [tilespmem:$0x840];
	_ =	sdelay $0x4  }
0x7e: {  	[tilespmem:s17+$0x14490] =	vst v1  }
0x7f: {  	v1 =	vld [tilespmem:$0x850];
	_ =	sdelay $0x1  }
.Ltmp0:
0x80: {  	(pc) =	sbr.rel @p0 .LBB2_3-.Ltmp0, $3  }
0x81: {  	_ =	sdelay $0x1  }
0x82: {  	[tilespmem:s17+$0x144A0] =	vst v1  }
0x83: {  	s9 =	sadd.s32 $0xE00, s9;
	v1 =	vld [tilespmem:$0x820]  }
0x84: {  	_ =	sdelay $0x2  }
0x85: {  	s9 =	sshra.s32 s16, $0x2  }
0x86: {  	[tilespmem:s9+$0x14470] =	vst v1  }
0x87: {  	v1 =	vld [tilespmem:$0x830];
	_ =	sdelay $0x4  }
0x88: {  	[tilespmem:s9+$0x14480] =	vst v1  }
0x89: {  	v1 =	vld [tilespmem:$0x840];
	_ =	sdelay $0x4  }
0x8a: {  	[tilespmem:s9+$0x14490] =	vst v1  }
0x8b: {  	v1 =	vld [tilespmem:$0x850];
	_ =	sdelay $0x4  }
0x8c: {  	s16 =	simm.s32 $0x0;
	[tilespmem:s9+$0x144A0] =	vst v1  }
0x8d: {  	v3 =	vmov s16;
	v1 =	vld [tilespmem:$0x1A0]  }
0x8e: {  	v4 =	vld [tilespmem:$0x1B0]  }
0x8f: {  	v5 =	vld [tilespmem:$0x1C0]  }
0x90: {  	v2 =	vld [tilespmem:$0x1D0]  }
0x91: {  	v7 =	vld [tilespmem:$0x4E0]  }
0x92: {  	v9 =	vld.idx.msk [tilespmem:v3+s28+$0x0], $0xffff  }
0x93: {  	v8 =	vld [tilespmem:$0x4F0]  }
0x94: {  	v6 =	vld [tilespmem:$0x500]  }
0x95: {  	v3 =	vld [tilespmem:$0x510];
	_ =	sdelay $0x1  }
0x96: {  	v10 =	vmul.f32 v9, v1;
	v12 =	vmul.f32 v9, v4  }
0x97: {  	v13 =	vmul.f32 v9, v5;
	v14 =	vmul.f32 v9, v2  }
0x98: {  	s17 =	simm.s32 $0xD;
	v11 =	vadd.f32 v10, v7;
	v10 =	vadd.f32 v12, v8  }
0x99: {  	s16 =	simm.s32 $0x1A;
	s9 =	simm.s32 $0x144E0;
	v9 =	vmov s17;
	v13 =	vadd.f32 v13, v6;
	v12 =	vadd.f32 v14, v3  }
.LBB2_5:
0x9a: {  	p0 =	sne.s32 s16, $0xC3;
	[tilespmem:s9+$0xFFFFFFD0] =	vst v11  }
0x9b: {  	[tilespmem:s9+$0xFFFFFFE0] =	vst v10  }
0x9c: {  	[tilespmem:s9+$0xFFFFFFF0] =	vst v13  }
0x9d: {  	[tilespmem:s9+$0x0] =	vst v12  }
0x9e: {  	v9 =	vld.idx.msk [tilespmem:v9+s28+$0x0], $0xffff;
	_ =	sdelay $0x4  }
.Ltmp1:
0x9f: {  	(pc) =	sbr.rel @p0 .LBB2_5-.Ltmp1, $4  }
0xa0: {  	v10 =	vmul.f32 v9, v1;
	v12 =	vmul.f32 v9, v4  }
0xa1: {  	v13 =	vmul.f32 v9, v5;
	v14 =	vmul.f32 v9, v2  }
0xa2: {  	v11 =	vadd.f32 v10, v7;
	v10 =	vadd.f32 v12, v8  }
0xa3: {  	s9 =	sadd.s32 $0x380, s9;
	v9 =	vmov s16;
	s16 =	sadd.s32 $0xD, s16;
	v13 =	vadd.f32 v13, v6;
	v12 =	vadd.f32 v14, v3  }
0xa4: {  	[tilespmem:s9+$0xFFFFFFD0] =	vst v11  }
0xa5: {  	[tilespmem:s9+$0xFFFFFFE0] =	vst v10  }
0xa6: {  	[tilespmem:s9+$0xFFFFFFF0] =	vst v13  }
0xa7: {  	[tilespmem:s9+$0x0] =	vst v12  }
0xa8: {  	v9 =	vld.idx.msk [tilespmem:v9+s28+$0x0], $0xffff;
	_ =	sdelay $0x4  }
0xa9: {  	v1 =	vmul.f32 v9, v1  }
0xaa: {  	v4 =	vmul.f32 v9, v4  }
0xab: {  	v5 =	vmul.f32 v9, v5;
	v1 =	vadd.f32 v1, v7  }
0xac: {  	s16 =	sadd.s32 $0x380, s9;
	v2 =	vmul.f32 v9, v2;
	v4 =	vadd.f32 v4, v8  }
0xad: {  	v5 =	vadd.f32 v5, v6;
	[tilespmem:s16+$0xFFFFFFD0] =	vst v1  }
0xae: {  	v1 =	vadd.f32 v2, v3;
	[tilespmem:s16+$0xFFFFFFE0] =	vst v4  }
0xaf: {  	[tilespmem:s16+$0xFFFFFFF0] =	vst v5  }
0xb0: {  	s17 =	simm.s32 $0x1;
	[tilespmem:s16+$0x0] =	vst v1  }
0xb1: {  	v3 =	vmov s17;
	v1 =	vld [tilespmem:$0x1E0]  }
0xb2: {  	v4 =	vld [tilespmem:$0x1F0]  }
0xb3: {  	v5 =	vld [tilespmem:$0x200]  }
0xb4: {  	v2 =	vld [tilespmem:$0x210]  }
0xb5: {  	v7 =	vld [tilespmem:$0x520]  }
0xb6: {  	v9 =	vld.idx.msk [tilespmem:v3+s28+$0x0], $0xffff  }
0xb7: {  	v8 =	vld [tilespmem:$0x530]  }
0xb8: {  	v6 =	vld [tilespmem:$0x540]  }
0xb9: {  	v3 =	vld [tilespmem:$0x550];
	_ =	sdelay $0x1  }
0xba: {  	v10 =	vmul.f32 v9, v1;
	v12 =	vmul.f32 v9, v4  }
0xbb: {  	v13 =	vmul.f32 v9, v5;
	v14 =	vmul.f32 v9, v2  }
0xbc: {  	s16 =	simm.s32 $0xE;
	v11 =	vadd.f32 v10, v7;
	v10 =	vadd.f32 v12, v8  }
0xbd: {  	s9 =	simm.s32 $0x14520;
	v9 =	vmov s16;
	s16 =	simm.s32 $0x1B;
	v13 =	vadd.f32 v13, v6;
	v12 =	vadd.f32 v14, v3  }
.LBB2_7:
0xbe: {  	p0 =	sne.s32 s16, $0xC4;
	[tilespmem:s9+$0xFFFFFFD0] =	vst v11  }
0xbf: {  	[tilespmem:s9+$0xFFFFFFE0] =	vst v10  }
0xc0: {  	[tilespmem:s9+$0xFFFFFFF0] =	vst v13  }
0xc1: {  	[tilespmem:s9+$0x0] =	vst v12  }
0xc2: {  	v9 =	vld.idx.msk [tilespmem:v9+s28+$0x0], $0xffff;
	_ =	sdelay $0x4  }
.Ltmp2:
0xc3: {  	(pc) =	sbr.rel @p0 .LBB2_7-.Ltmp2, $4  }
0xc4: {  	v10 =	vmul.f32 v9, v1;
	v12 =	vmul.f32 v9, v4  }
0xc5: {  	v13 =	vmul.f32 v9, v5;
	v14 =	vmul.f32 v9, v2  }
0xc6: {  	v11 =	vadd.f32 v10, v7;
	v10 =	vadd.f32 v12, v8  }
0xc7: {  	s9 =	sadd.s32 $0x380, s9;
	v9 =	vmov s16;
	s16 =	sadd.s32 $0xD, s16;
	v13 =	vadd.f32 v13, v6;
	v12 =	vadd.f32 v14, v3  }
0xc8: {  	[tilespmem:s9+$0xFFFFFFD0] =	vst v11  }
0xc9: {  	[tilespmem:s9+$0xFFFFFFE0] =	vst v10  }
0xca: {  	[tilespmem:s9+$0xFFFFFFF0] =	vst v13  }
0xcb: {  	[tilespmem:s9+$0x0] =	vst v12  }
0xcc: {  	v9 =	vld.idx.msk [tilespmem:v9+s28+$0x0], $0xffff;
	_ =	sdelay $0x4  }
0xcd: {  	v1 =	vmul.f32 v9, v1  }
0xce: {  	v4 =	vmul.f32 v9, v4  }
0xcf: {  	v5 =	vmul.f32 v9, v5;
	v1 =	vadd.f32 v1, v7  }
0xd0: {  	s16 =	sadd.s32 $0x380, s9;
	v2 =	vmul.f32 v9, v2;
	v4 =	vadd.f32 v4, v8  }
0xd1: {  	v5 =	vadd.f32 v5, v6;
	[tilespmem:s16+$0xFFFFFFD0] =	vst v1  }
0xd2: {  	v1 =	vadd.f32 v2, v3;
	[tilespmem:s16+$0xFFFFFFE0] =	vst v4  }
0xd3: {  	[tilespmem:s16+$0xFFFFFFF0] =	vst v5  }
0xd4: {  	s17 =	simm.s32 $0x2;
	[tilespmem:s16+$0x0] =	vst v1  }
0xd5: {  	v3 =	vmov s17;
	v1 =	vld [tilespmem:$0x220]  }
0xd6: {  	v4 =	vld [tilespmem:$0x230]  }
0xd7: {  	v5 =	vld [tilespmem:$0x240]  }
0xd8: {  	v2 =	vld [tilespmem:$0x250]  }
0xd9: {  	v7 =	vld [tilespmem:$0x560]  }
0xda: {  	v9 =	vld.idx.msk [tilespmem:v3+s28+$0x0], $0xffff  }
0xdb: {  	v8 =	vld [tilespmem:$0x570]  }
0xdc: {  	v6 =	vld [tilespmem:$0x580]  }
0xdd: {  	v3 =	vld [tilespmem:$0x590];
	_ =	sdelay $0x1  }
0xde: {  	v10 =	vmul.f32 v9, v1;
	v12 =	vmul.f32 v9, v4  }
0xdf: {  	v13 =	vmul.f32 v9, v5;
	v14 =	vmul.f32 v9, v2  }
0xe0: {  	s16 =	simm.s32 $0xF;
	v11 =	vadd.f32 v10, v7;
	v10 =	vadd.f32 v12, v8  }
0xe1: {  	s9 =	simm.s32 $0x14560;
	v9 =	vmov s16;
	s16 =	simm.s32 $0x1C;
	v13 =	vadd.f32 v13, v6;
	v12 =	vadd.f32 v14, v3  }
.LBB2_9:
0xe2: {  	p0 =	sne.s32 s16, $0xC5;
	[tilespmem:s9+$0xFFFFFFD0] =	vst v11  }
0xe3: {  	[tilespmem:s9+$0xFFFFFFE0] =	vst v10  }
0xe4: {  	[tilespmem:s9+$0xFFFFFFF0] =	vst v13  }
0xe5: {  	[tilespmem:s9+$0x0] =	vst v12  }
0xe6: {  	v9 =	vld.idx.msk [tilespmem:v9+s28+$0x0], $0xffff;
	_ =	sdelay $0x4  }
.Ltmp3:
0xe7: {  	(pc) =	sbr.rel @p0 .LBB2_9-.Ltmp3, $4  }
0xe8: {  	v10 =	vmul.f32 v9, v1;
	v12 =	vmul.f32 v9, v4  }
0xe9: {  	v13 =	vmul.f32 v9, v5;
	v14 =	vmul.f32 v9, v2  }
0xea: {  	v11 =	vadd.f32 v10, v7;
	v10 =	vadd.f32 v12, v8  }
0xeb: {  	s9 =	sadd.s32 $0x380, s9;
	v9 =	vmov s16;
	s16 =	sadd.s32 $0xD, s16;
	v13 =	vadd.f32 v13, v6;
	v12 =	vadd.f32 v14, v3  }
0xec: {  	[tilespmem:s9+$0xFFFFFFD0] =	vst v11  }
0xed: {  	[tilespmem:s9+$0xFFFFFFE0] =	vst v10  }
0xee: {  	[tilespmem:s9+$0xFFFFFFF0] =	vst v13  }
0xef: {  	[tilespmem:s9+$0x0] =	vst v12  }
0xf0: {  	v9 =	vld.idx.msk [tilespmem:v9+s28+$0x0], $0xffff;
	_ =	sdelay $0x4  }
0xf1: {  	v1 =	vmul.f32 v9, v1  }
0xf2: {  	v4 =	vmul.f32 v9, v4  }
0xf3: {  	v5 =	vmul.f32 v9, v5;
	v1 =	vadd.f32 v1, v7  }
0xf4: {  	s16 =	sadd.s32 $0x380, s9;
	v2 =	vmul.f32 v9, v2;
	v4 =	vadd.f32 v4, v8  }
0xf5: {  	v5 =	vadd.f32 v5, v6;
	[tilespmem:s16+$0xFFFFFFD0] =	vst v1  }
0xf6: {  	v1 =	vadd.f32 v2, v3;
	[tilespmem:s16+$0xFFFFFFE0] =	vst v4  }
0xf7: {  	[tilespmem:s16+$0xFFFFFFF0] =	vst v5  }
0xf8: {  	s17 =	simm.s32 $0x3;
	[tilespmem:s16+$0x0] =	vst v1  }
0xf9: {  	v3 =	vmov s17;
	v1 =	vld [tilespmem:$0x260]  }
0xfa: {  	v4 =	vld [tilespmem:$0x270]  }
0xfb: {  	v5 =	vld [tilespmem:$0x280]  }
0xfc: {  	v2 =	vld [tilespmem:$0x290]  }
0xfd: {  	v7 =	vld [tilespmem:$0x5A0]  }
0xfe: {  	v9 =	vld.idx.msk [tilespmem:v3+s28+$0x0], $0xffff  }
0xff: {  	v8 =	vld [tilespmem:$0x5B0]  }
0x100: {  	v6 =	vld [tilespmem:$0x5C0]  }
0x101: {  	v3 =	vld [tilespmem:$0x5D0];
	_ =	sdelay $0x1  }
0x102: {  	v10 =	vmul.f32 v9, v1;
	v12 =	vmul.f32 v9, v4  }
0x103: {  	v13 =	vmul.f32 v9, v5;
	v14 =	vmul.f32 v9, v2  }
0x104: {  	s16 =	simm.s32 $0x10;
	v11 =	vadd.f32 v10, v7;
	v10 =	vadd.f32 v12, v8  }
0x105: {  	s9 =	simm.s32 $0x145A0;
	v9 =	vmov s16;
	s16 =	simm.s32 $0x1D;
	v13 =	vadd.f32 v13, v6;
	v12 =	vadd.f32 v14, v3  }
.LBB2_11:
0x106: {  	p0 =	sne.s32 s16, $0xC6;
	[tilespmem:s9+$0xFFFFFFD0] =	vst v11  }
0x107: {  	[tilespmem:s9+$0xFFFFFFE0] =	vst v10  }
0x108: {  	[tilespmem:s9+$0xFFFFFFF0] =	vst v13  }
0x109: {  	[tilespmem:s9+$0x0] =	vst v12  }
0x10a: {  	v9 =	vld.idx.msk [tilespmem:v9+s28+$0x0], $0xffff;
	_ =	sdelay $0x4  }
.Ltmp4:
0x10b: {  	(pc) =	sbr.rel @p0 .LBB2_11-.Ltmp4, $4  }
0x10c: {  	v10 =	vmul.f32 v9, v1;
	v12 =	vmul.f32 v9, v4  }
0x10d: {  	v13 =	vmul.f32 v9, v5;
	v14 =	vmul.f32 v9, v2  }
0x10e: {  	v11 =	vadd.f32 v10, v7;
	v10 =	vadd.f32 v12, v8  }
0x10f: {  	s9 =	sadd.s32 $0x380, s9;
	v9 =	vmov s16;
	s16 =	sadd.s32 $0xD, s16;
	v13 =	vadd.f32 v13, v6;
	v12 =	vadd.f32 v14, v3  }
0x110: {  	[tilespmem:s9+$0xFFFFFFD0] =	vst v11  }
0x111: {  	[tilespmem:s9+$0xFFFFFFE0] =	vst v10  }
0x112: {  	[tilespmem:s9+$0xFFFFFFF0] =	vst v13  }
0x113: {  	[tilespmem:s9+$0x0] =	vst v12  }
0x114: {  	v9 =	vld.idx.msk [tilespmem:v9+s28+$0x0], $0xffff;
	_ =	sdelay $0x4  }
0x115: {  	v1 =	vmul.f32 v9, v1  }
0x116: {  	v4 =	vmul.f32 v9, v4  }
0x117: {  	v5 =	vmul.f32 v9, v5;
	v1 =	vadd.f32 v1, v7  }
0x118: {  	s16 =	sadd.s32 $0x380, s9;
	v2 =	vmul.f32 v9, v2;
	v4 =	vadd.f32 v4, v8  }
0x119: {  	v5 =	vadd.f32 v5, v6;
	[tilespmem:s16+$0xFFFFFFD0] =	vst v1  }
0x11a: {  	v1 =	vadd.f32 v2, v3;
	[tilespmem:s16+$0xFFFFFFE0] =	vst v4  }
0x11b: {  	[tilespmem:s16+$0xFFFFFFF0] =	vst v5  }
0x11c: {  	s17 =	simm.s32 $0x4;
	[tilespmem:s16+$0x0] =	vst v1  }
0x11d: {  	v3 =	vmov s17;
	v1 =	vld [tilespmem:$0x2A0]  }
0x11e: {  	v4 =	vld [tilespmem:$0x2B0]  }
0x11f: {  	v5 =	vld [tilespmem:$0x2C0]  }
0x120: {  	v2 =	vld [tilespmem:$0x2D0]  }
0x121: {  	v7 =	vld [tilespmem:$0x5E0]  }
0x122: {  	v9 =	vld.idx.msk [tilespmem:v3+s28+$0x0], $0xffff  }
0x123: {  	v8 =	vld [tilespmem:$0x5F0]  }
0x124: {  	v6 =	vld [tilespmem:$0x600]  }
0x125: {  	v3 =	vld [tilespmem:$0x610];
	_ =	sdelay $0x1  }
0x126: {  	v10 =	vmul.f32 v9, v1;
	v12 =	vmul.f32 v9, v4  }
0x127: {  	v13 =	vmul.f32 v9, v5;
	v14 =	vmul.f32 v9, v2  }
0x128: {  	s16 =	simm.s32 $0x11;
	v11 =	vadd.f32 v10, v7;
	v10 =	vadd.f32 v12, v8  }
0x129: {  	s9 =	simm.s32 $0x145E0;
	v9 =	vmov s16;
	s16 =	simm.s32 $0x1E;
	v13 =	vadd.f32 v13, v6;
	v12 =	vadd.f32 v14, v3  }
.LBB2_13:
0x12a: {  	p0 =	sne.s32 s16, $0xC7;
	[tilespmem:s9+$0xFFFFFFD0] =	vst v11  }
0x12b: {  	[tilespmem:s9+$0xFFFFFFE0] =	vst v10  }
0x12c: {  	[tilespmem:s9+$0xFFFFFFF0] =	vst v13  }
0x12d: {  	[tilespmem:s9+$0x0] =	vst v12  }
0x12e: {  	v9 =	vld.idx.msk [tilespmem:v9+s28+$0x0], $0xffff;
	_ =	sdelay $0x4  }
.Ltmp5:
0x12f: {  	(pc) =	sbr.rel @p0 .LBB2_13-.Ltmp5, $4  }
0x130: {  	v10 =	vmul.f32 v9, v1;
	v12 =	vmul.f32 v9, v4  }
0x131: {  	v13 =	vmul.f32 v9, v5;
	v14 =	vmul.f32 v9, v2  }
0x132: {  	v11 =	vadd.f32 v10, v7;
	v10 =	vadd.f32 v12, v8  }
0x133: {  	s9 =	sadd.s32 $0x380, s9;
	v9 =	vmov s16;
	s16 =	sadd.s32 $0xD, s16;
	v13 =	vadd.f32 v13, v6;
	v12 =	vadd.f32 v14, v3  }
0x134: {  	[tilespmem:s9+$0xFFFFFFD0] =	vst v11  }
0x135: {  	[tilespmem:s9+$0xFFFFFFE0] =	vst v10  }
0x136: {  	[tilespmem:s9+$0xFFFFFFF0] =	vst v13  }
0x137: {  	[tilespmem:s9+$0x0] =	vst v12  }
0x138: {  	v9 =	vld.idx.msk [tilespmem:v9+s28+$0x0], $0xffff;
	_ =	sdelay $0x4  }
0x139: {  	v1 =	vmul.f32 v9, v1  }
0x13a: {  	v4 =	vmul.f32 v9, v4  }
0x13b: {  	v5 =	vmul.f32 v9, v5;
	v1 =	vadd.f32 v1, v7  }
0x13c: {  	s16 =	sadd.s32 $0x380, s9;
	v2 =	vmul.f32 v9, v2;
	v4 =	vadd.f32 v4, v8  }
0x13d: {  	v5 =	vadd.f32 v5, v6;
	[tilespmem:s16+$0xFFFFFFD0] =	vst v1  }
0x13e: {  	v1 =	vadd.f32 v2, v3;
	[tilespmem:s16+$0xFFFFFFE0] =	vst v4  }
0x13f: {  	[tilespmem:s16+$0xFFFFFFF0] =	vst v5  }
0x140: {  	s17 =	simm.s32 $0x5;
	[tilespmem:s16+$0x0] =	vst v1  }
0x141: {  	v3 =	vmov s17;
	v1 =	vld [tilespmem:$0x2E0]  }
0x142: {  	v4 =	vld [tilespmem:$0x2F0]  }
0x143: {  	v5 =	vld [tilespmem:$0x300]  }
0x144: {  	v2 =	vld [tilespmem:$0x310]  }
0x145: {  	v7 =	vld [tilespmem:$0x620]  }
0x146: {  	v9 =	vld.idx.msk [tilespmem:v3+s28+$0x0], $0xffff  }
0x147: {  	v8 =	vld [tilespmem:$0x630]  }
0x148: {  	v6 =	vld [tilespmem:$0x640]  }
0x149: {  	v3 =	vld [tilespmem:$0x650];
	_ =	sdelay $0x1  }
0x14a: {  	v10 =	vmul.f32 v9, v1;
	v12 =	vmul.f32 v9, v4  }
0x14b: {  	v13 =	vmul.f32 v9, v5;
	v14 =	vmul.f32 v9, v2  }
0x14c: {  	s16 =	simm.s32 $0x12;
	v11 =	vadd.f32 v10, v7;
	v10 =	vadd.f32 v12, v8  }
0x14d: {  	s9 =	simm.s32 $0x14620;
	v9 =	vmov s16;
	s16 =	simm.s32 $0x1F;
	v13 =	vadd.f32 v13, v6;
	v12 =	vadd.f32 v14, v3  }
.LBB2_15:
0x14e: {  	p0 =	sne.s32 s16, $0xC8;
	[tilespmem:s9+$0xFFFFFFD0] =	vst v11  }
0x14f: {  	[tilespmem:s9+$0xFFFFFFE0] =	vst v10  }
0x150: {  	[tilespmem:s9+$0xFFFFFFF0] =	vst v13  }
0x151: {  	[tilespmem:s9+$0x0] =	vst v12  }
0x152: {  	v9 =	vld.idx.msk [tilespmem:v9+s28+$0x0], $0xffff;
	_ =	sdelay $0x4  }
.Ltmp6:
0x153: {  	(pc) =	sbr.rel @p0 .LBB2_15-.Ltmp6, $4  }
0x154: {  	v10 =	vmul.f32 v9, v1;
	v12 =	vmul.f32 v9, v4  }
0x155: {  	v13 =	vmul.f32 v9, v5;
	v14 =	vmul.f32 v9, v2  }
0x156: {  	v11 =	vadd.f32 v10, v7;
	v10 =	vadd.f32 v12, v8  }
0x157: {  	s9 =	sadd.s32 $0x380, s9;
	v9 =	vmov s16;
	s16 =	sadd.s32 $0xD, s16;
	v13 =	vadd.f32 v13, v6;
	v12 =	vadd.f32 v14, v3  }
0x158: {  	[tilespmem:s9+$0xFFFFFFD0] =	vst v11  }
0x159: {  	[tilespmem:s9+$0xFFFFFFE0] =	vst v10  }
0x15a: {  	[tilespmem:s9+$0xFFFFFFF0] =	vst v13  }
0x15b: {  	[tilespmem:s9+$0x0] =	vst v12  }
0x15c: {  	v9 =	vld.idx.msk [tilespmem:v9+s28+$0x0], $0xffff;
	_ =	sdelay $0x4  }
0x15d: {  	v1 =	vmul.f32 v9, v1  }
0x15e: {  	v4 =	vmul.f32 v9, v4  }
0x15f: {  	v5 =	vmul.f32 v9, v5;
	v1 =	vadd.f32 v1, v7  }
0x160: {  	s16 =	sadd.s32 $0x380, s9;
	v2 =	vmul.f32 v9, v2;
	v4 =	vadd.f32 v4, v8  }
0x161: {  	v5 =	vadd.f32 v5, v6;
	[tilespmem:s16+$0xFFFFFFD0] =	vst v1  }
0x162: {  	v1 =	vadd.f32 v2, v3;
	[tilespmem:s16+$0xFFFFFFE0] =	vst v4  }
0x163: {  	[tilespmem:s16+$0xFFFFFFF0] =	vst v5  }
0x164: {  	s17 =	simm.s32 $0x6;
	[tilespmem:s16+$0x0] =	vst v1  }
0x165: {  	v3 =	vmov s17;
	v1 =	vld [tilespmem:$0x320]  }
0x166: {  	v4 =	vld [tilespmem:$0x330]  }
0x167: {  	v5 =	vld [tilespmem:$0x340]  }
0x168: {  	v2 =	vld [tilespmem:$0x350]  }
0x169: {  	v7 =	vld [tilespmem:$0x660]  }
0x16a: {  	v9 =	vld.idx.msk [tilespmem:v3+s28+$0x0], $0xffff  }
0x16b: {  	v8 =	vld [tilespmem:$0x670]  }
0x16c: {  	v6 =	vld [tilespmem:$0x680]  }
0x16d: {  	v3 =	vld [tilespmem:$0x690];
	_ =	sdelay $0x1  }
0x16e: {  	v10 =	vmul.f32 v9, v1;
	v12 =	vmul.f32 v9, v4  }
0x16f: {  	v13 =	vmul.f32 v9, v5;
	v14 =	vmul.f32 v9, v2  }
0x170: {  	s16 =	simm.s32 $0x13;
	v11 =	vadd.f32 v10, v7;
	v10 =	vadd.f32 v12, v8  }
0x171: {  	s9 =	simm.s32 $0x14660;
	v9 =	vmov s16;
	s16 =	simm.s32 $0x20;
	v13 =	vadd.f32 v13, v6;
	v12 =	vadd.f32 v14, v3  }
.LBB2_17:
0x172: {  	p0 =	sne.s32 s16, $0xC9;
	[tilespmem:s9+$0xFFFFFFD0] =	vst v11  }
0x173: {  	[tilespmem:s9+$0xFFFFFFE0] =	vst v10  }
0x174: {  	[tilespmem:s9+$0xFFFFFFF0] =	vst v13  }
0x175: {  	[tilespmem:s9+$0x0] =	vst v12  }
0x176: {  	v9 =	vld.idx.msk [tilespmem:v9+s28+$0x0], $0xffff;
	_ =	sdelay $0x4  }
.Ltmp7:
0x177: {  	(pc) =	sbr.rel @p0 .LBB2_17-.Ltmp7, $4  }
0x178: {  	v10 =	vmul.f32 v9, v1;
	v12 =	vmul.f32 v9, v4  }
0x179: {  	v13 =	vmul.f32 v9, v5;
	v14 =	vmul.f32 v9, v2  }
0x17a: {  	v11 =	vadd.f32 v10, v7;
	v10 =	vadd.f32 v12, v8  }
0x17b: {  	s9 =	sadd.s32 $0x380, s9;
	v9 =	vmov s16;
	s16 =	sadd.s32 $0xD, s16;
	v13 =	vadd.f32 v13, v6;
	v12 =	vadd.f32 v14, v3  }
0x17c: {  	[tilespmem:s9+$0xFFFFFFD0] =	vst v11  }
0x17d: {  	[tilespmem:s9+$0xFFFFFFE0] =	vst v10  }
0x17e: {  	[tilespmem:s9+$0xFFFFFFF0] =	vst v13  }
0x17f: {  	[tilespmem:s9+$0x0] =	vst v12  }
0x180: {  	v9 =	vld.idx.msk [tilespmem:v9+s28+$0x0], $0xffff;
	_ =	sdelay $0x4  }
0x181: {  	v1 =	vmul.f32 v9, v1  }
0x182: {  	v4 =	vmul.f32 v9, v4  }
0x183: {  	v5 =	vmul.f32 v9, v5;
	v1 =	vadd.f32 v1, v7  }
0x184: {  	s16 =	sadd.s32 $0x380, s9;
	v2 =	vmul.f32 v9, v2;
	v4 =	vadd.f32 v4, v8  }
0x185: {  	v5 =	vadd.f32 v5, v6;
	[tilespmem:s16+$0xFFFFFFD0] =	vst v1  }
0x186: {  	v1 =	vadd.f32 v2, v3;
	[tilespmem:s16+$0xFFFFFFE0] =	vst v4  }
0x187: {  	[tilespmem:s16+$0xFFFFFFF0] =	vst v5  }
0x188: {  	s17 =	simm.s32 $0x7;
	[tilespmem:s16+$0x0] =	vst v1  }
0x189: {  	v3 =	vmov s17;
	v1 =	vld [tilespmem:$0x360]  }
0x18a: {  	v4 =	vld [tilespmem:$0x370]  }
0x18b: {  	v5 =	vld [tilespmem:$0x380]  }
0x18c: {  	v2 =	vld [tilespmem:$0x390]  }
0x18d: {  	v7 =	vld [tilespmem:$0x6A0]  }
0x18e: {  	v9 =	vld.idx.msk [tilespmem:v3+s28+$0x0], $0xffff  }
0x18f: {  	v8 =	vld [tilespmem:$0x6B0]  }
0x190: {  	v6 =	vld [tilespmem:$0x6C0]  }
0x191: {  	v3 =	vld [tilespmem:$0x6D0];
	_ =	sdelay $0x1  }
0x192: {  	v10 =	vmul.f32 v9, v1;
	v12 =	vmul.f32 v9, v4  }
0x193: {  	v13 =	vmul.f32 v9, v5;
	v14 =	vmul.f32 v9, v2  }
0x194: {  	s16 =	simm.s32 $0x14;
	v11 =	vadd.f32 v10, v7;
	v10 =	vadd.f32 v12, v8  }
0x195: {  	s9 =	simm.s32 $0x146A0;
	v9 =	vmov s16;
	s16 =	simm.s32 $0x21;
	v13 =	vadd.f32 v13, v6;
	v12 =	vadd.f32 v14, v3  }
.LBB2_19:
0x196: {  	p0 =	sne.s32 s16, $0xCA;
	[tilespmem:s9+$0xFFFFFFD0] =	vst v11  }
0x197: {  	[tilespmem:s9+$0xFFFFFFE0] =	vst v10  }
0x198: {  	[tilespmem:s9+$0xFFFFFFF0] =	vst v13  }
0x199: {  	[tilespmem:s9+$0x0] =	vst v12  }
0x19a: {  	v9 =	vld.idx.msk [tilespmem:v9+s28+$0x0], $0xffff;
	_ =	sdelay $0x4  }
.Ltmp8:
0x19b: {  	(pc) =	sbr.rel @p0 .LBB2_19-.Ltmp8, $4  }
0x19c: {  	v10 =	vmul.f32 v9, v1;
	v12 =	vmul.f32 v9, v4  }
0x19d: {  	v13 =	vmul.f32 v9, v5;
	v14 =	vmul.f32 v9, v2  }
0x19e: {  	v11 =	vadd.f32 v10, v7;
	v10 =	vadd.f32 v12, v8  }
0x19f: {  	s9 =	sadd.s32 $0x380, s9;
	v9 =	vmov s16;
	s16 =	sadd.s32 $0xD, s16;
	v13 =	vadd.f32 v13, v6;
	v12 =	vadd.f32 v14, v3  }
0x1a0: {  	[tilespmem:s9+$0xFFFFFFD0] =	vst v11  }
0x1a1: {  	[tilespmem:s9+$0xFFFFFFE0] =	vst v10  }
0x1a2: {  	[tilespmem:s9+$0xFFFFFFF0] =	vst v13  }
0x1a3: {  	[tilespmem:s9+$0x0] =	vst v12  }
0x1a4: {  	v9 =	vld.idx.msk [tilespmem:v9+s28+$0x0], $0xffff;
	_ =	sdelay $0x4  }
0x1a5: {  	v1 =	vmul.f32 v9, v1  }
0x1a6: {  	v4 =	vmul.f32 v9, v4  }
0x1a7: {  	v5 =	vmul.f32 v9, v5;
	v1 =	vadd.f32 v1, v7  }
0x1a8: {  	s16 =	sadd.s32 $0x380, s9;
	v2 =	vmul.f32 v9, v2;
	v4 =	vadd.f32 v4, v8  }
0x1a9: {  	v5 =	vadd.f32 v5, v6;
	[tilespmem:s16+$0xFFFFFFD0] =	vst v1  }
0x1aa: {  	v1 =	vadd.f32 v2, v3;
	[tilespmem:s16+$0xFFFFFFE0] =	vst v4  }
0x1ab: {  	[tilespmem:s16+$0xFFFFFFF0] =	vst v5  }
0x1ac: {  	s17 =	simm.s32 $0x8;
	[tilespmem:s16+$0x0] =	vst v1  }
0x1ad: {  	v3 =	vmov s17;
	v1 =	vld [tilespmem:$0x3A0]  }
0x1ae: {  	v4 =	vld [tilespmem:$0x3B0]  }
0x1af: {  	v5 =	vld [tilespmem:$0x3C0]  }
0x1b0: {  	v2 =	vld [tilespmem:$0x3D0]  }
0x1b1: {  	v7 =	vld [tilespmem:$0x6E0]  }
0x1b2: {  	v9 =	vld.idx.msk [tilespmem:v3+s28+$0x0], $0xffff  }
0x1b3: {  	v8 =	vld [tilespmem:$0x6F0]  }
0x1b4: {  	v6 =	vld [tilespmem:$0x700]  }
0x1b5: {  	v3 =	vld [tilespmem:$0x710];
	_ =	sdelay $0x1  }
0x1b6: {  	v10 =	vmul.f32 v9, v1;
	v12 =	vmul.f32 v9, v4  }
0x1b7: {  	v13 =	vmul.f32 v9, v5;
	v14 =	vmul.f32 v9, v2  }
0x1b8: {  	s16 =	simm.s32 $0x15;
	v11 =	vadd.f32 v10, v7;
	v10 =	vadd.f32 v12, v8  }
0x1b9: {  	s9 =	simm.s32 $0x146E0;
	v9 =	vmov s16;
	s16 =	simm.s32 $0x22;
	v13 =	vadd.f32 v13, v6;
	v12 =	vadd.f32 v14, v3  }
.LBB2_21:
0x1ba: {  	p0 =	sne.s32 s16, $0xCB;
	[tilespmem:s9+$0xFFFFFFD0] =	vst v11  }
0x1bb: {  	[tilespmem:s9+$0xFFFFFFE0] =	vst v10  }
0x1bc: {  	[tilespmem:s9+$0xFFFFFFF0] =	vst v13  }
0x1bd: {  	[tilespmem:s9+$0x0] =	vst v12  }
0x1be: {  	v9 =	vld.idx.msk [tilespmem:v9+s28+$0x0], $0xffff;
	_ =	sdelay $0x4  }
.Ltmp9:
0x1bf: {  	(pc) =	sbr.rel @p0 .LBB2_21-.Ltmp9, $4  }
0x1c0: {  	v10 =	vmul.f32 v9, v1;
	v12 =	vmul.f32 v9, v4  }
0x1c1: {  	v13 =	vmul.f32 v9, v5;
	v14 =	vmul.f32 v9, v2  }
0x1c2: {  	v11 =	vadd.f32 v10, v7;
	v10 =	vadd.f32 v12, v8  }
0x1c3: {  	s9 =	sadd.s32 $0x380, s9;
	v9 =	vmov s16;
	s16 =	sadd.s32 $0xD, s16;
	v13 =	vadd.f32 v13, v6;
	v12 =	vadd.f32 v14, v3  }
0x1c4: {  	[tilespmem:s9+$0xFFFFFFD0] =	vst v11  }
0x1c5: {  	[tilespmem:s9+$0xFFFFFFE0] =	vst v10  }
0x1c6: {  	[tilespmem:s9+$0xFFFFFFF0] =	vst v13  }
0x1c7: {  	[tilespmem:s9+$0x0] =	vst v12  }
0x1c8: {  	v9 =	vld.idx.msk [tilespmem:v9+s28+$0x0], $0xffff;
	_ =	sdelay $0x4  }
0x1c9: {  	v1 =	vmul.f32 v9, v1  }
0x1ca: {  	v4 =	vmul.f32 v9, v4  }
0x1cb: {  	v5 =	vmul.f32 v9, v5;
	v1 =	vadd.f32 v1, v7  }
0x1cc: {  	s16 =	sadd.s32 $0x380, s9;
	v2 =	vmul.f32 v9, v2;
	v4 =	vadd.f32 v4, v8  }
0x1cd: {  	v5 =	vadd.f32 v5, v6;
	[tilespmem:s16+$0xFFFFFFD0] =	vst v1  }
0x1ce: {  	v1 =	vadd.f32 v2, v3;
	[tilespmem:s16+$0xFFFFFFE0] =	vst v4  }
0x1cf: {  	[tilespmem:s16+$0xFFFFFFF0] =	vst v5  }
0x1d0: {  	s17 =	simm.s32 $0x9;
	[tilespmem:s16+$0x0] =	vst v1  }
0x1d1: {  	v3 =	vmov s17;
	v1 =	vld [tilespmem:$0x3E0]  }
0x1d2: {  	v4 =	vld [tilespmem:$0x3F0]  }
0x1d3: {  	v5 =	vld [tilespmem:$0x400]  }
0x1d4: {  	v2 =	vld [tilespmem:$0x410]  }
0x1d5: {  	v7 =	vld [tilespmem:$0x720]  }
0x1d6: {  	v9 =	vld.idx.msk [tilespmem:v3+s28+$0x0], $0xffff  }
0x1d7: {  	v8 =	vld [tilespmem:$0x730]  }
0x1d8: {  	v6 =	vld [tilespmem:$0x740]  }
0x1d9: {  	v3 =	vld [tilespmem:$0x750];
	_ =	sdelay $0x1  }
0x1da: {  	v10 =	vmul.f32 v9, v1;
	v12 =	vmul.f32 v9, v4  }
0x1db: {  	v13 =	vmul.f32 v9, v5;
	v14 =	vmul.f32 v9, v2  }
0x1dc: {  	s16 =	simm.s32 $0x16;
	v11 =	vadd.f32 v10, v7;
	v10 =	vadd.f32 v12, v8  }
0x1dd: {  	s9 =	simm.s32 $0x14720;
	v9 =	vmov s16;
	s16 =	simm.s32 $0x23;
	v13 =	vadd.f32 v13, v6;
	v12 =	vadd.f32 v14, v3  }
.LBB2_23:
0x1de: {  	p0 =	sne.s32 s16, $0xCC;
	[tilespmem:s9+$0xFFFFFFD0] =	vst v11  }
0x1df: {  	[tilespmem:s9+$0xFFFFFFE0] =	vst v10  }
0x1e0: {  	[tilespmem:s9+$0xFFFFFFF0] =	vst v13  }
0x1e1: {  	[tilespmem:s9+$0x0] =	vst v12  }
0x1e2: {  	v9 =	vld.idx.msk [tilespmem:v9+s28+$0x0], $0xffff;
	_ =	sdelay $0x4  }
.Ltmp10:
0x1e3: {  	(pc) =	sbr.rel @p0 .LBB2_23-.Ltmp10, $4  }
0x1e4: {  	v10 =	vmul.f32 v9, v1;
	v12 =	vmul.f32 v9, v4  }
0x1e5: {  	v13 =	vmul.f32 v9, v5;
	v14 =	vmul.f32 v9, v2  }
0x1e6: {  	v11 =	vadd.f32 v10, v7;
	v10 =	vadd.f32 v12, v8  }
0x1e7: {  	s9 =	sadd.s32 $0x380, s9;
	v9 =	vmov s16;
	s16 =	sadd.s32 $0xD, s16;
	v13 =	vadd.f32 v13, v6;
	v12 =	vadd.f32 v14, v3  }
0x1e8: {  	[tilespmem:s9+$0xFFFFFFD0] =	vst v11  }
0x1e9: {  	[tilespmem:s9+$0xFFFFFFE0] =	vst v10  }
0x1ea: {  	[tilespmem:s9+$0xFFFFFFF0] =	vst v13  }
0x1eb: {  	[tilespmem:s9+$0x0] =	vst v12  }
0x1ec: {  	v9 =	vld.idx.msk [tilespmem:v9+s28+$0x0], $0xffff;
	_ =	sdelay $0x4  }
0x1ed: {  	v1 =	vmul.f32 v9, v1  }
0x1ee: {  	v4 =	vmul.f32 v9, v4  }
0x1ef: {  	v5 =	vmul.f32 v9, v5;
	v1 =	vadd.f32 v1, v7  }
0x1f0: {  	s16 =	sadd.s32 $0x380, s9;
	v2 =	vmul.f32 v9, v2;
	v4 =	vadd.f32 v4, v8  }
0x1f1: {  	v5 =	vadd.f32 v5, v6;
	[tilespmem:s16+$0xFFFFFFD0] =	vst v1  }
0x1f2: {  	v1 =	vadd.f32 v2, v3;
	[tilespmem:s16+$0xFFFFFFE0] =	vst v4  }
0x1f3: {  	[tilespmem:s16+$0xFFFFFFF0] =	vst v5  }
0x1f4: {  	s17 =	simm.s32 $0xA;
	[tilespmem:s16+$0x0] =	vst v1  }
0x1f5: {  	v3 =	vmov s17;
	v1 =	vld [tilespmem:$0x420]  }
0x1f6: {  	v4 =	vld [tilespmem:$0x430]  }
0x1f7: {  	v5 =	vld [tilespmem:$0x440]  }
0x1f8: {  	v2 =	vld [tilespmem:$0x450]  }
0x1f9: {  	v7 =	vld [tilespmem:$0x760]  }
0x1fa: {  	v9 =	vld.idx.msk [tilespmem:v3+s28+$0x0], $0xffff  }
0x1fb: {  	v8 =	vld [tilespmem:$0x770]  }
0x1fc: {  	v6 =	vld [tilespmem:$0x780]  }
0x1fd: {  	v3 =	vld [tilespmem:$0x790];
	_ =	sdelay $0x1  }
0x1fe: {  	v10 =	vmul.f32 v9, v1;
	v12 =	vmul.f32 v9, v4  }
0x1ff: {  	v13 =	vmul.f32 v9, v5;
	v14 =	vmul.f32 v9, v2  }
0x200: {  	s16 =	simm.s32 $0x17;
	v11 =	vadd.f32 v10, v7;
	v10 =	vadd.f32 v12, v8  }
0x201: {  	s9 =	simm.s32 $0x14760;
	v9 =	vmov s16;
	s16 =	simm.s32 $0x24;
	v13 =	vadd.f32 v13, v6;
	v12 =	vadd.f32 v14, v3  }
.LBB2_25:
0x202: {  	p0 =	sne.s32 s16, $0xCD;
	[tilespmem:s9+$0xFFFFFFD0] =	vst v11  }
0x203: {  	[tilespmem:s9+$0xFFFFFFE0] =	vst v10  }
0x204: {  	[tilespmem:s9+$0xFFFFFFF0] =	vst v13  }
0x205: {  	[tilespmem:s9+$0x0] =	vst v12  }
0x206: {  	v9 =	vld.idx.msk [tilespmem:v9+s28+$0x0], $0xffff;
	_ =	sdelay $0x4  }
.Ltmp11:
0x207: {  	(pc) =	sbr.rel @p0 .LBB2_25-.Ltmp11, $4  }
0x208: {  	v10 =	vmul.f32 v9, v1;
	v12 =	vmul.f32 v9, v4  }
0x209: {  	v13 =	vmul.f32 v9, v5;
	v14 =	vmul.f32 v9, v2  }
0x20a: {  	v11 =	vadd.f32 v10, v7;
	v10 =	vadd.f32 v12, v8  }
0x20b: {  	s9 =	sadd.s32 $0x380, s9;
	v9 =	vmov s16;
	s16 =	sadd.s32 $0xD, s16;
	v13 =	vadd.f32 v13, v6;
	v12 =	vadd.f32 v14, v3  }
0x20c: {  	[tilespmem:s9+$0xFFFFFFD0] =	vst v11  }
0x20d: {  	[tilespmem:s9+$0xFFFFFFE0] =	vst v10  }
0x20e: {  	[tilespmem:s9+$0xFFFFFFF0] =	vst v13  }
0x20f: {  	[tilespmem:s9+$0x0] =	vst v12  }
0x210: {  	v9 =	vld.idx.msk [tilespmem:v9+s28+$0x0], $0xffff;
	_ =	sdelay $0x4  }
0x211: {  	v1 =	vmul.f32 v9, v1  }
0x212: {  	v4 =	vmul.f32 v9, v4  }
0x213: {  	v5 =	vmul.f32 v9, v5;
	v1 =	vadd.f32 v1, v7  }
0x214: {  	s16 =	sadd.s32 $0x380, s9;
	v2 =	vmul.f32 v9, v2;
	v4 =	vadd.f32 v4, v8  }
0x215: {  	v5 =	vadd.f32 v5, v6;
	[tilespmem:s16+$0xFFFFFFD0] =	vst v1  }
0x216: {  	v1 =	vadd.f32 v2, v3;
	[tilespmem:s16+$0xFFFFFFE0] =	vst v4  }
0x217: {  	[tilespmem:s16+$0xFFFFFFF0] =	vst v5  }
0x218: {  	s17 =	simm.s32 $0xB;
	[tilespmem:s16+$0x0] =	vst v1  }
0x219: {  	v3 =	vmov s17;
	v1 =	vld [tilespmem:$0x460]  }
0x21a: {  	v4 =	vld [tilespmem:$0x470]  }
0x21b: {  	v5 =	vld [tilespmem:$0x480]  }
0x21c: {  	v2 =	vld [tilespmem:$0x490]  }
0x21d: {  	v7 =	vld [tilespmem:$0x7A0]  }
0x21e: {  	v9 =	vld.idx.msk [tilespmem:v3+s28+$0x0], $0xffff  }
0x21f: {  	v8 =	vld [tilespmem:$0x7B0]  }
0x220: {  	v6 =	vld [tilespmem:$0x7C0]  }
0x221: {  	v3 =	vld [tilespmem:$0x7D0];
	_ =	sdelay $0x1  }
0x222: {  	v10 =	vmul.f32 v9, v1;
	v12 =	vmul.f32 v9, v4  }
0x223: {  	v13 =	vmul.f32 v9, v5;
	v14 =	vmul.f32 v9, v2  }
0x224: {  	s16 =	simm.s32 $0x18;
	v11 =	vadd.f32 v10, v7;
	v10 =	vadd.f32 v12, v8  }
0x225: {  	s9 =	simm.s32 $0x147A0;
	v9 =	vmov s16;
	s16 =	simm.s32 $0x25;
	v13 =	vadd.f32 v13, v6;
	v12 =	vadd.f32 v14, v3  }
.LBB2_27:
0x226: {  	p0 =	sne.s32 s16, $0xCE;
	[tilespmem:s9+$0xFFFFFFD0] =	vst v11  }
0x227: {  	[tilespmem:s9+$0xFFFFFFE0] =	vst v10  }
0x228: {  	[tilespmem:s9+$0xFFFFFFF0] =	vst v13  }
0x229: {  	[tilespmem:s9+$0x0] =	vst v12  }
0x22a: {  	v9 =	vld.idx.msk [tilespmem:v9+s28+$0x0], $0xffff;
	_ =	sdelay $0x4  }
.Ltmp12:
0x22b: {  	(pc) =	sbr.rel @p0 .LBB2_27-.Ltmp12, $4  }
0x22c: {  	v10 =	vmul.f32 v9, v1;
	v12 =	vmul.f32 v9, v4  }
0x22d: {  	v13 =	vmul.f32 v9, v5;
	v14 =	vmul.f32 v9, v2  }
0x22e: {  	v11 =	vadd.f32 v10, v7;
	v10 =	vadd.f32 v12, v8  }
0x22f: {  	s9 =	sadd.s32 $0x380, s9;
	v9 =	vmov s16;
	s16 =	sadd.s32 $0xD, s16;
	v13 =	vadd.f32 v13, v6;
	v12 =	vadd.f32 v14, v3  }
0x230: {  	[tilespmem:s9+$0xFFFFFFD0] =	vst v11  }
0x231: {  	[tilespmem:s9+$0xFFFFFFE0] =	vst v10  }
0x232: {  	[tilespmem:s9+$0xFFFFFFF0] =	vst v13  }
0x233: {  	[tilespmem:s9+$0x0] =	vst v12  }
0x234: {  	v9 =	vld.idx.msk [tilespmem:v9+s28+$0x0], $0xffff;
	_ =	sdelay $0x4  }
0x235: {  	v1 =	vmul.f32 v9, v1  }
0x236: {  	v4 =	vmul.f32 v9, v4  }
0x237: {  	v5 =	vmul.f32 v9, v5;
	v1 =	vadd.f32 v1, v7  }
0x238: {  	s16 =	sadd.s32 $0x380, s9;
	v2 =	vmul.f32 v9, v2;
	v4 =	vadd.f32 v4, v8  }
0x239: {  	v5 =	vadd.f32 v5, v6;
	[tilespmem:s16+$0xFFFFFFD0] =	vst v1  }
0x23a: {  	v1 =	vadd.f32 v2, v3;
	[tilespmem:s16+$0xFFFFFFE0] =	vst v4  }
0x23b: {  	[tilespmem:s16+$0xFFFFFFF0] =	vst v5  }
0x23c: {  	s17 =	simm.s32 $0xC;
	[tilespmem:s16+$0x0] =	vst v1  }
0x23d: {  	v3 =	vmov s17;
	v1 =	vld [tilespmem:$0x4A0]  }
0x23e: {  	v4 =	vld [tilespmem:$0x4B0]  }
0x23f: {  	v5 =	vld [tilespmem:$0x4C0]  }
0x240: {  	v2 =	vld [tilespmem:$0x4D0]  }
0x241: {  	v7 =	vld [tilespmem:$0x7E0]  }
0x242: {  	v9 =	vld.idx.msk [tilespmem:v3+s28+$0x0], $0xffff  }
0x243: {  	v8 =	vld [tilespmem:$0x7F0]  }
0x244: {  	v6 =	vld [tilespmem:$0x800]  }
0x245: {  	v3 =	vld [tilespmem:$0x810];
	_ =	sdelay $0x1  }
0x246: {  	v10 =	vmul.f32 v9, v1;
	v12 =	vmul.f32 v9, v4  }
0x247: {  	v13 =	vmul.f32 v9, v5;
	v14 =	vmul.f32 v9, v2  }
0x248: {  	s16 =	simm.s32 $0x19;
	v11 =	vadd.f32 v10, v7;
	v10 =	vadd.f32 v12, v8  }
0x249: {  	s9 =	simm.s32 $0x147E0;
	v9 =	vmov s16;
	s16 =	simm.s32 $0x26;
	v13 =	vadd.f32 v13, v6;
	v12 =	vadd.f32 v14, v3  }
.LBB2_29:
0x24a: {  	p0 =	sne.s32 s16, $0xCF;
	[tilespmem:s9+$0xFFFFFFD0] =	vst v11  }
0x24b: {  	[tilespmem:s9+$0xFFFFFFE0] =	vst v10  }
0x24c: {  	[tilespmem:s9+$0xFFFFFFF0] =	vst v13  }
0x24d: {  	[tilespmem:s9+$0x0] =	vst v12  }
0x24e: {  	v9 =	vld.idx.msk [tilespmem:v9+s28+$0x0], $0xffff;
	_ =	sdelay $0x4  }
.Ltmp13:
0x24f: {  	(pc) =	sbr.rel @p0 .LBB2_29-.Ltmp13, $4  }
0x250: {  	v10 =	vmul.f32 v9, v1;
	v12 =	vmul.f32 v9, v4  }
0x251: {  	v13 =	vmul.f32 v9, v5;
	v14 =	vmul.f32 v9, v2  }
0x252: {  	v11 =	vadd.f32 v10, v7;
	v10 =	vadd.f32 v12, v8  }
0x253: {  	s9 =	sadd.s32 $0x380, s9;
	v9 =	vmov s16;
	s16 =	sadd.s32 $0xD, s16;
	v13 =	vadd.f32 v13, v6;
	v12 =	vadd.f32 v14, v3  }
0x254: {  	[tilespmem:s9+$0xFFFFFFD0] =	vst v11  }
0x255: {  	[tilespmem:s9+$0xFFFFFFE0] =	vst v10  }
0x256: {  	[tilespmem:s9+$0xFFFFFFF0] =	vst v13  }
0x257: {  	[tilespmem:s9+$0x0] =	vst v12  }
0x258: {  	v9 =	vld.idx.msk [tilespmem:v9+s28+$0x0], $0xffff;
	_ =	sdelay $0x4  }
0x259: {  	v1 =	vmul.f32 v9, v1  }
0x25a: {  	v4 =	vmul.f32 v9, v4  }
0x25b: {  	v5 =	vmul.f32 v9, v5;
	v1 =	vadd.f32 v1, v7  }
0x25c: {  	s10 =	sadd.s32 $0x380, s9;
	v2 =	vmul.f32 v9, v2;
	v4 =	vadd.f32 v4, v8  }
0x25d: {  	v5 =	vadd.f32 v5, v6;
	[tilespmem:s10+$0xFFFFFFD0] =	vst v1  }
0x25e: {  	v1 =	vadd.f32 v2, v3;
	[tilespmem:s10+$0xFFFFFFE0] =	vst v4  }
0x25f: {  	[tilespmem:s10+$0xFFFFFFF0] =	vst v5  }
0x260: {  	[tilespmem:s10+$0x0] =	vst v1  }
0x261: {  	_ =	swait.ge [sflag:s29], $0x3400  }
0x262: {  	[sflag:s29] =	ssyncset.done $0x0  }
0x263: {  	[sflag:s29] =	ssyncadd.s32 $0xFFFFCC00  }
0x264: {  	_ =	swait.ge [sflag:s29], $0x3400  }
0x265: {  	[sflag:s29] =	ssyncset.done $0x0  }
0x266: {  	[sflag:s29] =	ssyncadd.s32 $0xFFFFCC00  }
0x267: {  	s12 =	simm.s32 $0x0;
	_ =	swait.ge [sflag:s29], $0x3400  }
0x268: {  	v1 =	vmov s12;
	[sflag:s29] =	ssyncset.done $0x0  }
0x269: {  	[sflag:s29] =	ssyncadd.s32 $0xFFFFCC00  }
0x26a: {  	_ =	swait.ge [sflag:s29], $0x3400  }
0x26b: {  	[sflag:s29] =	ssyncset.done $0x0  }
0x26c: {  	[sflag:s29] =	ssyncadd.s32 $0xFFFFCC00  }
0x26d: {  	v2 =	vld.idx.msk [tilespmem:v1+s30+$0x0], $0xffff;
	_ =	sdelay $0x4  }
0x26e: {  	(v2sf) =	vpush v2, $0x0;
	_ =	sdelay $0xe  }
0x26f: {  	v1 =	vshll.u32 v1, $0x7;
	s16 =	spop (v2sf)  }
0x270: {  	v1 =	vor.u32 v0, v1;
	s9 =	sshll.u32 s16, $0x6  }
0x271: {  	v2 =	vadd.s32 s9, v1;
	_ =	sdelay $0x4  }
0x272: {  	s16 =	sor.u32 $0x10, s9;
	v2 =	vld.idx.msk [tilespmem:v2+s20+$0x0], $0xffff  }
0x273: {  	v3 =	vadd.s32 s16, v1;
	_ =	sdelay $0x2  }
0x274: {  	s16 =	simm.s32 $0xDC90  }
0x275: {  	[tilespmem:s16+$0xFFFFFFE0] =	vst v2  }
0x276: {  	s17 =	sor.u32 $0x20, s9;
	v2 =	vld.idx.msk [tilespmem:v3+s20+$0x0], $0xffff  }
0x277: {  	v3 =	vadd.s32 s17, v1;
	_ =	sdelay $0x3  }
0x278: {  	[tilespmem:s16+$0xFFFFFFF0] =	vst v2  }
0x279: {  	s9 =	sor.u32 $0x30, s9;
	v2 =	vld.idx.msk [tilespmem:v3+s20+$0x0], $0xffff  }
0x27a: {  	v1 =	vadd.s32 s9, v1;
	_ =	sdelay $0x3  }
0x27b: {  	[tilespmem:s16+$0x0] =	vst v2  }
0x27c: {  	s17 =	simm.s32 $0x1;
	v3 =	vld.idx.msk [tilespmem:v1+s20+$0x0], $0xffff  }
0x27d: {  	v2 =	vmov s17  }
0x27e: {  	s17 =	simm.s32 $0x2;
	v1 =	vshll.u32 v2, $0x7  }
.LBB2_31:
0x27f: {  	_ = 	snop  }
0x280: {  	p0 =	sne.s32 s17, $0x19F  }
0x281: {  	s9 =	smov.u32 s17;
	s17 =	sadd.s32 $0x1, s17;
	[tilespmem:s16+$0x10] =	vst v3;
	s16 =	sadd.s32 $0x40, s16  }
0x282: {  	v2 =	vld.idx.msk [tilespmem:v2+s30+$0x0], $0xffff;
	_ =	sdelay $0x5  }
0x283: {  	(v2sf) =	vpush v2, $0x0;
	_ =	sdelay $0xe  }
0x284: {  	s10 =	spop (v2sf)  }
0x285: {  	v1 =	vor.u32 v0, v1;
	s10 =	sshll.u32 s10, $0x6  }
0x286: {  	v2 =	vadd.s32 s10, v1;
	s12 =	sor.u32 $0x10, s10;
	s4 =	sor.u32 $0x20, s10;
	s10 =	sor.u32 $0x30, s10  }
0x287: {  	_ =	sdelay $0x3  }
0x288: {  	v2 =	vld.idx.msk [tilespmem:v2+s20+$0x0], $0xffff;
	_ =	sdelay $0x1  }
0x289: {  	v3 =	vadd.s32 s12, v1;
	_ =	sdelay $0x3  }
0x28a: {  	[tilespmem:s16+$0xFFFFFFE0] =	vst v2  }
0x28b: {  	v2 =	vld.idx.msk [tilespmem:v3+s20+$0x0], $0xffff;
	_ =	sdelay $0x1  }
0x28c: {  	v3 =	vadd.s32 s4, v1;
	_ =	sdelay $0x3  }
0x28d: {  	[tilespmem:s16+$0xFFFFFFF0] =	vst v2  }
0x28e: {  	v2 =	vld.idx.msk [tilespmem:v3+s20+$0x0], $0xffff;
	_ =	sdelay $0x1  }
0x28f: {  	v1 =	vadd.s32 s10, v1;
	_ =	sdelay $0x3  }
.Ltmp14:
0x290: {  	[tilespmem:s16+$0x0] =	vst v2;
	(pc) =	sbr.rel @p0 .LBB2_31-.Ltmp14, $3  }
0x291: {  	v3 =	vld.idx.msk [tilespmem:v1+s20+$0x0], $0xffff;
	_ =	sdelay $0x1  }
0x292: {  	v2 =	vmov s9  }
0x293: {  	v1 =	vshll.u32 v2, $0x7  }
0x294: {  	_ =	sdelay $0x2  }
0x295: {  	[tilespmem:s16+$0x10] =	vst v3  }
0x296: {  	v2 =	vld.idx.msk [tilespmem:v2+s30+$0x0], $0xffff;
	_ =	sdelay $0x4  }
0x297: {  	(v2sf) =	vpush v2, $0x0;
	_ =	sdelay $0xe  }
0x298: {  	s4 =	spop (v2sf)  }
0x299: {  	v1 =	vor.u32 v0, v1;
	s4 =	sshll.u32 s4, $0x6  }
0x29a: {  	v2 =	vadd.s32 s4, v1;
	_ =	sdelay $0x4  }
0x29b: {  	s9 =	sor.u32 $0x10, s4;
	v2 =	vld.idx.msk [tilespmem:v2+s20+$0x0], $0xffff  }
0x29c: {  	v3 =	vadd.s32 s9, v1;
	_ =	sdelay $0x2  }
0x29d: {  	s12 =	sadd.s32 $0x40, s16  }
0x29e: {  	[tilespmem:s12+$0xFFFFFFE0] =	vst v2  }
0x29f: {  	s10 =	sor.u32 $0x20, s4;
	v2 =	vld.idx.msk [tilespmem:v3+s20+$0x0], $0xffff  }
0x2a0: {  	v3 =	vadd.s32 s10, v1;
	_ =	sdelay $0x3  }
0x2a1: {  	[tilespmem:s12+$0xFFFFFFF0] =	vst v2  }
0x2a2: {  	s4 =	sor.u32 $0x30, s4;
	v2 =	vld.idx.msk [tilespmem:v3+s20+$0x0], $0xffff  }
0x2a3: {  	v1 =	vadd.s32 s4, v1;
	_ =	sdelay $0x3  }
0x2a4: {  	[tilespmem:s12+$0x0] =	vst v2  }
0x2a5: {  	v1 =	vld.idx.msk [tilespmem:v1+s20+$0x0], $0xffff;
	_ =	sdelay $0x2  }
0x2a6: {  	s16 =	smul.u32 $0x140, s15;
	_ =	sdelay $0x1  }
0x2a7: {  	s4 =	sadd.s32 s7, s16;
	[tilespmem:s12+$0x10] =	vst v1  }
0x2a8: {  	[hbm4b:s4+s31] =	stream.strided.scatter [tilespmem:s1], [sflag:$0x2], $0x3800, s30, s31, $0x38;
	[tilespmem:$0x17C70] =	vst v63  }
0x2a9: {  	_ =	swait.ge [sflag:s14], $0x3800  }
0x2aa: {  	[sflag:s14] =	ssyncset.done $0x0  }
0x2ab: {  	s17 =	sadd.s32 $0x0, s13;
	s9 =	simm.s32 $0xDC70;
	[sflag:s14] =	ssyncadd.s32 $0xFFFFC800  }
0x2ac: {  	[hbm4b:s17+s8] =	stream.linear.scatter [tilespmem:s9], [sflag:$0x2], $0x680, $0x38;
	[tilespmem:$0x17C70] =	vst v63  }
0x2ad: {  	_ =	swait.ge [sflag:s14], $0x680  }
0x2ae: {  	s15 =	simm.s32 $0x140;
	[sflag:s14] =	ssyncset.done $0x0  }
.LBB2_33:
0x2af: {  	s4 =	sadd.s32 s15, s13  }
0x2b0: {  	[sflag:s14] =	ssyncadd.s32 $0xFFFFF980;
	s9 =	sadd.s32 $0x680, s9;
	p0 =	sne.s32 s15, $0x12C0  }
0x2b1: {  	[hbm4b:s4+s8] =	stream.linear.scatter [tilespmem:s9], [sflag:$0x2], $0x680, $0x38;
	[tilespmem:$0x17C70] =	vst v63  }
.Ltmp15:
0x2b2: {  	_ = 	snop;
	(pc) =	sbr.rel @p0 .LBB2_33-.Ltmp15, $4  }
0x2b3: {  	_ = 	snop  }
0x2b4: {  	s15 =	sadd.s32 $0x140, s15  }
0x2b5: {  	_ =	swait.ge [sflag:s14], $0x680  }
0x2b6: {  	[sflag:s14] =	ssyncset.done $0x0  }
0x2b7: {  	s6 =	sadd.s32 $0x1, s6  }
0x2b8: {  	p0 =	sne.s32 s6, $0x20  }
.Ltmp16:
0x2b9: {  	_ = 	snop;
	(pc) =	sbr.rel @p0 .LBB2_2-.Ltmp16, $2  }
0x2ba: {  	_ =	sdelay $0x2  }
0x2bb: {  	[sflag:s14] =	ssyncadd.s32 $0xFFFFF980;
	s13 =	sadd.s32 $0x1400, s13  }
0x2bc: {  	s5 =	sadd.s32 $0x1, s5;
	s4 =	rddreg [dreg:$0xa]  }
0x2bd: {  	p0 =	sne.s32 s5, s4  }
.Ltmp17:
0x2be: {  	_ = 	snop;
	(pc) =	sbr.rel @p0 .LBB2_1-.Ltmp17, $1  }
0x2bf: {  	_ =	sdelay $0x3  }
0x2c0: {  	_ =	sfence.sel $0x180000  }
0x2c1: {  	[bflag:$0x0] =	sbarrier.arrive $0xFFFF  }
0x2c2: {  	_ =	strace $0x90000047  }
0x2c3: {  	s0 =	stileid.u32;
	[bflag:$0x2] =	sbarrier.arrive $0xFFFF  }
0x2c4: {  	p0 =	sne.s32 s0, $0x0;
	s0 =	rddreg [dreg:$0x7]  }
0x2c5: {  	s0 =	sadd.s32 @!p0 $0x100000, s0  }
0x2c6: {  	[sflag:s0] =	ssyncadd.tile.s32 @!p0 $0x1;
	_ =	shalt  }
.Lfunc_end2:
_tile_overlayer_lowered:
.L_overlay_start_2:
0x2c7: {  	(tag) =	ssettag $0x2  }
0x2c8: {  	s0 =	rddreg [dreg:$0x0];
	s2 =	stileid.u32  }
0x2c9: {  	s1 =	rddreg [dreg:$0x1];
	p0 =	sne.s32 s2, $0x0  }
0x2ca: {  	s3 =	rddreg [dreg:$0x2];
	[bflag:$0x3] =	sbarrier.arrive $0xFFFF;
	s2 =	simm.s32 @!p0 $0x1C02  }
0x2cb: {  	[timem:s3], [sflag:s2] =	dma.local @!p0 [hbm:s0], s1  }
0x2cc: {  	s0 =	simm.s32 @!p0 $0x2  }
0x2cd: {  	_ =	swait.ge @!p0 [sflag:s0], s1  }
0x2ce: {  	s1 =	ssub.s32 @!p0 $0x0, s1;
	[sflag:s0] =	ssyncset.done @!p0 $0x0  }
0x2cf: {  	[sflag:s0] =	ssyncadd.s32 @!p0 s1  }
0x2d0: {  	[bflag:$0x3] =	sbarrier.arrive $0xFFFF  }
0x2d1: {  	_ =	shalt  }

// kernel: sparse-core-data-format-call.cloned.1.call-start
scs
called_computation_lowered:
.L_overlay_start_0:
0x0: {  	s2 =	sld [smem:$0x3FD9]  }
0x1: {  	s3 =	sld [smem:$0x3FFE];
	_ =	sdelay $0x1  }
0x2: {  	s1 =	srdreg.scid  }
0x3: {  	s0 =	sand.u32 $0x1, s1  }
0x4: {  	s18 =	sshll.u32 s0, $0xA;
	s2 =	sadd.s32 s3, s2  }
0x5: {  	s2 =	sadd.s32 s2, s18  }
0x6: {  	[smem:$0x3FC1] =	sst s2  }
0x7: {  	_ = 	snop  }
0x8: {  	s2 =	sld [smem:$0x3FD0];
	(tm) =	ssettm $0x1  }
0x9: {  	s19 =	sld [smem:$0x3FFB];
	_ =	sdelay $0x3  }
0xa: {  	_ =	strace s19  }
0xb: {  	s3 =	sld [smem:$0x3FFC];
	_ =	sdelay $0x3  }
0xc: {  	_ =	strace s3  }
0xd: {  	s3 =	sld [smem:$0x3FFD];
	_ =	sdelay $0x3  }
0xe: {  	_ =	strace s3  }
0xf: {  	_ =	strace $0x8FFFFFFF  }
0x10: {  	s20 =	sld [smem:$0x3FDB];
	_ =	sdelay $0x1  }
0x11: {  	s4 =	simm.s32 $_scs_section_size  }
0x12: {  	s5 =	simm.s32 $_size__tile_overlayer_lowered;
	s6 =	simm.s32 $_tile_overlayer_lowered  }
0x13: {  	s23 =	simm.s32 $0x1BFF;
	s22 =	sshll.u32 s6, $0x1;
	s3 =	sadd.s32 s4, s20  }
0x14: {  	s7 =	simm.s32 $0x0;
	s21 =	sshll.u32 s5, $0x1;
	s5 =	sadd.s32 s22, s3  }
0x15: {  	[timem:s7], [sflag:s23] =	dma.local [hbm:s5], s21  }
0x16: {  	_ =	swait.ge [sflag:s23], s21  }
0x17: {  	s4 =	ssub.s32 $0x0, s21;
	[sflag:s23] =	ssyncset.done $0x0  }
0x18: {  	[sflag:s23] =	ssyncadd.s32 s4;
	_ =	sdelay $0x1  }
0x19: {  	s24 =	simm.s32 $0x1B8B  }
0x1a: {  	_ =	swait.ge [sflag:s24], $0x1  }
0x1b: {  	[sflag:s24] =	ssyncset.done $0x0  }
0x1c: {  	s26 =	simm.s32 $0x1B8E;
	s25 =	sld [smem:$0x3FFE];
	[sflag:s24] =	ssyncadd.s32 $0xFFFFFFFF  }
0x1d: {  	s27 =	simm.s32 $execute0_lowered;
	[smem:$0x3FD2] =	sst s26  }
0x1e: {  	s5 =	sshll.u32 s27, $0x1;
	_ =	strace $0x80000049;
	[dreg:$0x1] =	wrdreg $0xFFFFFFFF  }
0x1f: {  	s28 =	simm.s32 $_size_execute0_lowered;
	s3 =	sadd.s32 s3, s5;
	[dreg:$0x0] =	wrdreg $0x0  }
0x20: {  	s5 =	sshll.u32 s28, $0x1;
	[dreg:$0x2] =	wrdreg s3  }
0x21: {  	[dreg:$0x3] =	wrdreg s5  }
0x22: {  	[dreg:$0x4] =	wrdreg $0xC0  }
0x23: {  	_ =	task [dreg:s7], $0x5FFFF  }
0x24: {  	[dreg:$0x1] =	wrdreg $0xFFFFFFFF  }
0x25: {  	[dreg:$0x0] =	wrdreg $0x60  }
0x26: {  	[dreg:$0x2] =	wrdreg s25  }
0x27: {  	[dreg:$0x3] =	wrdreg s2  }
0x28: {  	[dreg:$0x4] =	wrdreg $0x9  }
0x29: {  	_ =	task.clear_ibuf [dreg:s7], $0x5FFFF;
	_ =	strace $0x90000049  }
0x2a: {  	s29 =	simm.s32 $0x9;
	_ =	strace $0x8000004B  }
0x2b: {  	_ =	swait.ge [sflag:s29], $0x1  }
0x2c: {  	[sflag:s29] =	ssyncadd.s32 $0xFFFFFFFF  }
0x2d: {  	_ =	strace $0x9000004B  }
0x2e: {  	_ =	sfence  }
0x2f: {  	s30 =	sld [smem:$0x0];
	_ =	sdelay $0x2  }
0x30: {  	s31 =	sshll.u32 s1, $0xD;
	s1 =	sshrl.u32 s1, $0x2  }
0x31: {  	s3 =	sand.u32 $0x4000, s31;
	s1 =	sadd.s32 s1, s30  }
0x32: {  	s0 =	sor.u32 s3, s0;
	s1 =	sshll.u32 s1, $0x11  }
0x33: {  	s0 =	sor.u32 s1, s0  }
0x34: {  	s0 =	sadd.s32 $0x8F2B, s0  }
0x35: {  	[sflag:s0] =	ssyncadd.remote.s32 $0x1  }
0x36: {  	_ =	sfence.sel $0xFFFF  }
0x37: {  	[dreg:$0x0] =	wrdreg $0xFFFFFFFF;
	(pc) =	sbr.abs _section_cstart, $3  }
0x38: {  	[dreg:$0x1] =	wrdreg $0xFFFFFFFF  }
0x39: {  	_ =	task.clear_ibuf [dreg:s7], $0x2FFFF;
	_ =	strace $0x9FFFFFFF  }
0x3a: {  	(tm) =	ssettm $0x7FFFFFFF  }
0x3b: {  	_ =	shalt  }
tec
execute0_lowered:
.L_overlay_start_1:
0x0: {  	(tag) =	ssettag $0x1  }
0x1: {  	s0 =	srdreg.scid  }
0x2: {  	s1 =	sshll.u32 s0, $0x4  }
0x3: {  	s0 =	stileid.u32;
	s1 =	sand.u32 $0x10, s1  }
0x4: {  	s1 =	sor.u32 s0, s1  }
0x5: {  	s6 =	rddreg [dreg:$0x0];
	s4 =	simm.s32 $0x1;
	s2 =	sshll.u32 s1, $0x7  }
0x6: {  	s7 =	simm.s32 $0x2;
	s12 =	simm.s32 $0x0;
	s1 =	ssub.s32 $0x4000, s2  }
0x7: {  	s8 =	simm.s32 $0x20000;
	s13 =	simm.s32 $0x0;
	s3 =	sand.u32 $0xF80, s1  }
0x8: {  	s9 =	simm.s32 $0x0;
	s5 =	sshrl.u32 s1, $0xC;
	p0 =	sne.s32 s3, $0x0  }
.Ltmp0:
0x9: {  	s1 =	rddreg [dreg:$0x2];
	s4 =	simm.s32 @!p0 $0x0;
	(pc) =	sbr.rel .LBB1_1-.Ltmp0, $4  }
0xa: {  	s11 =	simm.s32 $0x0;
	s3 =	rddreg [dreg:$0x1];
	s5 =	sadd.s32 s4, s5  }
0xb: {  	_ =	strace $0x8000004A;
	s4 =	simm.s32 $0x1;
	s5 =	smul.u32 $0x28, s5  }
0xc: {  	s6 =	sadd.s32 $0x800, s6;
	s10 =	smov.u32 s2;
	[sflag:s4] =	ssyncpa.u1 $0x0  }
0xd: {  	p0 =	por $0x0, $0x0;
	[sflag:s7] =	ssyncpa.u1 $0x0;
	s7 =	sor.u32 $0x1, s5  }
.LBB1_4:
0xe: {  	s16 =	sshll.u32 s13, $0x3;
	s17 =	sand.u32 $0x78, s13  }
0xf: {  	s30 =	sand.u32 $0x1F800, s13;
	s12 =	sshll.u32 s12, $0x11;
	s16 =	sand.u32 $0x3C00, s16  }
0x10: {  	[tilespmem:s15+$0x810 ss:$0x81] =	vst.msk $0xffff, v2;
	s31 =	sand.u32 $0x7, s13;
	s16 =	sor.u32 s17, s16;
	s17 =	sadd.s32 s3, s30  }
0x11: {  	[tilespmem:s15+$0x1020 ss:$0x81] =	vst.msk $0xffff, v0;
	s13 =	sshll.u32 s31, $0x12;
	s12 =	sadd.s32 s12, s17;
	s16 =	sshrl.u32 s16, $0x3  }
0x12: {  	[tilespmem:s15+$0x0 ss:$0x81] =	vst.msk $0xffff, v1;
	s13 =	sor.u32 $0x400, s13;
	s12 =	sadd.s32 s16, s12  }
0x13: {  	[hbm4b:s12+s13] =	stream.strided.scatter [tilespmem:s14], [sflag:$0x2], $0x2000, s8, s13, $0x20;
	[tilespmem:$0x8080] =	vst v63  }
.LBB1_5:
0x14: {  	s14 =	sadd.s32 $0x1, s9  }
0x15: {  	s12 =	sadd.s32 $0x1000, s10;
	s16 =	smov.u32 s10;
	p2 =	sgt.s32 s14, $0x27  }
0x16: {  	s16 =	smov.u32 @p2 s12  }
0x17: {  	s14 =	simm.s32 @p2 $0x0;
	p2 =	sgt.s32 s16, $0x3FFF  }
0x18: {  	s16 =	smov.u32 @p2 s2;
	p2 =	sne.s32 s11, s7  }
.Ltmp1:
0x19: {  	p1 =	slt.u32 s11, $0x2;
	(pc) =	sbr.rel @!p2 .LBB1_6-.Ltmp1, $4  }
0x1a: {  	s15 =	simm.s32 @!p1 $0x2  }
0x1b: {  	s13 =	smov.u32 s10;
	p0 =	por !p0, !p0;
	_ =	swait.ge @!p1 [sflag:s15], $0x2000  }
0x1c: {  	s12 =	smov.u32 s9;
	[sflag:s15] =	ssyncset.done @!p1 $0x0;
	s9 =	smov.u32 s14  }
0x1d: {  	s11 =	sadd.s32 $0x1, s11;
	[sflag:s15] =	ssyncadd.s32 @!p1 $0xFFFFE000;
	s10 =	smov.u32 s16  }
.LBB1_1:
0x1e: {  	p1 =	sge.u32 s11, s5  }
0x1f: {  	s14 =	sand.u32 @!p1 $0x1FFFFFF, s9  }
0x20: {  	s15 =	smulhi.u32 @!p1 $0x6666667, s14;
	_ =	sdelay $0x1  }
0x21: {  	s15 =	smul.u32 @!p1 $0x28, s15  }
0x22: {  	s16 =	sxor.u32 @!p1 $0xFFFFFFFF, s11;
	s17 =	smul.u32 @!p1 $0x280, s10  }
0x23: {  	s31 =	sadd.s32 $0xFFFFFFFF, s11;
	s16 =	sshll.u32 @!p1 s16, $0xD;
	s14 =	ssub.s32 @!p1 s14, s15  }
0x24: {  	s15 =	sand.u32 @!p1 $0x2000, s16;
	s16 =	sadd.s32 @!p1 s6, s17;
	s14 =	sshll.u32 @!p1 s14, $0x4  }
0x25: {  	s17 =	simm.s32 @!p1 $0x1400;
	s14 =	sadd.s32 @!p1 s14, s16;
	s16 =	simm.s32 @!p1 $0x40  }
0x26: {  	[tilespmem:s15], [sflag:$0x1] =	stream.strided.gather @!p1 [hbm4b:s14+s16], $0x2000, s17, s16, $0x38;
	[tilespmem:$0x8080] =	vst v63  }
0x27: {  	p1 =	sge.u32 s31, s5  }
.Ltmp2:
0x28: {  	_ = 	snop;
	(pc) =	sbr.rel @p1 .LBB1_5-.Ltmp2, $1  }
0x29: {  	_ =	sdelay $0x3  }
0x2a: {  	s14 =	simm.s32 $0x1  }
0x2b: {  	_ =	swait.ge [sflag:s4], $0x2000;
	s14 =	simm.s32 @!p0 $0x0  }
0x2c: {  	[sflag:s4] =	ssyncset.done $0x0;
	s15 =	sshll.u32 s14, $0xD  }
0x2d: {  	[sflag:s4] =	ssyncadd.s32 $0xFFFFE000;
	s18 =	sor.u32 $0x20, s15  }
0x2e: {  	s14 =	smul.u32 $0x8100, s14;
	v3 =	vld [tilespmem:s18+$0x10]  }
0x2f: {  	s30 =	sand.u32 $0x1, s11;
	v2 =	vld [tilespmem:s18+$0xFFFFFFF0]  }
0x30: {  	s15 =	smul.u32 $0x8100, s30;
	s14 =	sshrl.u32 s14, $0x2;
	v0 =	vld [tilespmem:s18+$0x0]  }
0x31: {  	v1 =	vld [tilespmem:s18+$0xFFFFFFE0];
	s16 =	sor.u32 $0x4000, s14  }
0x32: {  	s31 =	sshrl.u32 s15, $0x2;
	s15 =	sadd.s32 $0x0, s16  }
0x33: {  	s17 =	simm.s32 $0x4;
	s18 =	sadd.s32 $0x40, s18;
	s14 =	sor.u32 $0x4000, s31;
	[tilespmem:s15+$0x1830 ss:$0x81] =	vst.msk $0xffff, v3  }
.LBB1_3:
0x34: {  	v3 =	vld [tilespmem:s18+$0x10];
	p1 =	sne.s32 s17, $0x1FC;
	[tilespmem:s15+$0x810 ss:$0x81] =	vst.msk $0xffff, v2;
	s19 =	smov.u32 s17;
	s17 =	sadd.s32 $0x4, s17  }
.Ltmp3:
0x35: {  	v2 =	vld [tilespmem:s18+$0xFFFFFFF0];
	[tilespmem:s15+$0x1020 ss:$0x81] =	vst.msk $0xffff, v0;
	(pc) =	sbr.rel @p1 .LBB1_3-.Ltmp3, $4  }
0x36: {  	v0 =	vld [tilespmem:s18+$0x0];
	[tilespmem:s15+$0x0 ss:$0x81] =	vst.msk $0xffff, v1  }
0x37: {  	s15 =	sshra.s32 s19, $0x2;
	v1 =	vld [tilespmem:s18+$0xFFFFFFE0]  }
0x38: {  	s15 =	sadd.s32 s15, s16  }
0x39: {  	s18 =	sadd.s32 $0x40, s18;
	[tilespmem:s15+$0x1830 ss:$0x81] =	vst.msk $0xffff, v3  }
.Ltmp4:
0x3a: {  	_ = 	snop;
	(pc) =	sbr.rel .LBB1_4-.Ltmp4, $1  }
0x3b: {  	_ =	sdelay $0x3  }
.LBB1_6:
0x3c: {  	_ =	sfence.sel $0x180000  }
0x3d: {  	s2 =	simm.s32 $0x1;
	[bflag:$0x0] =	sbarrier.arrive $0xFFFF  }
0x3e: {  	s31 =	simm.s32 $0x2;
	[sflag:s2] =	ssyncpa.u1 $0x1  }
0x3f: {  	[sflag:s31] =	ssyncpa.u1 $0x1  }
0x40: {  	p0 =	sne.s32 s0, $0x0;
	_ =	strace $0x9000004A  }
0x41: {  	s0 =	sadd.s32 @!p0 $0x100000, s1;
	[bflag:$0x2] =	sbarrier.arrive $0xFFFF  }
0x42: {  	[sflag:s0] =	ssyncadd.tile.s32 @!p0 $0x1;
	_ =	shalt  }
.Lfunc_end1:
_tile_overlayer_lowered:
.L_overlay_start_2:
0x43: {  	(tag) =	ssettag $0x2  }
0x44: {  	s0 =	rddreg [dreg:$0x0];
	s2 =	stileid.u32  }
0x45: {  	s1 =	rddreg [dreg:$0x1];
	p0 =	sne.s32 s2, $0x0  }
0x46: {  	s3 =	rddreg [dreg:$0x2];
	[bflag:$0x3] =	sbarrier.arrive $0xFFFF;
	s2 =	simm.s32 @!p0 $0x1C01  }
0x47: {  	[timem:s3], [sflag:s2] =	dma.local @!p0 [hbm:s0], s1  }
0x48: {  	s0 =	simm.s32 @!p0 $0x1  }
0x49: {  	_ =	swait.ge @!p0 [sflag:s0], s1  }
0x4a: {  	s1 =	ssub.s32 @!p0 $0x0, s1;
	[sflag:s0] =	ssyncset.done @!p0 $0x0  }
0x4b: {  	[sflag:s0] =	ssyncadd.s32 @!p0 s1  }
0x4c: {  	[bflag:$0x3] =	sbarrier.arrive $0xFFFF  }
0x4d: {  	_ =	shalt  }

</sc_bundles>
